<compile_context>
chip_gen: v7x
topology: tpu7x:2x2x1
jax: 0.10.2.dev20260603
libtpu: 0.0.44.dev20260713+nightly
codegen_flags: <defaults>
</compile_context>

<pallas_src>
import functools

import jax
import jax.numpy as jnp
from jax import lax
from jax.experimental import pallas as pl
from jax.experimental.pallas import tpu as pltpu
from jax.experimental.pallas import tpu_sc as plsc

N_CORES = 2
N_SUBCORES = 16
N_WORKERS = N_CORES * N_SUBCORES
CHUNK = 128
NBUF = 3
LANES = 16


def _sc_knn_message(x, src_idx, dst_idx):
    E = src_idx.shape[0]
    D = x.shape[1]
    per_w = E // N_WORKERS
    n_full = per_w // CHUNK
    n_rounds = n_full // NBUF
    tail = per_w - n_full * CHUNK
    assert per_w * N_WORKERS == E and n_rounds * NBUF == n_full
    assert tail % 8 == 0

    mesh = plsc.VectorSubcoreMesh(
        core_axis_name="c", subcore_axis_name="s", num_cores=N_CORES
    )

    scratch = [
        pltpu.VMEM((per_w,), jnp.int32),
        pltpu.VMEM((per_w,), jnp.int32),
        pltpu.VMEM((NBUF, CHUNK, D), jnp.float32),
        pltpu.VMEM((NBUF, CHUNK, D), jnp.float32),
    ]
    scratch += [pltpu.SemaphoreType.DMA] * (2 * NBUF)

    @functools.partial(
        pl.kernel,
        mesh=mesh,
        out_type=jax.ShapeDtypeStruct((E, 2 * D), jnp.float32),
        scratch_types=scratch,
    )
    def k(x_hbm, sidx_hbm, didx_hbm, out_hbm, sidx_v, didx_v, srows_v, drows_v,
          *sems):
        gsem = sems[:NBUF]
        osem = sems[NBUF:]
        wid = lax.axis_index("s") * N_CORES + lax.axis_index("c")
        base_w = wid * per_w

        pltpu.sync_copy(sidx_hbm.at[pl.ds(base_w, per_w)], sidx_v)
        pltpu.sync_copy(didx_hbm.at[pl.ds(base_w, per_w)], didx_v)

        def fire_gather(g, b, n=CHUNK):
            off = (g * NBUF + b) * CHUNK
            pltpu.async_copy(x_hbm.at[sidx_v.at[pl.ds(off, n)]],
                             srows_v.at[b, pl.ds(0, n)], gsem[b])
            pltpu.async_copy(x_hbm.at[didx_v.at[pl.ds(off, n)]],
                             drows_v.at[b, pl.ds(0, n)], gsem[b])

        def wait_gather(b, n=CHUNK):
            dummy = x_hbm.at[pl.ds(0, n)]
            pltpu.make_async_copy(dummy, srows_v.at[b, pl.ds(0, n)],
                                  gsem[b]).wait()
            pltpu.make_async_copy(dummy, drows_v.at[b, pl.ds(0, n)],
                                  gsem[b]).wait()

        def fire_out(g, b, n=CHUNK):
            base = base_w + (g * NBUF + b) * CHUNK
            pltpu.async_copy(drows_v.at[b, pl.ds(0, n)],
                             out_hbm.at[pl.ds(base, n), pl.ds(0, D)], osem[b])
            pltpu.async_copy(srows_v.at[b, pl.ds(0, n)],
                             out_hbm.at[pl.ds(base, n), pl.ds(D, D)], osem[b])

        def wait_out(b, n=CHUNK):
            dummy = out_hbm.at[pl.ds(0, n), pl.ds(0, D)]
            pltpu.make_async_copy(srows_v.at[b, pl.ds(0, n)], dummy,
                                  osem[b]).wait()
            pltpu.make_async_copy(drows_v.at[b, pl.ds(0, n)], dummy,
                                  osem[b]).wait()

        def compute(b, n=CHUNK):
            def edge_body(e, carry):
                for grp in range(D // LANES):
                    sl = pl.ds(grp * LANES, LANES)
                    s = srows_v[b, e, sl]
                    d = drows_v[b, e, sl]
                    drows_v[b, e, sl] = s - d
                return carry

            lax.fori_loop(0, n, edge_body, 0, unroll=2)

        for b in range(NBUF):
            fire_gather(0, b)

        def round_body(g, carry):
            for b in range(NBUF):
                wait_gather(b)
                compute(b)
                fire_out(g, b)
            for b in range(NBUF):
                wait_out(b)

                @pl.when(g + 1 < n_rounds)
                def _():
                    fire_gather(g + 1, b)

            return carry

        lax.fori_loop(0, n_rounds, round_body, 0)

        fire_gather(n_rounds, 0, tail)
        wait_gather(0, tail)
        compute(0, tail)
        fire_out(n_rounds, 0, tail)
        wait_out(0, tail)

    return k(x, src_idx, dst_idx)


def kernel(x, edge_index):
    src = edge_index[0].astype(jnp.int32)
    dst = edge_index[1].astype(jnp.int32)
    return _sc_knn_message(x, src, dst)

# --- scband reference (transcript-rebuilt; emitter-appended) ---
"""Pipeline reference for scband-knnmessage-62199716381214 (READ-ONLY COPY).

The authoritative reference and input builder live on the scoring server;
editing this copy changes nothing except your own understanding.
"""

import jax, jax.numpy as jnp
import numpy as np

N_NODES = 10000
N_EDGES = 320000
D_FEAT = 128

def setup_inputs(seed: int = 0) -> dict:
    key = jax.random.key(seed)
    k1, k2 = jax.random.split(key)
    x = jax.random.normal(k1, (N_NODES, D_FEAT), dtype=jnp.float32)
    edge_index = jax.random.randint(k2, (2, N_EDGES), 0, N_NODES, dtype=jnp.int64)
    return {"x": x, "edge_index": edge_index}

def reference(x, edge_index):
    # DGL message function semantics:
    # edges.src['feat'] -> x gathered at source node indices
    # edges.dst['feat'] -> x gathered at destination node indices
    src_feat = jnp.take(x, edge_index[0], axis=0)  # [E, d]
    dst_feat = jnp.take(x, edge_index[1], axis=0)  # [E, d]
    norm = src_feat - dst_feat
    # 'feat' is present in edges.src, so concat branch is taken
    agg_feat = jnp.concatenate([norm, src_feat], axis=1)  # [E, 2d]
    return agg_feat

if __name__ == "__main__":
    import jax
    _d = setup_inputs()
    print(jax.jit(kernel)(*tuple(_d.values())))

</pallas_src>

<mosaic_0001>
#map = affine_map<(d0, d1) -> (0, 0)>
#map1 = affine_map<(d0, d1) -> (0)>
module attributes {stable_mosaic.version = 14 : i64} {
  func.func @k(%arg0: i32, %arg1: i32, %arg2: memref<10000x128xf32, #tpu.memory_space<hbm>>, %arg3: memref<320000xi32, #tpu.memory_space<hbm>>, %arg4: memref<320000xi32, #tpu.memory_space<hbm>>, %arg5: memref<320000x256xf32, #tpu.memory_space<hbm>>, %arg6: memref<10000xi32, #tpu.memory_space<vmem>>, %arg7: memref<10000xi32, #tpu.memory_space<vmem>>, %arg8: memref<3x128x128xf32, #tpu.memory_space<vmem>>, %arg9: memref<3x128x128xf32, #tpu.memory_space<vmem>>, %arg10: memref<!tpu.dma_semaphore, #tpu.memory_space<semaphore_mem>>, %arg11: memref<!tpu.dma_semaphore, #tpu.memory_space<semaphore_mem>>, %arg12: memref<!tpu.dma_semaphore, #tpu.memory_space<semaphore_mem>>, %arg13: memref<!tpu.dma_semaphore, #tpu.memory_space<semaphore_mem>>, %arg14: memref<!tpu.dma_semaphore, #tpu.memory_space<semaphore_mem>>, %arg15: memref<!tpu.dma_semaphore, #tpu.memory_space<semaphore_mem>>) attributes {dimension_semantics = [#tpu.dimension_semantics<core_parallel>, #tpu.dimension_semantics<subcore_parallel>], iteration_bounds = array<i64: 2, 16>, scalar_prefetch = 0 : i64, scratch_operands = 10 : i64, tpu.core_type = #tpu.core_type<sc_vector_subcore>, window_params = [{transform_indices = #map}, {transform_indices = #map1}, {transform_indices = #map1}, {transform_indices = #map}]} {
    %mul3A = arith.constant 2 : i32
    %mul3A_0 = arith.muli %arg1, %mul3A : i32
    %add3A = arith.addi %mul3A_0, %arg0 : i32
    %mul3A_1 = arith.constant 10000 : i32
    %mul3A_2 = arith.muli %add3A, %mul3A_1 : i32
    "tpu.region"() ({
      %run_scoped3A = tpu.sem_alloc : memref<!tpu.dma_semaphore, #tpu.memory_space<semaphore_mem>>
      %dma_start3A_180 = tpu.memref_slice %arg3[%mul3A_2] : memref<320000xi32, #tpu.memory_space<hbm>> -> memref<10000xi32, #tpu.memory_space<hbm>>
      %dma_start3A_181 = tpu.memref_slice %arg3[%mul3A_2] : memref<320000xi32, #tpu.memory_space<hbm>> -> memref<10000xi32, #tpu.memory_space<hbm>>
      tpu.enqueue_dma source(%dma_start3A_181 : memref<10000xi32, #tpu.memory_space<hbm>>) target(%arg6 : memref<10000xi32, #tpu.memory_space<vmem>>) target_semaphore(%run_scoped3A : memref<!tpu.dma_semaphore, #tpu.memory_space<semaphore_mem>>)
      %dma_wait3A_182 = tpu.memref_slice %arg3[%mul3A_2] : memref<320000xi32, #tpu.memory_space<hbm>> -> memref<10000xi32, #tpu.memory_space<hbm>>
      %dma_wait3A_183 = tpu.memref_slice %arg3[%mul3A_2] : memref<320000xi32, #tpu.memory_space<hbm>> -> memref<10000xi32, #tpu.memory_space<hbm>>
      tpu.wait_dma2 semaphore(%run_scoped3A : memref<!tpu.dma_semaphore, #tpu.memory_space<semaphore_mem>>) src(%dma_wait3A_183 : memref<10000xi32, #tpu.memory_space<hbm>>) dst(%arg6 : memref<10000xi32, #tpu.memory_space<vmem>>)
      tpu.yield
    }) : () -> ()
    "tpu.region"() ({
      %run_scoped3A = tpu.sem_alloc : memref<!tpu.dma_semaphore, #tpu.memory_space<semaphore_mem>>
      %dma_start3A_180 = tpu.memref_slice %arg4[%mul3A_2] : memref<320000xi32, #tpu.memory_space<hbm>> -> memref<10000xi32, #tpu.memory_space<hbm>>
      %dma_start3A_181 = tpu.memref_slice %arg4[%mul3A_2] : memref<320000xi32, #tpu.memory_space<hbm>> -> memref<10000xi32, #tpu.memory_space<hbm>>
      tpu.enqueue_dma source(%dma_start3A_181 : memref<10000xi32, #tpu.memory_space<hbm>>) target(%arg7 : memref<10000xi32, #tpu.memory_space<vmem>>) target_semaphore(%run_scoped3A : memref<!tpu.dma_semaphore, #tpu.memory_space<semaphore_mem>>)
      %dma_wait3A_182 = tpu.memref_slice %arg4[%mul3A_2] : memref<320000xi32, #tpu.memory_space<hbm>> -> memref<10000xi32, #tpu.memory_space<hbm>>
      %dma_wait3A_183 = tpu.memref_slice %arg4[%mul3A_2] : memref<320000xi32, #tpu.memory_space<hbm>> -> memref<10000xi32, #tpu.memory_space<hbm>>
      tpu.wait_dma2 semaphore(%run_scoped3A : memref<!tpu.dma_semaphore, #tpu.memory_space<semaphore_mem>>) src(%dma_wait3A_183 : memref<10000xi32, #tpu.memory_space<hbm>>) dst(%arg7 : memref<10000xi32, #tpu.memory_space<vmem>>)
      tpu.yield
    }) : () -> ()
    %dma_start3A = arith.constant 0 : i32
    %dma_start3A_3 = arith.constant 0 : i32
    %dma_start3A_4 = arith.constant 0 : i32
    %dma_start3A_5 = tpu.memref_slice %arg8[%dma_start3A, %dma_start3A_3, %dma_start3A_4] : memref<3x128x128xf32, #tpu.memory_space<vmem>> -> memref<1x128x128xf32, #tpu.memory_space<vmem>>
    %dma_start3A_6 = tpu.memref_squeeze %dma_start3A_5 : memref<1x128x128xf32, #tpu.memory_space<vmem>> -> memref<128x128xf32, #tpu.memory_space<vmem>>
    %dma_start3A_7 = arith.constant 0 : i32
    %dma_start3A_8 = tpu.memref_slice %arg6[%dma_start3A_7] : memref<10000xi32, #tpu.memory_space<vmem>> -> memref<128xi32, #tpu.memory_space<vmem>>
    %dma_start3A_9 = arith.constant 0 : i32
    %dma_start3A_10 = arith.constant 0 : i32
    %dma_start3A_11 = tpu.memref_slice %arg2[%dma_start3A_9, %dma_start3A_10] : memref<10000x128xf32, #tpu.memory_space<hbm>> -> memref<10000x128xf32, #tpu.memory_space<hbm>>
    tpu.enqueue_indirect_dma source(%dma_start3A_11 : memref<10000x128xf32, #tpu.memory_space<hbm>>) target(%dma_start3A_6 : memref<128x128xf32, #tpu.memory_space<vmem>>) offsets(%dma_start3A_8 : memref<128xi32, #tpu.memory_space<vmem>>) semaphore(%arg10 : memref<!tpu.dma_semaphore, #tpu.memory_space<semaphore_mem>>)
    %dma_start3A_12 = arith.constant 0 : i32
    %dma_start3A_13 = arith.constant 0 : i32
    %dma_start3A_14 = arith.constant 0 : i32
    %dma_start3A_15 = tpu.memref_slice %arg9[%dma_start3A_12, %dma_start3A_13, %dma_start3A_14] : memref<3x128x128xf32, #tpu.memory_space<vmem>> -> memref<1x128x128xf32, #tpu.memory_space<vmem>>
    %dma_start3A_16 = tpu.memref_squeeze %dma_start3A_15 : memref<1x128x128xf32, #tpu.memory_space<vmem>> -> memref<128x128xf32, #tpu.memory_space<vmem>>
    %dma_start3A_17 = arith.constant 0 : i32
    %dma_start3A_18 = tpu.memref_slice %arg7[%dma_start3A_17] : memref<10000xi32, #tpu.memory_space<vmem>> -> memref<128xi32, #tpu.memory_space<vmem>>
    %dma_start3A_19 = arith.constant 0 : i32
    %dma_start3A_20 = arith.constant 0 : i32
    %dma_start3A_21 = tpu.memref_slice %arg2[%dma_start3A_19, %dma_start3A_20] : memref<10000x128xf32, #tpu.memory_space<hbm>> -> memref<10000x128xf32, #tpu.memory_space<hbm>>
    tpu.enqueue_indirect_dma source(%dma_start3A_21 : memref<10000x128xf32, #tpu.memory_space<hbm>>) target(%dma_start3A_16 : memref<128x128xf32, #tpu.memory_space<vmem>>) offsets(%dma_start3A_18 : memref<128xi32, #tpu.memory_space<vmem>>) semaphore(%arg10 : memref<!tpu.dma_semaphore, #tpu.memory_space<semaphore_mem>>)
    %dma_start3A_22 = arith.constant 1 : i32
    %dma_start3A_23 = arith.constant 0 : i32
    %dma_start3A_24 = arith.constant 0 : i32
    %dma_start3A_25 = tpu.memref_slice %arg8[%dma_start3A_22, %dma_start3A_23, %dma_start3A_24] : memref<3x128x128xf32, #tpu.memory_space<vmem>> -> memref<1x128x128xf32, #tpu.memory_space<vmem>>
    %dma_start3A_26 = tpu.memref_squeeze %dma_start3A_25 : memref<1x128x128xf32, #tpu.memory_space<vmem>> -> memref<128x128xf32, #tpu.memory_space<vmem>>
    %dma_start3A_27 = arith.constant 128 : i32
    %dma_start3A_28 = tpu.memref_slice %arg6[%dma_start3A_27] : memref<10000xi32, #tpu.memory_space<vmem>> -> memref<128xi32, #tpu.memory_space<vmem>>
    %dma_start3A_29 = arith.constant 0 : i32
    %dma_start3A_30 = arith.constant 0 : i32
    %dma_start3A_31 = tpu.memref_slice %arg2[%dma_start3A_29, %dma_start3A_30] : memref<10000x128xf32, #tpu.memory_space<hbm>> -> memref<10000x128xf32, #tpu.memory_space<hbm>>
    tpu.enqueue_indirect_dma source(%dma_start3A_31 : memref<10000x128xf32, #tpu.memory_space<hbm>>) target(%dma_start3A_26 : memref<128x128xf32, #tpu.memory_space<vmem>>) offsets(%dma_start3A_28 : memref<128xi32, #tpu.memory_space<vmem>>) semaphore(%arg11 : memref<!tpu.dma_semaphore, #tpu.memory_space<semaphore_mem>>)
    %dma_start3A_32 = arith.constant 1 : i32
    %dma_start3A_33 = arith.constant 0 : i32
    %dma_start3A_34 = arith.constant 0 : i32
    %dma_start3A_35 = tpu.memref_slice %arg9[%dma_start3A_32, %dma_start3A_33, %dma_start3A_34] : memref<3x128x128xf32, #tpu.memory_space<vmem>> -> memref<1x128x128xf32, #tpu.memory_space<vmem>>
    %dma_start3A_36 = tpu.memref_squeeze %dma_start3A_35 : memref<1x128x128xf32, #tpu.memory_space<vmem>> -> memref<128x128xf32, #tpu.memory_space<vmem>>
    %dma_start3A_37 = arith.constant 128 : i32
    %dma_start3A_38 = tpu.memref_slice %arg7[%dma_start3A_37] : memref<10000xi32, #tpu.memory_space<vmem>> -> memref<128xi32, #tpu.memory_space<vmem>>
    %dma_start3A_39 = arith.constant 0 : i32
    %dma_start3A_40 = arith.constant 0 : i32
    %dma_start3A_41 = tpu.memref_slice %arg2[%dma_start3A_39, %dma_start3A_40] : memref<10000x128xf32, #tpu.memory_space<hbm>> -> memref<10000x128xf32, #tpu.memory_space<hbm>>
    tpu.enqueue_indirect_dma source(%dma_start3A_41 : memref<10000x128xf32, #tpu.memory_space<hbm>>) target(%dma_start3A_36 : memref<128x128xf32, #tpu.memory_space<vmem>>) offsets(%dma_start3A_38 : memref<128xi32, #tpu.memory_space<vmem>>) semaphore(%arg11 : memref<!tpu.dma_semaphore, #tpu.memory_space<semaphore_mem>>)
    %dma_start3A_42 = arith.constant 2 : i32
    %dma_start3A_43 = arith.constant 0 : i32
    %dma_start3A_44 = arith.constant 0 : i32
    %dma_start3A_45 = tpu.memref_slice %arg8[%dma_start3A_42, %dma_start3A_43, %dma_start3A_44] : memref<3x128x128xf32, #tpu.memory_space<vmem>> -> memref<1x128x128xf32, #tpu.memory_space<vmem>>
    %dma_start3A_46 = tpu.memref_squeeze %dma_start3A_45 : memref<1x128x128xf32, #tpu.memory_space<vmem>> -> memref<128x128xf32, #tpu.memory_space<vmem>>
    %dma_start3A_47 = arith.constant 256 : i32
    %dma_start3A_48 = tpu.memref_slice %arg6[%dma_start3A_47] : memref<10000xi32, #tpu.memory_space<vmem>> -> memref<128xi32, #tpu.memory_space<vmem>>
    %dma_start3A_49 = arith.constant 0 : i32
    %dma_start3A_50 = arith.constant 0 : i32
    %dma_start3A_51 = tpu.memref_slice %arg2[%dma_start3A_49, %dma_start3A_50] : memref<10000x128xf32, #tpu.memory_space<hbm>> -> memref<10000x128xf32, #tpu.memory_space<hbm>>
    tpu.enqueue_indirect_dma source(%dma_start3A_51 : memref<10000x128xf32, #tpu.memory_space<hbm>>) target(%dma_start3A_46 : memref<128x128xf32, #tpu.memory_space<vmem>>) offsets(%dma_start3A_48 : memref<128xi32, #tpu.memory_space<vmem>>) semaphore(%arg12 : memref<!tpu.dma_semaphore, #tpu.memory_space<semaphore_mem>>)
    %dma_start3A_52 = arith.constant 2 : i32
    %dma_start3A_53 = arith.constant 0 : i32
    %dma_start3A_54 = arith.constant 0 : i32
    %dma_start3A_55 = tpu.memref_slice %arg9[%dma_start3A_52, %dma_start3A_53, %dma_start3A_54] : memref<3x128x128xf32, #tpu.memory_space<vmem>> -> memref<1x128x128xf32, #tpu.memory_space<vmem>>
    %dma_start3A_56 = tpu.memref_squeeze %dma_start3A_55 : memref<1x128x128xf32, #tpu.memory_space<vmem>> -> memref<128x128xf32, #tpu.memory_space<vmem>>
    %dma_start3A_57 = arith.constant 256 : i32
    %dma_start3A_58 = tpu.memref_slice %arg7[%dma_start3A_57] : memref<10000xi32, #tpu.memory_space<vmem>> -> memref<128xi32, #tpu.memory_space<vmem>>
    %dma_start3A_59 = arith.constant 0 : i32
    %dma_start3A_60 = arith.constant 0 : i32
    %dma_start3A_61 = tpu.memref_slice %arg2[%dma_start3A_59, %dma_start3A_60] : memref<10000x128xf32, #tpu.memory_space<hbm>> -> memref<10000x128xf32, #tpu.memory_space<hbm>>
    tpu.enqueue_indirect_dma source(%dma_start3A_61 : memref<10000x128xf32, #tpu.memory_space<hbm>>) target(%dma_start3A_56 : memref<128x128xf32, #tpu.memory_space<vmem>>) offsets(%dma_start3A_58 : memref<128xi32, #tpu.memory_space<vmem>>) semaphore(%arg12 : memref<!tpu.dma_semaphore, #tpu.memory_space<semaphore_mem>>)
    %scan3A = arith.constant 0 : i32
    %scan3A_62 = arith.constant 0 : i32
    %scan3A_63 = arith.constant 26 : i32
    %scan3A_64 = arith.addi %scan3A_62, %scan3A_63 : i32
    %scan3A_65 = arith.constant 1 : i32
    scf.for %scan3A_180 = %scan3A_62 to %scan3A_64 step %scan3A_65  : i32 {
      %dma_wait3A_181 = arith.constant 0 : i32
      %dma_wait3A_182 = arith.constant 0 : i32
      %dma_wait3A_183 = arith.constant 0 : i32
      %dma_wait3A_184 = tpu.memref_slice %arg8[%dma_wait3A_181, %dma_wait3A_182, %dma_wait3A_183] : memref<3x128x128xf32, #tpu.memory_space<vmem>> -> memref<1x128x128xf32, #tpu.memory_space<vmem>>
      %dma_wait3A_185 = tpu.memref_squeeze %dma_wait3A_184 : memref<1x128x128xf32, #tpu.memory_space<vmem>> -> memref<128x128xf32, #tpu.memory_space<vmem>>
      %dma_wait3A_186 = arith.constant 0 : i32
      %dma_wait3A_187 = arith.constant 0 : i32
      %dma_wait3A_188 = tpu.memref_slice %arg2[%dma_wait3A_186, %dma_wait3A_187] : memref<10000x128xf32, #tpu.memory_space<hbm>> -> memref<128x128xf32, #tpu.memory_space<hbm>>
      %dma_wait3A_189 = arith.constant 0 : i32
      %dma_wait3A_190 = arith.constant 0 : i32
      %dma_wait3A_191 = tpu.memref_slice %arg8[%dma_wait3A_181, %dma_wait3A_189, %dma_wait3A_190] : memref<3x128x128xf32, #tpu.memory_space<vmem>> -> memref<1x128x128xf32, #tpu.memory_space<vmem>>
      %dma_wait3A_192 = tpu.memref_squeeze %dma_wait3A_191 : memref<1x128x128xf32, #tpu.memory_space<vmem>> -> memref<128x128xf32, #tpu.memory_space<vmem>>
      %dma_wait3A_193 = arith.constant 0 : i32
      %dma_wait3A_194 = arith.constant 0 : i32
      %dma_wait3A_195 = tpu.memref_slice %arg2[%dma_wait3A_193, %dma_wait3A_194] : memref<10000x128xf32, #tpu.memory_space<hbm>> -> memref<128x128xf32, #tpu.memory_space<hbm>>
      tpu.wait_dma2 semaphore(%arg10 : memref<!tpu.dma_semaphore, #tpu.memory_space<semaphore_mem>>) src(%dma_wait3A_195 : memref<128x128xf32, #tpu.memory_space<hbm>>) dst(%dma_wait3A_192 : memref<128x128xf32, #tpu.memory_space<vmem>>)
      %dma_wait3A_196 = arith.constant 0 : i32
      %dma_wait3A_197 = arith.constant 0 : i32
      %dma_wait3A_198 = arith.constant 0 : i32
      %dma_wait3A_199 = tpu.memref_slice %arg9[%dma_wait3A_196, %dma_wait3A_197, %dma_wait3A_198] : memref<3x128x128xf32, #tpu.memory_space<vmem>> -> memref<1x128x128xf32, #tpu.memory_space<vmem>>
      %dma_wait3A_200 = tpu.memref_squeeze %dma_wait3A_199 : memref<1x128x128xf32, #tpu.memory_space<vmem>> -> memref<128x128xf32, #tpu.memory_space<vmem>>
      %dma_wait3A_201 = arith.constant 0 : i32
      %dma_wait3A_202 = arith.constant 0 : i32
      %dma_wait3A_203 = tpu.memref_slice %arg2[%dma_wait3A_201, %dma_wait3A_202] : memref<10000x128xf32, #tpu.memory_space<hbm>> -> memref<128x128xf32, #tpu.memory_space<hbm>>
      %dma_wait3A_204 = arith.constant 0 : i32
      %dma_wait3A_205 = arith.constant 0 : i32
      %dma_wait3A_206 = tpu.memref_slice %arg9[%dma_wait3A_196, %dma_wait3A_204, %dma_wait3A_205] : memref<3x128x128xf32, #tpu.memory_space<vmem>> -> memref<1x128x128xf32, #tpu.memory_space<vmem>>
      %dma_wait3A_207 = tpu.memref_squeeze %dma_wait3A_206 : memref<1x128x128xf32, #tpu.memory_space<vmem>> -> memref<128x128xf32, #tpu.memory_space<vmem>>
      %dma_wait3A_208 = arith.constant 0 : i32
      %dma_wait3A_209 = arith.constant 0 : i32
      %dma_wait3A_210 = tpu.memref_slice %arg2[%dma_wait3A_208, %dma_wait3A_209] : memref<10000x128xf32, #tpu.memory_space<hbm>> -> memref<128x128xf32, #tpu.memory_space<hbm>>
      tpu.wait_dma2 semaphore(%arg10 : memref<!tpu.dma_semaphore, #tpu.memory_space<semaphore_mem>>) src(%dma_wait3A_210 : memref<128x128xf32, #tpu.memory_space<hbm>>) dst(%dma_wait3A_207 : memref<128x128xf32, #tpu.memory_space<vmem>>)
      %scan3A_211 = arith.constant 0 : i32
      %scan3A_212 = arith.constant 0 : i32
      %scan3A_213 = arith.constant 128 : i32
      %scan3A_214 = arith.addi %scan3A_212, %scan3A_213 : i32
      %scan3A_215 = arith.constant 2 : i32
      scf.for %scan3A_496 = %scan3A_212 to %scan3A_214 step %scan3A_215  : i32 {
        %get3A = arith.constant 0 : i32
        %get3A_497 = arith.index_cast %get3A : i32 to index
        %get3A_498 = arith.index_cast %scan3A_496 : i32 to index
        %get3A_499 = arith.constant 0 : index
        %get3A_500 = tpu.vector_load %arg8[%get3A_497, %get3A_498, %get3A_499] {strides = array<i32>} : memref<3x128x128xf32, #tpu.memory_space<vmem>>, vector<1x1x16xf32>,
        %get3A_501 = vector.shape_cast %get3A_500 : vector<1x1x16xf32> to vector<16xf32>
        %get3A_502 = arith.constant 0 : i32
        %get3A_503 = arith.index_cast %get3A_502 : i32 to index
        %get3A_504 = arith.index_cast %scan3A_496 : i32 to index
        %get3A_505 = arith.constant 0 : index
        %get3A_506 = tpu.vector_load %arg9[%get3A_503, %get3A_504, %get3A_505] {strides = array<i32>} : memref<3x128x128xf32, #tpu.memory_space<vmem>>, vector<1x1x16xf32>,
        %get3A_507 = vector.shape_cast %get3A_506 : vector<1x1x16xf32> to vector<16xf32>
        %sub3A = arith.subf %get3A_501, %get3A_507 : vector<16xf32>
        %swap3A = arith.constant 0 : i32
        %swap3A_508 = arith.index_cast %swap3A : i32 to index
        %swap3A_509 = arith.index_cast %scan3A_496 : i32 to index
        %swap3A_510 = arith.constant 0 : index
        %swap3A_511 = tpu.vector_load %arg9[%swap3A_508, %swap3A_509, %swap3A_510] {strides = array<i32>} : memref<3x128x128xf32, #tpu.memory_space<vmem>>, vector<1x1x16xf32>,
        %swap3A_512 = vector.shape_cast %swap3A_511 : vector<1x1x16xf32> to vector<16xf32>
        %swap3A_513 = vector.shape_cast %sub3A : vector<16xf32> to vector<1x1x16xf32>
        tpu.vector_store %arg9[%swap3A_508, %swap3A_509, %swap3A_510], %swap3A_513 {strides = array<i32>} : memref<3x128x128xf32, #tpu.memory_space<vmem>>, vector<1x1x16xf32>,
        %get3A_514 = arith.constant 0 : i32
        %get3A_515 = arith.index_cast %get3A_514 : i32 to index
        %get3A_516 = arith.index_cast %scan3A_496 : i32 to index
        %get3A_517 = arith.constant 16 : index
        %get3A_518 = tpu.vector_load %arg8[%get3A_515, %get3A_516, %get3A_517] {strides = array<i32>} : memref<3x128x128xf32, #tpu.memory_space<vmem>>, vector<1x1x16xf32>,
        %get3A_519 = vector.shape_cast %get3A_518 : vector<1x1x16xf32> to vector<16xf32>
        %get3A_520 = arith.constant 0 : i32
        %get3A_521 = arith.index_cast %get3A_520 : i32 to index
        %get3A_522 = arith.index_cast %scan3A_496 : i32 to index
        %get3A_523 = arith.constant 16 : index
        %get3A_524 = tpu.vector_load %arg9[%get3A_521, %get3A_522, %get3A_523] {strides = array<i32>} : memref<3x128x128xf32, #tpu.memory_space<vmem>>, vector<1x1x16xf32>,
        %get3A_525 = vector.shape_cast %get3A_524 : vector<1x1x16xf32> to vector<16xf32>
        %sub3A_526 = arith.subf %get3A_519, %get3A_525 : vector<16xf32>
        %swap3A_527 = arith.constant 0 : i32
        %swap3A_528 = arith.index_cast %swap3A_527 : i32 to index
        %swap3A_529 = arith.index_cast %scan3A_496 : i32 to index
        %swap3A_530 = arith.constant 16 : index
        %swap3A_531 = tpu.vector_load %arg9[%swap3A_528, %swap3A_529, %swap3A_530] {strides = array<i32>} : memref<3x128x128xf32, #tpu.memory_space<vmem>>, vector<1x1x16xf32>,
        %swap3A_532 = vector.shape_cast %swap3A_531 : vector<1x1x16xf32> to vector<16xf32>
        %swap3A_533 = vector.shape_cast %sub3A_526 : vector<16xf32> to vector<1x1x16xf32>
        tpu.vector_store %arg9[%swap3A_528, %swap3A_529, %swap3A_530], %swap3A_533 {strides = array<i32>} : memref<3x128x128xf32, #tpu.memory_space<vmem>>, vector<1x1x16xf32>,
        %get3A_534 = arith.constant 0 : i32
        %get3A_535 = arith.index_cast %get3A_534 : i32 to index
        %get3A_536 = arith.index_cast %scan3A_496 : i32 to index
        %get3A_537 = arith.constant 32 : index
        %get3A_538 = tpu.vector_load %arg8[%get3A_535, %get3A_536, %get3A_537] {strides = array<i32>} : memref<3x128x128xf32, #tpu.memory_space<vmem>>, vector<1x1x16xf32>,
        %get3A_539 = vector.shape_cast %get3A_538 : vector<1x1x16xf32> to vector<16xf32>
        %get3A_540 = arith.constant 0 : i32
        %get3A_541 = arith.index_cast %get3A_540 : i32 to index
        %get3A_542 = arith.index_cast %scan3A_496 : i32 to index
        %get3A_543 = arith.constant 32 : index
        %get3A_544 = tpu.vector_load %arg9[%get3A_541, %get3A_542, %get3A_543] {strides = array<i32>} : memref<3x128x128xf32, #tpu.memory_space<vmem>>, vector<1x1x16xf32>,
        %get3A_545 = vector.shape_cast %get3A_544 : vector<1x1x16xf32> to vector<16xf32>
        %sub3A_546 = arith.subf %get3A_539, %get3A_545 : vector<16xf32>
        %swap3A_547 = arith.constant 0 : i32
        %swap3A_548 = arith.index_cast %swap3A_547 : i32 to index
        %swap3A_549 = arith.index_cast %scan3A_496 : i32 to index
        %swap3A_550 = arith.constant 32 : index
        %swap3A_551 = tpu.vector_load %arg9[%swap3A_548, %swap3A_549, %swap3A_550] {strides = array<i32>} : memref<3x128x128xf32, #tpu.memory_space<vmem>>, vector<1x1x16xf32>,
        %swap3A_552 = vector.shape_cast %swap3A_551 : vector<1x1x16xf32> to vector<16xf32>
        %swap3A_553 = vector.shape_cast %sub3A_546 : vector<16xf32> to vector<1x1x16xf32>
        tpu.vector_store %arg9[%swap3A_548, %swap3A_549, %swap3A_550], %swap3A_553 {strides = array<i32>} : memref<3x128x128xf32, #tpu.memory_space<vmem>>, vector<1x1x16xf32>,
        %get3A_554 = arith.constant 0 : i32
        %get3A_555 = arith.index_cast %get3A_554 : i32 to index
        %get3A_556 = arith.index_cast %scan3A_496 : i32 to index
        %get3A_557 = arith.constant 48 : index
        %get3A_558 = tpu.vector_load %arg8[%get3A_555, %get3A_556, %get3A_557] {strides = array<i32>} : memref<3x128x128xf32, #tpu.memory_space<vmem>>, vector<1x1x16xf32>,
        %get3A_559 = vector.shape_cast %get3A_558 : vector<1x1x16xf32> to vector<16xf32>
        %get3A_560 = arith.constant 0 : i32
        %get3A_561 = arith.index_cast %get3A_560 : i32 to index
        %get3A_562 = arith.index_cast %scan3A_496 : i32 to index
        %get3A_563 = arith.constant 48 : index
        %get3A_564 = tpu.vector_load %arg9[%get3A_561, %get3A_562, %get3A_563] {strides = array<i32>} : memref<3x128x128xf32, #tpu.memory_space<vmem>>, vector<1x1x16xf32>,
        %get3A_565 = vector.shape_cast %get3A_564 : vector<1x1x16xf32> to vector<16xf32>
        %sub3A_566 = arith.subf %get3A_559, %get3A_565 : vector<16xf32>
        %swap3A_567 = arith.constant 0 : i32
        %swap3A_568 = arith.index_cast %swap3A_567 : i32 to index
        %swap3A_569 = arith.index_cast %scan3A_496 : i32 to index
        %swap3A_570 = arith.constant 48 : index
        %swap3A_571 = tpu.vector_load %arg9[%swap3A_568, %swap3A_569, %swap3A_570] {strides = array<i32>} : memref<3x128x128xf32, #tpu.memory_space<vmem>>, vector<1x1x16xf32>,
        %swap3A_572 = vector.shape_cast %swap3A_571 : vector<1x1x16xf32> to vector<16xf32>
        %swap3A_573 = vector.shape_cast %sub3A_566 : vector<16xf32> to vector<1x1x16xf32>
        tpu.vector_store %arg9[%swap3A_568, %swap3A_569, %swap3A_570], %swap3A_573 {strides = array<i32>} : memref<3x128x128xf32, #tpu.memory_space<vmem>>, vector<1x1x16xf32>,
        %get3A_574 = arith.constant 0 : i32
        %get3A_575 = arith.index_cast %get3A_574 : i32 to index
        %get3A_576 = arith.index_cast %scan3A_496 : i32 to index
        %get3A_577 = arith.constant 64 : index
        %get3A_578 = tpu.vector_load %arg8[%get3A_575, %get3A_576, %get3A_577] {strides = array<i32>} : memref<3x128x128xf32, #tpu.memory_space<vmem>>, vector<1x1x16xf32>,
        %get3A_579 = vector.shape_cast %get3A_578 : vector<1x1x16xf32> to vector<16xf32>
        %get3A_580 = arith.constant 0 : i32
        %get3A_581 = arith.index_cast %get3A_580 : i32 to index
        %get3A_582 = arith.index_cast %scan3A_496 : i32 to index
        %get3A_583 = arith.constant 64 : index
        %get3A_584 = tpu.vector_load %arg9[%get3A_581, %get3A_582, %get3A_583] {strides = array<i32>} : memref<3x128x128xf32, #tpu.memory_space<vmem>>, vector<1x1x16xf32>,
        %get3A_585 = vector.shape_cast %get3A_584 : vector<1x1x16xf32> to vector<16xf32>
        %sub3A_586 = arith.subf %get3A_579, %get3A_585 : vector<16xf32>
        %swap3A_587 = arith.constant 0 : i32
        %swap3A_588 = arith.index_cast %swap3A_587 : i32 to index
        %swap3A_589 = arith.index_cast %scan3A_496 : i32 to index
        %swap3A_590 = arith.constant 64 : index
        %swap3A_591 = tpu.vector_load %arg9[%swap3A_588, %swap3A_589, %swap3A_590] {strides = array<i32>} : memref<3x128x128xf32, #tpu.memory_space<vmem>>, vector<1x1x16xf32>,
        %swap3A_592 = vector.shape_cast %swap3A_591 : vector<1x1x16xf32> to vector<16xf32>
        %swap3A_593 = vector.shape_cast %sub3A_586 : vector<16xf32> to vector<1x1x16xf32>
        tpu.vector_store %arg9[%swap3A_588, %swap3A_589, %swap3A_590], %swap3A_593 {strides = array<i32>} : memref<3x128x128xf32, #tpu.memory_space<vmem>>, vector<1x1x16xf32>,
        %get3A_594 = arith.constant 0 : i32
        %get3A_595 = arith.index_cast %get3A_594 : i32 to index
        %get3A_596 = arith.index_cast %scan3A_496 : i32 to index
        %get3A_597 = arith.constant 80 : index
        %get3A_598 = tpu.vector_load %arg8[%get3A_595, %get3A_596, %get3A_597] {strides = array<i32>} : memref<3x128x128xf32, #tpu.memory_space<vmem>>, vector<1x1x16xf32>,
        %get3A_599 = vector.shape_cast %get3A_598 : vector<1x1x16xf32> to vector<16xf32>
        %get3A_600 = arith.constant 0 : i32
        %get3A_601 = arith.index_cast %get3A_600 : i32 to index
        %get3A_602 = arith.index_cast %scan3A_496 : i32 to index
        %get3A_603 = arith.constant 80 : index
        %get3A_604 = tpu.vector_load %arg9[%get3A_601, %get3A_602, %get3A_603] {strides = array<i32>} : memref<3x128x128xf32, #tpu.memory_space<vmem>>, vector<1x1x16xf32>,
        %get3A_605 = vector.shape_cast %get3A_604 : vector<1x1x16xf32> to vector<16xf32>
        %sub3A_606 = arith.subf %get3A_599, %get3A_605 : vector<16xf32>
        %swap3A_607 = arith.constant 0 : i32
        %swap3A_608 = arith.index_cast %swap3A_607 : i32 to index
        %swap3A_609 = arith.index_cast %scan3A_496 : i32 to index
        %swap3A_610 = arith.constant 80 : index
        %swap3A_611 = tpu.vector_load %arg9[%swap3A_608, %swap3A_609, %swap3A_610] {strides = array<i32>} : memref<3x128x128xf32, #tpu.memory_space<vmem>>, vector<1x1x16xf32>,
        %swap3A_612 = vector.shape_cast %swap3A_611 : vector<1x1x16xf32> to vector<16xf32>
        %swap3A_613 = vector.shape_cast %sub3A_606 : vector<16xf32> to vector<1x1x16xf32>
        tpu.vector_store %arg9[%swap3A_608, %swap3A_609, %swap3A_610], %swap3A_613 {strides = array<i32>} : memref<3x128x128xf32, #tpu.memory_space<vmem>>, vector<1x1x16xf32>,
        %get3A_614 = arith.constant 0 : i32
        %get3A_615 = arith.index_cast %get3A_614 : i32 to index
        %get3A_616 = arith.index_cast %scan3A_496 : i32 to index
        %get3A_617 = arith.constant 96 : index
        %get3A_618 = tpu.vector_load %arg8[%get3A_615, %get3A_616, %get3A_617] {strides = array<i32>} : memref<3x128x128xf32, #tpu.memory_space<vmem>>, vector<1x1x16xf32>,
        %get3A_619 = vector.shape_cast %get3A_618 : vector<1x1x16xf32> to vector<16xf32>
        %get3A_620 = arith.constant 0 : i32
        %get3A_621 = arith.index_cast %get3A_620 : i32 to index
        %get3A_622 = arith.index_cast %scan3A_496 : i32 to index
        %get3A_623 = arith.constant 96 : index
        %get3A_624 = tpu.vector_load %arg9[%get3A_621, %get3A_622, %get3A_623] {strides = array<i32>} : memref<3x128x128xf32, #tpu.memory_space<vmem>>, vector<1x1x16xf32>,
        %get3A_625 = vector.shape_cast %get3A_624 : vector<1x1x16xf32> to vector<16xf32>
        %sub3A_626 = arith.subf %get3A_619, %get3A_625 : vector<16xf32>
        %swap3A_627 = arith.constant 0 : i32
        %swap3A_628 = arith.index_cast %swap3A_627 : i32 to index
        %swap3A_629 = arith.index_cast %scan3A_496 : i32 to index
        %swap3A_630 = arith.constant 96 : index
        %swap3A_631 = tpu.vector_load %arg9[%swap3A_628, %swap3A_629, %swap3A_630] {strides = array<i32>} : memref<3x128x128xf32, #tpu.memory_space<vmem>>, vector<1x1x16xf32>,
        %swap3A_632 = vector.shape_cast %swap3A_631 : vector<1x1x16xf32> to vector<16xf32>
        %swap3A_633 = vector.shape_cast %sub3A_626 : vector<16xf32> to vector<1x1x16xf32>
        tpu.vector_store %arg9[%swap3A_628, %swap3A_629, %swap3A_630], %swap3A_633 {strides = array<i32>} : memref<3x128x128xf32, #tpu.memory_space<vmem>>, vector<1x1x16xf32>,
        %get3A_634 = arith.constant 0 : i32
        %get3A_635 = arith.index_cast %get3A_634 : i32 to index
        %get3A_636 = arith.index_cast %scan3A_496 : i32 to index
        %get3A_637 = arith.constant 112 : index
        %get3A_638 = tpu.vector_load %arg8[%get3A_635, %get3A_636, %get3A_637] {strides = array<i32>} : memref<3x128x128xf32, #tpu.memory_space<vmem>>, vector<1x1x16xf32>,
        %get3A_639 = vector.shape_cast %get3A_638 : vector<1x1x16xf32> to vector<16xf32>
        %get3A_640 = arith.constant 0 : i32
        %get3A_641 = arith.index_cast %get3A_640 : i32 to index
        %get3A_642 = arith.index_cast %scan3A_496 : i32 to index
        %get3A_643 = arith.constant 112 : index
        %get3A_644 = tpu.vector_load %arg9[%get3A_641, %get3A_642, %get3A_643] {strides = array<i32>} : memref<3x128x128xf32, #tpu.memory_space<vmem>>, vector<1x1x16xf32>,
        %get3A_645 = vector.shape_cast %get3A_644 : vector<1x1x16xf32> to vector<16xf32>
        %sub3A_646 = arith.subf %get3A_639, %get3A_645 : vector<16xf32>
        %swap3A_647 = arith.constant 0 : i32
        %swap3A_648 = arith.index_cast %swap3A_647 : i32 to index
        %swap3A_649 = arith.index_cast %scan3A_496 : i32 to index
        %swap3A_650 = arith.constant 112 : index
        %swap3A_651 = tpu.vector_load %arg9[%swap3A_648, %swap3A_649, %swap3A_650] {strides = array<i32>} : memref<3x128x128xf32, #tpu.memory_space<vmem>>, vector<1x1x16xf32>,
        %swap3A_652 = vector.shape_cast %swap3A_651 : vector<1x1x16xf32> to vector<16xf32>
        %swap3A_653 = vector.shape_cast %sub3A_646 : vector<16xf32> to vector<1x1x16xf32>
        tpu.vector_store %arg9[%swap3A_648, %swap3A_649, %swap3A_650], %swap3A_653 {strides = array<i32>} : memref<3x128x128xf32, #tpu.memory_space<vmem>>, vector<1x1x16xf32>,
        %scan3A_654 = arith.constant 1 : i32
        %scan3A_655 = arith.addi %scan3A_496, %scan3A_654 : i32
        %get3A_656 = arith.constant 0 : i32
        %get3A_657 = arith.index_cast %get3A_656 : i32 to index
        %get3A_658 = arith.index_cast %scan3A_655 : i32 to index
        %get3A_659 = arith.constant 0 : index
        %get3A_660 = tpu.vector_load %arg8[%get3A_657, %get3A_658, %get3A_659] {strides = array<i32>} : memref<3x128x128xf32, #tpu.memory_space<vmem>>, vector<1x1x16xf32>,
        %get3A_661 = vector.shape_cast %get3A_660 : vector<1x1x16xf32> to vector<16xf32>
        %get3A_662 = arith.constant 0 : i32
        %get3A_663 = arith.index_cast %get3A_662 : i32 to index
        %get3A_664 = arith.index_cast %scan3A_655 : i32 to index
        %get3A_665 = arith.constant 0 : index
        %get3A_666 = tpu.vector_load %arg9[%get3A_663, %get3A_664, %get3A_665] {strides = array<i32>} : memref<3x128x128xf32, #tpu.memory_space<vmem>>, vector<1x1x16xf32>,
        %get3A_667 = vector.shape_cast %get3A_666 : vector<1x1x16xf32> to vector<16xf32>
        %sub3A_668 = arith.subf %get3A_661, %get3A_667 : vector<16xf32>
        %swap3A_669 = arith.constant 0 : i32
        %swap3A_670 = arith.index_cast %swap3A_669 : i32 to index
        %swap3A_671 = arith.index_cast %scan3A_655 : i32 to index
        %swap3A_672 = arith.constant 0 : index
        %swap3A_673 = tpu.vector_load %arg9[%swap3A_670, %swap3A_671, %swap3A_672] {strides = array<i32>} : memref<3x128x128xf32, #tpu.memory_space<vmem>>, vector<1x1x16xf32>,
        %swap3A_674 = vector.shape_cast %swap3A_673 : vector<1x1x16xf32> to vector<16xf32>
        %swap3A_675 = vector.shape_cast %sub3A_668 : vector<16xf32> to vector<1x1x16xf32>
        tpu.vector_store %arg9[%swap3A_670, %swap3A_671, %swap3A_672], %swap3A_675 {strides = array<i32>} : memref<3x128x128xf32, #tpu.memory_space<vmem>>, vector<1x1x16xf32>,
        %get3A_676 = arith.constant 0 : i32
        %get3A_677 = arith.index_cast %get3A_676 : i32 to index
        %get3A_678 = arith.index_cast %scan3A_655 : i32 to index
        %get3A_679 = arith.constant 16 : index
        %get3A_680 = tpu.vector_load %arg8[%get3A_677, %get3A_678, %get3A_679] {strides = array<i32>} : memref<3x128x128xf32, #tpu.memory_space<vmem>>, vector<1x1x16xf32>,
        %get3A_681 = vector.shape_cast %get3A_680 : vector<1x1x16xf32> to vector<16xf32>
        %get3A_682 = arith.constant 0 : i32
        %get3A_683 = arith.index_cast %get3A_682 : i32 to index
        %get3A_684 = arith.index_cast %scan3A_655 : i32 to index
        %get3A_685 = arith.constant 16 : index
        %get3A_686 = tpu.vector_load %arg9[%get3A_683, %get3A_684, %get3A_685] {strides = array<i32>} : memref<3x128x128xf32, #tpu.memory_space<vmem>>, vector<1x1x16xf32>,
        %get3A_687 = vector.shape_cast %get3A_686 : vector<1x1x16xf32> to vector<16xf32>
        %sub3A_688 = arith.subf %get3A_681, %get3A_687 : vector<16xf32>
        %swap3A_689 = arith.constant 0 : i32
        %swap3A_690 = arith.index_cast %swap3A_689 : i32 to index
        %swap3A_691 = arith.index_cast %scan3A_655 : i32 to index
        %swap3A_692 = arith.constant 16 : index
        %swap3A_693 = tpu.vector_load %arg9[%swap3A_690, %swap3A_691, %swap3A_692] {strides = array<i32>} : memref<3x128x128xf32, #tpu.memory_space<vmem>>, vector<1x1x16xf32>,
        %swap3A_694 = vector.shape_cast %swap3A_693 : vector<1x1x16xf32> to vector<16xf32>
        %swap3A_695 = vector.shape_cast %sub3A_688 : vector<16xf32> to vector<1x1x16xf32>
        tpu.vector_store %arg9[%swap3A_690, %swap3A_691, %swap3A_692], %swap3A_695 {strides = array<i32>} : memref<3x128x128xf32, #tpu.memory_space<vmem>>, vector<1x1x16xf32>,
        %get3A_696 = arith.constant 0 : i32
        %get3A_697 = arith.index_cast %get3A_696 : i32 to index
        %get3A_698 = arith.index_cast %scan3A_655 : i32 to index
        %get3A_699 = arith.constant 32 : index
        %get3A_700 = tpu.vector_load %arg8[%get3A_697, %get3A_698, %get3A_699] {strides = array<i32>} : memref<3x128x128xf32, #tpu.memory_space<vmem>>, vector<1x1x16xf32>,
        %get3A_701 = vector.shape_cast %get3A_700 : vector<1x1x16xf32> to vector<16xf32>
        %get3A_702 = arith.constant 0 : i32
        %get3A_703 = arith.index_cast %get3A_702 : i32 to index
        %get3A_704 = arith.index_cast %scan3A_655 : i32 to index
        %get3A_705 = arith.constant 32 : index
        %get3A_706 = tpu.vector_load %arg9[%get3A_703, %get3A_704, %get3A_705] {strides = array<i32>} : memref<3x128x128xf32, #tpu.memory_space<vmem>>, vector<1x1x16xf32>,
        %get3A_707 = vector.shape_cast %get3A_706 : vector<1x1x16xf32> to vector<16xf32>
        %sub3A_708 = arith.subf %get3A_701, %get3A_707 : vector<16xf32>
        %swap3A_709 = arith.constant 0 : i32
        %swap3A_710 = arith.index_cast %swap3A_709 : i32 to index
        %swap3A_711 = arith.index_cast %scan3A_655 : i32 to index
        %swap3A_712 = arith.constant 32 : index
        %swap3A_713 = tpu.vector_load %arg9[%swap3A_710, %swap3A_711, %swap3A_712] {strides = array<i32>} : memref<3x128x128xf32, #tpu.memory_space<vmem>>, vector<1x1x16xf32>,
        %swap3A_714 = vector.shape_cast %swap3A_713 : vector<1x1x16xf32> to vector<16xf32>
        %swap3A_715 = vector.shape_cast %sub3A_708 : vector<16xf32> to vector<1x1x16xf32>
        tpu.vector_store %arg9[%swap3A_710, %swap3A_711, %swap3A_712], %swap3A_715 {strides = array<i32>} : memref<3x128x128xf32, #tpu.memory_space<vmem>>, vector<1x1x16xf32>,
        %get3A_716 = arith.constant 0 : i32
        %get3A_717 = arith.index_cast %get3A_716 : i32 to index
        %get3A_718 = arith.index_cast %scan3A_655 : i32 to index
        %get3A_719 = arith.constant 48 : index
        %get3A_720 = tpu.vector_load %arg8[%get3A_717, %get3A_718, %get3A_719] {strides = array<i32>} : memref<3x128x128xf32, #tpu.memory_space<vmem>>, vector<1x1x16xf32>,
        %get3A_721 = vector.shape_cast %get3A_720 : vector<1x1x16xf32> to vector<16xf32>
        %get3A_722 = arith.constant 0 : i32
        %get3A_723 = arith.index_cast %get3A_722 : i32 to index
        %get3A_724 = arith.index_cast %scan3A_655 : i32 to index
        %get3A_725 = arith.constant 48 : index
        %get3A_726 = tpu.vector_load %arg9[%get3A_723, %get3A_724, %get3A_725] {strides = array<i32>} : memref<3x128x128xf32, #tpu.memory_space<vmem>>, vector<1x1x16xf32>,
        %get3A_727 = vector.shape_cast %get3A_726 : vector<1x1x16xf32> to vector<16xf32>
        %sub3A_728 = arith.subf %get3A_721, %get3A_727 : vector<16xf32>
        %swap3A_729 = arith.constant 0 : i32
        %swap3A_730 = arith.index_cast %swap3A_729 : i32 to index
        %swap3A_731 = arith.index_cast %scan3A_655 : i32 to index
        %swap3A_732 = arith.constant 48 : index
        %swap3A_733 = tpu.vector_load %arg9[%swap3A_730, %swap3A_731, %swap3A_732] {strides = array<i32>} : memref<3x128x128xf32, #tpu.memory_space<vmem>>, vector<1x1x16xf32>,
        %swap3A_734 = vector.shape_cast %swap3A_733 : vector<1x1x16xf32> to vector<16xf32>
        %swap3A_735 = vector.shape_cast %sub3A_728 : vector<16xf32> to vector<1x1x16xf32>
        tpu.vector_store %arg9[%swap3A_730, %swap3A_731, %swap3A_732], %swap3A_735 {strides = array<i32>} : memref<3x128x128xf32, #tpu.memory_space<vmem>>, vector<1x1x16xf32>,
        %get3A_736 = arith.constant 0 : i32
        %get3A_737 = arith.index_cast %get3A_736 : i32 to index
        %get3A_738 = arith.index_cast %scan3A_655 : i32 to index
        %get3A_739 = arith.constant 64 : index
        %get3A_740 = tpu.vector_load %arg8[%get3A_737, %get3A_738, %get3A_739] {strides = array<i32>} : memref<3x128x128xf32, #tpu.memory_space<vmem>>, vector<1x1x16xf32>,
        %get3A_741 = vector.shape_cast %get3A_740 : vector<1x1x16xf32> to vector<16xf32>
        %get3A_742 = arith.constant 0 : i32
        %get3A_743 = arith.index_cast %get3A_742 : i32 to index
        %get3A_744 = arith.index_cast %scan3A_655 : i32 to index
        %get3A_745 = arith.constant 64 : index
        %get3A_746 = tpu.vector_load %arg9[%get3A_743, %get3A_744, %get3A_745] {strides = array<i32>} : memref<3x128x128xf32, #tpu.memory_space<vmem>>, vector<1x1x16xf32>,
        %get3A_747 = vector.shape_cast %get3A_746 : vector<1x1x16xf32> to vector<16xf32>
        %sub3A_748 = arith.subf %get3A_741, %get3A_747 : vector<16xf32>
        %swap3A_749 = arith.constant 0 : i32
        %swap3A_750 = arith.index_cast %swap3A_749 : i32 to index
        %swap3A_751 = arith.index_cast %scan3A_655 : i32 to index
        %swap3A_752 = arith.constant 64 : index
        %swap3A_753 = tpu.vector_load %arg9[%swap3A_750, %swap3A_751, %swap3A_752] {strides = array<i32>} : memref<3x128x128xf32, #tpu.memory_space<vmem>>, vector<1x1x16xf32>,
        %swap3A_754 = vector.shape_cast %swap3A_753 : vector<1x1x16xf32> to vector<16xf32>
        %swap3A_755 = vector.shape_cast %sub3A_748 : vector<16xf32> to vector<1x1x16xf32>
        tpu.vector_store %arg9[%swap3A_750, %swap3A_751, %swap3A_752], %swap3A_755 {strides = array<i32>} : memref<3x128x128xf32, #tpu.memory_space<vmem>>, vector<1x1x16xf32>,
        %get3A_756 = arith.constant 0 : i32
        %get3A_757 = arith.index_cast %get3A_756 : i32 to index
        %get3A_758 = arith.index_cast %scan3A_655 : i32 to index
        %get3A_759 = arith.constant 80 : index
        %get3A_760 = tpu.vector_load %arg8[%get3A_757, %get3A_758, %get3A_759] {strides = array<i32>} : memref<3x128x128xf32, #tpu.memory_space<vmem>>, vector<1x1x16xf32>,
        %get3A_761 = vector.shape_cast %get3A_760 : vector<1x1x16xf32> to vector<16xf32>
        %get3A_762 = arith.constant 0 : i32
        %get3A_763 = arith.index_cast %get3A_762 : i32 to index
        %get3A_764 = arith.index_cast %scan3A_655 : i32 to index
        %get3A_765 = arith.constant 80 : index
        %get3A_766 = tpu.vector_load %arg9[%get3A_763, %get3A_764, %get3A_765] {strides = array<i32>} : memref<3x128x128xf32, #tpu.memory_space<vmem>>, vector<1x1x16xf32>,
        %get3A_767 = vector.shape_cast %get3A_766 : vector<1x1x16xf32> to vector<16xf32>
        %sub3A_768 = arith.subf %get3A_761, %get3A_767 : vector<16xf32>
        %swap3A_769 = arith.constant 0 : i32
        %swap3A_770 = arith.index_cast %swap3A_769 : i32 to index
        %swap3A_771 = arith.index_cast %scan3A_655 : i32 to index
        %swap3A_772 = arith.constant 80 : index
        %swap3A_773 = tpu.vector_load %arg9[%swap3A_770, %swap3A_771, %swap3A_772] {strides = array<i32>} : memref<3x128x128xf32, #tpu.memory_space<vmem>>, vector<1x1x16xf32>,
        %swap3A_774 = vector.shape_cast %swap3A_773 : vector<1x1x16xf32> to vector<16xf32>
        %swap3A_775 = vector.shape_cast %sub3A_768 : vector<16xf32> to vector<1x1x16xf32>
        tpu.vector_store %arg9[%swap3A_770, %swap3A_771, %swap3A_772], %swap3A_775 {strides = array<i32>} : memref<3x128x128xf32, #tpu.memory_space<vmem>>, vector<1x1x16xf32>,
        %get3A_776 = arith.constant 0 : i32
        %get3A_777 = arith.index_cast %get3A_776 : i32 to index
        %get3A_778 = arith.index_cast %scan3A_655 : i32 to index
        %get3A_779 = arith.constant 96 : index
        %get3A_780 = tpu.vector_load %arg8[%get3A_777, %get3A_778, %get3A_779] {strides = array<i32>} : memref<3x128x128xf32, #tpu.memory_space<vmem>>, vector<1x1x16xf32>,
        %get3A_781 = vector.shape_cast %get3A_780 : vector<1x1x16xf32> to vector<16xf32>
        %get3A_782 = arith.constant 0 : i32
        %get3A_783 = arith.index_cast %get3A_782 : i32 to index
        %get3A_784 = arith.index_cast %scan3A_655 : i32 to index
        %get3A_785 = arith.constant 96 : index
        %get3A_786 = tpu.vector_load %arg9[%get3A_783, %get3A_784, %get3A_785] {strides = array<i32>} : memref<3x128x128xf32, #tpu.memory_space<vmem>>, vector<1x1x16xf32>,
        %get3A_787 = vector.shape_cast %get3A_786 : vector<1x1x16xf32> to vector<16xf32>
        %sub3A_788 = arith.subf %get3A_781, %get3A_787 : vector<16xf32>
        %swap3A_789 = arith.constant 0 : i32
        %swap3A_790 = arith.index_cast %swap3A_789 : i32 to index
        %swap3A_791 = arith.index_cast %scan3A_655 : i32 to index
        %swap3A_792 = arith.constant 96 : index
        %swap3A_793 = tpu.vector_load %arg9[%swap3A_790, %swap3A_791, %swap3A_792] {strides = array<i32>} : memref<3x128x128xf32, #tpu.memory_space<vmem>>, vector<1x1x16xf32>,
        %swap3A_794 = vector.shape_cast %swap3A_793 : vector<1x1x16xf32> to vector<16xf32>
        %swap3A_795 = vector.shape_cast %sub3A_788 : vector<16xf32> to vector<1x1x16xf32>
        tpu.vector_store %arg9[%swap3A_790, %swap3A_791, %swap3A_792], %swap3A_795 {strides = array<i32>} : memref<3x128x128xf32, #tpu.memory_space<vmem>>, vector<1x1x16xf32>,
        %get3A_796 = arith.constant 0 : i32
        %get3A_797 = arith.index_cast %get3A_796 : i32 to index
        %get3A_798 = arith.index_cast %scan3A_655 : i32 to index
        %get3A_799 = arith.constant 112 : index
        %get3A_800 = tpu.vector_load %arg8[%get3A_797, %get3A_798, %get3A_799] {strides = array<i32>} : memref<3x128x128xf32, #tpu.memory_space<vmem>>, vector<1x1x16xf32>,
        %get3A_801 = vector.shape_cast %get3A_800 : vector<1x1x16xf32> to vector<16xf32>
        %get3A_802 = arith.constant 0 : i32
        %get3A_803 = arith.index_cast %get3A_802 : i32 to index
        %get3A_804 = arith.index_cast %scan3A_655 : i32 to index
        %get3A_805 = arith.constant 112 : index
        %get3A_806 = tpu.vector_load %arg9[%get3A_803, %get3A_804, %get3A_805] {strides = array<i32>} : memref<3x128x128xf32, #tpu.memory_space<vmem>>, vector<1x1x16xf32>,
        %get3A_807 = vector.shape_cast %get3A_806 : vector<1x1x16xf32> to vector<16xf32>
        %sub3A_808 = arith.subf %get3A_801, %get3A_807 : vector<16xf32>
        %swap3A_809 = arith.constant 0 : i32
        %swap3A_810 = arith.index_cast %swap3A_809 : i32 to index
        %swap3A_811 = arith.index_cast %scan3A_655 : i32 to index
        %swap3A_812 = arith.constant 112 : index
        %swap3A_813 = tpu.vector_load %arg9[%swap3A_810, %swap3A_811, %swap3A_812] {strides = array<i32>} : memref<3x128x128xf32, #tpu.memory_space<vmem>>, vector<1x1x16xf32>,
        %swap3A_814 = vector.shape_cast %swap3A_813 : vector<1x1x16xf32> to vector<16xf32>
        %swap3A_815 = vector.shape_cast %sub3A_808 : vector<16xf32> to vector<1x1x16xf32>
        tpu.vector_store %arg9[%swap3A_810, %swap3A_811, %swap3A_812], %swap3A_815 {strides = array<i32>} : memref<3x128x128xf32, #tpu.memory_space<vmem>>, vector<1x1x16xf32>,
      }
      %scan3A_216 = arith.constant 128 : i32
      %mul3A_217 = arith.constant 3 : i32
      %mul3A_218 = arith.muli %scan3A_180, %mul3A_217 : i32
      %add3A_219 = arith.constant 0 : i32
      %add3A_220 = arith.addi %mul3A_218, %add3A_219 : i32
      %mul3A_221 = arith.constant 128 : i32
      %mul3A_222 = arith.muli %add3A_220, %mul3A_221 : i32
      %add3A_223 = arith.addi %mul3A_2, %mul3A_222 : i32
      %dma_start3A_224 = arith.constant 0 : i32
      %dma_start3A_225 = arith.constant 0 : i32
      %dma_start3A_226 = arith.constant 0 : i32
      %dma_start3A_227 = tpu.memref_slice %arg9[%dma_start3A_224, %dma_start3A_225, %dma_start3A_226] : memref<3x128x128xf32, #tpu.memory_space<vmem>> -> memref<1x128x128xf32, #tpu.memory_space<vmem>>
      %dma_start3A_228 = tpu.memref_squeeze %dma_start3A_227 : memref<1x128x128xf32, #tpu.memory_space<vmem>> -> memref<128x128xf32, #tpu.memory_space<vmem>>
      %dma_start3A_229 = arith.constant 0 : i32
      %dma_start3A_230 = tpu.memref_slice %arg5[%add3A_223, %dma_start3A_229] : memref<320000x256xf32, #tpu.memory_space<hbm>> -> memref<128x128xf32, #tpu.memory_space<hbm>>
      %dma_start3A_231 = arith.constant 0 : i32
      %dma_start3A_232 = tpu.memref_slice %arg5[%add3A_223, %dma_start3A_231] : memref<320000x256xf32, #tpu.memory_space<hbm>> -> memref<128x128xf32, #tpu.memory_space<hbm>>
      %dma_start3A_233 = arith.constant 0 : i32
      %dma_start3A_234 = arith.constant 0 : i32
      %dma_start3A_235 = tpu.memref_slice %arg9[%dma_start3A_224, %dma_start3A_233, %dma_start3A_234] : memref<3x128x128xf32, #tpu.memory_space<vmem>> -> memref<1x128x128xf32, #tpu.memory_space<vmem>>
      %dma_start3A_236 = tpu.memref_squeeze %dma_start3A_235 : memref<1x128x128xf32, #tpu.memory_space<vmem>> -> memref<128x128xf32, #tpu.memory_space<vmem>>
      tpu.enqueue_dma source(%dma_start3A_236 : memref<128x128xf32, #tpu.memory_space<vmem>>) target(%dma_start3A_232 : memref<128x128xf32, #tpu.memory_space<hbm>>) target_semaphore(%arg13 : memref<!tpu.dma_semaphore, #tpu.memory_space<semaphore_mem>>)
      %dma_start3A_237 = arith.constant 0 : i32
      %dma_start3A_238 = arith.constant 0 : i32
      %dma_start3A_239 = arith.constant 0 : i32
      %dma_start3A_240 = tpu.memref_slice %arg8[%dma_start3A_237, %dma_start3A_238, %dma_start3A_239] : memref<3x128x128xf32, #tpu.memory_space<vmem>> -> memref<1x128x128xf32, #tpu.memory_space<vmem>>
      %dma_start3A_241 = tpu.memref_squeeze %dma_start3A_240 : memref<1x128x128xf32, #tpu.memory_space<vmem>> -> memref<128x128xf32, #tpu.memory_space<vmem>>
      %dma_start3A_242 = arith.constant 128 : i32
      %dma_start3A_243 = tpu.memref_slice %arg5[%add3A_223, %dma_start3A_242] : memref<320000x256xf32, #tpu.memory_space<hbm>> -> memref<128x128xf32, #tpu.memory_space<hbm>>
      %dma_start3A_244 = arith.constant 128 : i32
      %dma_start3A_245 = tpu.memref_slice %arg5[%add3A_223, %dma_start3A_244] : memref<320000x256xf32, #tpu.memory_space<hbm>> -> memref<128x128xf32, #tpu.memory_space<hbm>>
      %dma_start3A_246 = arith.constant 0 : i32
      %dma_start3A_247 = arith.constant 0 : i32
      %dma_start3A_248 = tpu.memref_slice %arg8[%dma_start3A_237, %dma_start3A_246, %dma_start3A_247] : memref<3x128x128xf32, #tpu.memory_space<vmem>> -> memref<1x128x128xf32, #tpu.memory_space<vmem>>
      %dma_start3A_249 = tpu.memref_squeeze %dma_start3A_248 : memref<1x128x128xf32, #tpu.memory_space<vmem>> -> memref<128x128xf32, #tpu.memory_space<vmem>>
      tpu.enqueue_dma source(%dma_start3A_249 : memref<128x128xf32, #tpu.memory_space<vmem>>) target(%dma_start3A_245 : memref<128x128xf32, #tpu.memory_space<hbm>>) target_semaphore(%arg13 : memref<!tpu.dma_semaphore, #tpu.memory_space<semaphore_mem>>)
      %dma_wait3A_250 = arith.constant 1 : i32
      %dma_wait3A_251 = arith.constant 0 : i32
      %dma_wait3A_252 = arith.constant 0 : i32
      %dma_wait3A_253 = tpu.memref_slice %arg8[%dma_wait3A_250, %dma_wait3A_251, %dma_wait3A_252] : memref<3x128x128xf32, #tpu.memory_space<vmem>> -> memref<1x128x128xf32, #tpu.memory_space<vmem>>
      %dma_wait3A_254 = tpu.memref_squeeze %dma_wait3A_253 : memref<1x128x128xf32, #tpu.memory_space<vmem>> -> memref<128x128xf32, #tpu.memory_space<vmem>>
      %dma_wait3A_255 = arith.constant 0 : i32
      %dma_wait3A_256 = arith.constant 0 : i32
      %dma_wait3A_257 = tpu.memref_slice %arg2[%dma_wait3A_255, %dma_wait3A_256] : memref<10000x128xf32, #tpu.memory_space<hbm>> -> memref<128x128xf32, #tpu.memory_space<hbm>>
      %dma_wait3A_258 = arith.constant 0 : i32
      %dma_wait3A_259 = arith.constant 0 : i32
      %dma_wait3A_260 = tpu.memref_slice %arg8[%dma_wait3A_250, %dma_wait3A_258, %dma_wait3A_259] : memref<3x128x128xf32, #tpu.memory_space<vmem>> -> memref<1x128x128xf32, #tpu.memory_space<vmem>>
      %dma_wait3A_261 = tpu.memref_squeeze %dma_wait3A_260 : memref<1x128x128xf32, #tpu.memory_space<vmem>> -> memref<128x128xf32, #tpu.memory_space<vmem>>
      %dma_wait3A_262 = arith.constant 0 : i32
      %dma_wait3A_263 = arith.constant 0 : i32
      %dma_wait3A_264 = tpu.memref_slice %arg2[%dma_wait3A_262, %dma_wait3A_263] : memref<10000x128xf32, #tpu.memory_space<hbm>> -> memref<128x128xf32, #tpu.memory_space<hbm>>
      tpu.wait_dma2 semaphore(%arg11 : memref<!tpu.dma_semaphore, #tpu.memory_space<semaphore_mem>>) src(%dma_wait3A_264 : memref<128x128xf32, #tpu.memory_space<hbm>>) dst(%dma_wait3A_261 : memref<128x128xf32, #tpu.memory_space<vmem>>)
      %dma_wait3A_265 = arith.constant 1 : i32
      %dma_wait3A_266 = arith.constant 0 : i32
      %dma_wait3A_267 = arith.constant 0 : i32
      %dma_wait3A_268 = tpu.memref_slice %arg9[%dma_wait3A_265, %dma_wait3A_266, %dma_wait3A_267] : memref<3x128x128xf32, #tpu.memory_space<vmem>> -> memref<1x128x128xf32, #tpu.memory_space<vmem>>
      %dma_wait3A_269 = tpu.memref_squeeze %dma_wait3A_268 : memref<1x128x128xf32, #tpu.memory_space<vmem>> -> memref<128x128xf32, #tpu.memory_space<vmem>>
      %dma_wait3A_270 = arith.constant 0 : i32
      %dma_wait3A_271 = arith.constant 0 : i32
      %dma_wait3A_272 = tpu.memref_slice %arg2[%dma_wait3A_270, %dma_wait3A_271] : memref<10000x128xf32, #tpu.memory_space<hbm>> -> memref<128x128xf32, #tpu.memory_space<hbm>>
      %dma_wait3A_273 = arith.constant 0 : i32
      %dma_wait3A_274 = arith.constant 0 : i32
      %dma_wait3A_275 = tpu.memref_slice %arg9[%dma_wait3A_265, %dma_wait3A_273, %dma_wait3A_274] : memref<3x128x128xf32, #tpu.memory_space<vmem>> -> memref<1x128x128xf32, #tpu.memory_space<vmem>>
      %dma_wait3A_276 = tpu.memref_squeeze %dma_wait3A_275 : memref<1x128x128xf32, #tpu.memory_space<vmem>> -> memref<128x128xf32, #tpu.memory_space<vmem>>
      %dma_wait3A_277 = arith.constant 0 : i32
      %dma_wait3A_278 = arith.constant 0 : i32
      %dma_wait3A_279 = tpu.memref_slice %arg2[%dma_wait3A_277, %dma_wait3A_278] : memref<10000x128xf32, #tpu.memory_space<hbm>> -> memref<128x128xf32, #tpu.memory_space<hbm>>
      tpu.wait_dma2 semaphore(%arg11 : memref<!tpu.dma_semaphore, #tpu.memory_space<semaphore_mem>>) src(%dma_wait3A_279 : memref<128x128xf32, #tpu.memory_space<hbm>>) dst(%dma_wait3A_276 : memref<128x128xf32, #tpu.memory_space<vmem>>)
      %scan3A_280 = arith.constant 0 : i32
      %scan3A_281 = arith.constant 0 : i32
      %scan3A_282 = arith.constant 128 : i32
      %scan3A_283 = arith.addi %scan3A_281, %scan3A_282 : i32
      %scan3A_284 = arith.constant 2 : i32
      scf.for %scan3A_496 = %scan3A_281 to %scan3A_283 step %scan3A_284  : i32 {
        %get3A = arith.constant 1 : i32
        %get3A_497 = arith.index_cast %get3A : i32 to index
        %get3A_498 = arith.index_cast %scan3A_496 : i32 to index
        %get3A_499 = arith.constant 0 : index
        %get3A_500 = tpu.vector_load %arg8[%get3A_497, %get3A_498, %get3A_499] {strides = array<i32>} : memref<3x128x128xf32, #tpu.memory_space<vmem>>, vector<1x1x16xf32>,
        %get3A_501 = vector.shape_cast %get3A_500 : vector<1x1x16xf32> to vector<16xf32>
        %get3A_502 = arith.constant 1 : i32
        %get3A_503 = arith.index_cast %get3A_502 : i32 to index
        %get3A_504 = arith.index_cast %scan3A_496 : i32 to index
        %get3A_505 = arith.constant 0 : index
        %get3A_506 = tpu.vector_load %arg9[%get3A_503, %get3A_504, %get3A_505] {strides = array<i32>} : memref<3x128x128xf32, #tpu.memory_space<vmem>>, vector<1x1x16xf32>,
        %get3A_507 = vector.shape_cast %get3A_506 : vector<1x1x16xf32> to vector<16xf32>
        %sub3A = arith.subf %get3A_501, %get3A_507 : vector<16xf32>
        %swap3A = arith.constant 1 : i32
        %swap3A_508 = arith.index_cast %swap3A : i32 to index
        %swap3A_509 = arith.index_cast %scan3A_496 : i32 to index
        %swap3A_510 = arith.constant 0 : index
        %swap3A_511 = tpu.vector_load %arg9[%swap3A_508, %swap3A_509, %swap3A_510] {strides = array<i32>} : memref<3x128x128xf32, #tpu.memory_space<vmem>>, vector<1x1x16xf32>,
        %swap3A_512 = vector.shape_cast %swap3A_511 : vector<1x1x16xf32> to vector<16xf32>
        %swap3A_513 = vector.shape_cast %sub3A : vector<16xf32> to vector<1x1x16xf32>
        tpu.vector_store %arg9[%swap3A_508, %swap3A_509, %swap3A_510], %swap3A_513 {strides = array<i32>} : memref<3x128x128xf32, #tpu.memory_space<vmem>>, vector<1x1x16xf32>,
        %get3A_514 = arith.constant 1 : i32
        %get3A_515 = arith.index_cast %get3A_514 : i32 to index
        %get3A_516 = arith.index_cast %scan3A_496 : i32 to index
        %get3A_517 = arith.constant 16 : index
        %get3A_518 = tpu.vector_load %arg8[%get3A_515, %get3A_516, %get3A_517] {strides = array<i32>} : memref<3x128x128xf32, #tpu.memory_space<vmem>>, vector<1x1x16xf32>,
        %get3A_519 = vector.shape_cast %get3A_518 : vector<1x1x16xf32> to vector<16xf32>
        %get3A_520 = arith.constant 1 : i32
        %get3A_521 = arith.index_cast %get3A_520 : i32 to index
        %get3A_522 = arith.index_cast %scan3A_496 : i32 to index
        %get3A_523 = arith.constant 16 : index
        %get3A_524 = tpu.vector_load %arg9[%get3A_521, %get3A_522, %get3A_523] {strides = array<i32>} : memref<3x128x128xf32, #tpu.memory_space<vmem>>, vector<1x1x16xf32>,
        %get3A_525 = vector.shape_cast %get3A_524 : vector<1x1x16xf32> to vector<16xf32>
        %sub3A_526 = arith.subf %get3A_519, %get3A_525 : vector<16xf32>
        %swap3A_527 = arith.constant 1 : i32
        %swap3A_528 = arith.index_cast %swap3A_527 : i32 to index
        %swap3A_529 = arith.index_cast %scan3A_496 : i32 to index
        %swap3A_530 = arith.constant 16 : index
        %swap3A_531 = tpu.vector_load %arg9[%swap3A_528, %swap3A_529, %swap3A_530] {strides = array<i32>} : memref<3x128x128xf32, #tpu.memory_space<vmem>>, vector<1x1x16xf32>,
        %swap3A_532 = vector.shape_cast %swap3A_531 : vector<1x1x16xf32> to vector<16xf32>
        %swap3A_533 = vector.shape_cast %sub3A_526 : vector<16xf32> to vector<1x1x16xf32>
        tpu.vector_store %arg9[%swap3A_528, %swap3A_529, %swap3A_530], %swap3A_533 {strides = array<i32>} : memref<3x128x128xf32, #tpu.memory_space<vmem>>, vector<1x1x16xf32>,
        %get3A_534 = arith.constant 1 : i32
        %get3A_535 = arith.index_cast %get3A_534 : i32 to index
        %get3A_536 = arith.index_cast %scan3A_496 : i32 to index
        %get3A_537 = arith.constant 32 : index
        %get3A_538 = tpu.vector_load %arg8[%get3A_535, %get3A_536, %get3A_537] {strides = array<i32>} : memref<3x128x128xf32, #tpu.memory_space<vmem>>, vector<1x1x16xf32>,
        %get3A_539 = vector.shape_cast %get3A_538 : vector<1x1x16xf32> to vector<16xf32>
        %get3A_540 = arith.constant 1 : i32
        %get3A_541 = arith.index_cast %get3A_540 : i32 to index
        %get3A_542 = arith.index_cast %scan3A_496 : i32 to index
        %get3A_543 = arith.constant 32 : index
        %get3A_544 = tpu.vector_load %arg9[%get3A_541, %get3A_542, %get3A_543] {strides = array<i32>} : memref<3x128x128xf32, #tpu.memory_space<vmem>>, vector<1x1x16xf32>,
        %get3A_545 = vector.shape_cast %get3A_544 : vector<1x1x16xf32> to vector<16xf32>
        %sub3A_546 = arith.subf %get3A_539, %get3A_545 : vector<16xf32>
        %swap3A_547 = arith.constant 1 : i32
        %swap3A_548 = arith.index_cast %swap3A_547 : i32 to index
        %swap3A_549 = arith.index_cast %scan3A_496 : i32 to index
        %swap3A_550 = arith.constant 32 : index
        %swap3A_551 = tpu.vector_load %arg9[%swap3A_548, %swap3A_549, %swap3A_550] {strides = array<i32>} : memref<3x128x128xf32, #tpu.memory_space<vmem>>, vector<1x1x16xf32>,
        %swap3A_552 = vector.shape_cast %swap3A_551 : vector<1x1x16xf32> to vector<16xf32>
        %swap3A_553 = vector.shape_cast %sub3A_546 : vector<16xf32> to vector<1x1x16xf32>
        tpu.vector_store %arg9[%swap3A_548, %swap3A_549, %swap3A_550], %swap3A_553 {strides = array<i32>} : memref<3x128x128xf32, #tpu.memory_space<vmem>>, vector<1x1x16xf32>,
        %get3A_554 = arith.constant 1 : i32
        %get3A_555 = arith.index_cast %get3A_554 : i32 to index
        %get3A_556 = arith.index_cast %scan3A_496 : i32 to index
        %get3A_557 = arith.constant 48 : index
        %get3A_558 = tpu.vector_load %arg8[%get3A_555, %get3A_556, %get3A_557] {strides = array<i32>} : memref<3x128x128xf32, #tpu.memory_space<vmem>>, vector<1x1x16xf32>,
        %get3A_559 = vector.shape_cast %get3A_558 : vector<1x1x16xf32> to vector<16xf32>
        %get3A_560 = arith.constant 1 : i32
        %get3A_561 = arith.index_cast %get3A_560 : i32 to index
        %get3A_562 = arith.index_cast %scan3A_496 : i32 to index
        %get3A_563 = arith.constant 48 : index
        %get3A_564 = tpu.vector_load %arg9[%get3A_561, %get3A_562, %get3A_563] {strides = array<i32>} : memref<3x128x128xf32, #tpu.memory_space<vmem>>, vector<1x1x16xf32>,
        %get3A_565 = vector.shape_cast %get3A_564 : vector<1x1x16xf32> to vector<16xf32>
        %sub3A_566 = arith.subf %get3A_559, %get3A_565 : vector<16xf32>
        %swap3A_567 = arith.constant 1 : i32
        %swap3A_568 = arith.index_cast %swap3A_567 : i32 to index
        %swap3A_569 = arith.index_cast %scan3A_496 : i32 to index
        %swap3A_570 = arith.constant 48 : index
        %swap3A_571 = tpu.vector_load %arg9[%swap3A_568, %swap3A_569, %swap3A_570] {strides = array<i32>} : memref<3x128x128xf32, #tpu.memory_space<vmem>>, vector<1x1x16xf32>,
        %swap3A_572 = vector.shape_cast %swap3A_571 : vector<1x1x16xf32> to vector<16xf32>
        %swap3A_573 = vector.shape_cast %sub3A_566 : vector<16xf32> to vector<1x1x16xf32>
        tpu.vector_store %arg9[%swap3A_568, %swap3A_569, %swap3A_570], %swap3A_573 {strides = array<i32>} : memref<3x128x128xf32, #tpu.memory_space<vmem>>, vector<1x1x16xf32>,
        %get3A_574 = arith.constant 1 : i32
        %get3A_575 = arith.index_cast %get3A_574 : i32 to index
        %get3A_576 = arith.index_cast %scan3A_496 : i32 to index
        %get3A_577 = arith.constant 64 : index
        %get3A_578 = tpu.vector_load %arg8[%get3A_575, %get3A_576, %get3A_577] {strides = array<i32>} : memref<3x128x128xf32, #tpu.memory_space<vmem>>, vector<1x1x16xf32>,
        %get3A_579 = vector.shape_cast %get3A_578 : vector<1x1x16xf32> to vector<16xf32>
        %get3A_580 = arith.constant 1 : i32
        %get3A_581 = arith.index_cast %get3A_580 : i32 to index
        %get3A_582 = arith.index_cast %scan3A_496 : i32 to index
        %get3A_583 = arith.constant 64 : index
        %get3A_584 = tpu.vector_load %arg9[%get3A_581, %get3A_582, %get3A_583] {strides = array<i32>} : memref<3x128x128xf32, #tpu.memory_space<vmem>>, vector<1x1x16xf32>,
        %get3A_585 = vector.shape_cast %get3A_584 : vector<1x1x16xf32> to vector<16xf32>
        %sub3A_586 = arith.subf %get3A_579, %get3A_585 : vector<16xf32>
        %swap3A_587 = arith.constant 1 : i32
        %swap3A_588 = arith.index_cast %swap3A_587 : i32 to index
        %swap3A_589 = arith.index_cast %scan3A_496 : i32 to index
        %swap3A_590 = arith.constant 64 : index
        %swap3A_591 = tpu.vector_load %arg9[%swap3A_588, %swap3A_589, %swap3A_590] {strides = array<i32>} : memref<3x128x128xf32, #tpu.memory_space<vmem>>, vector<1x1x16xf32>,
        %swap3A_592 = vector.shape_cast %swap3A_591 : vector<1x1x16xf32> to vector<16xf32>
        %swap3A_593 = vector.shape_cast %sub3A_586 : vector<16xf32> to vector<1x1x16xf32>
        tpu.vector_store %arg9[%swap3A_588, %swap3A_589, %swap3A_590], %swap3A_593 {strides = array<i32>} : memref<3x128x128xf32, #tpu.memory_space<vmem>>, vector<1x1x16xf32>,
        %get3A_594 = arith.constant 1 : i32
        %get3A_595 = arith.index_cast %get3A_594 : i32 to index
        %get3A_596 = arith.index_cast %scan3A_496 : i32 to index
        %get3A_597 = arith.constant 80 : index
        %get3A_598 = tpu.vector_load %arg8[%get3A_595, %get3A_596, %get3A_597] {strides = array<i32>} : memref<3x128x128xf32, #tpu.memory_space<vmem>>, vector<1x1x16xf32>,
        %get3A_599 = vector.shape_cast %get3A_598 : vector<1x1x16xf32> to vector<16xf32>
        %get3A_600 = arith.constant 1 : i32
        %get3A_601 = arith.index_cast %get3A_600 : i32 to index
        %get3A_602 = arith.index_cast %scan3A_496 : i32 to index
        %get3A_603 = arith.constant 80 : index
        %get3A_604 = tpu.vector_load %arg9[%get3A_601, %get3A_602, %get3A_603] {strides = array<i32>} : memref<3x128x128xf32, #tpu.memory_space<vmem>>, vector<1x1x16xf32>,
        %get3A_605 = vector.shape_cast %get3A_604 : vector<1x1x16xf32> to vector<16xf32>
        %sub3A_606 = arith.subf %get3A_599, %get3A_605 : vector<16xf32>
        %swap3A_607 = arith.constant 1 : i32
        %swap3A_608 = arith.index_cast %swap3A_607 : i32 to index
        %swap3A_609 = arith.index_cast %scan3A_496 : i32 to index
        %swap3A_610 = arith.constant 80 : index
        %swap3A_611 = tpu.vector_load %arg9[%swap3A_608, %swap3A_609, %swap3A_610] {strides = array<i32>} : memref<3x128x128xf32, #tpu.memory_space<vmem>>, vector<1x1x16xf32>,
        %swap3A_612 = vector.shape_cast %swap3A_611 : vector<1x1x16xf32> to vector<16xf32>
        %swap3A_613 = vector.shape_cast %sub3A_606 : vector<16xf32> to vector<1x1x16xf32>
        tpu.vector_store %arg9[%swap3A_608, %swap3A_609, %swap3A_610], %swap3A_613 {strides = array<i32>} : memref<3x128x128xf32, #tpu.memory_space<vmem>>, vector<1x1x16xf32>,
        %get3A_614 = arith.constant 1 : i32
        %get3A_615 = arith.index_cast %get3A_614 : i32 to index
        %get3A_616 = arith.index_cast %scan3A_496 : i32 to index
        %get3A_617 = arith.constant 96 : index
        %get3A_618 = tpu.vector_load %arg8[%get3A_615, %get3A_616, %get3A_617] {strides = array<i32>} : memref<3x128x128xf32, #tpu.memory_space<vmem>>, vector<1x1x16xf32>,
        %get3A_619 = vector.shape_cast %get3A_618 : vector<1x1x16xf32> to vector<16xf32>
        %get3A_620 = arith.constant 1 : i32
        %get3A_621 = arith.index_cast %get3A_620 : i32 to index
        %get3A_622 = arith.index_cast %scan3A_496 : i32 to index
        %get3A_623 = arith.constant 96 : index
        %get3A_624 = tpu.vector_load %arg9[%get3A_621, %get3A_622, %get3A_623] {strides = array<i32>} : memref<3x128x128xf32, #tpu.memory_space<vmem>>, vector<1x1x16xf32>,
        %get3A_625 = vector.shape_cast %get3A_624 : vector<1x1x16xf32> to vector<16xf32>
        %sub3A_626 = arith.subf %get3A_619, %get3A_625 : vector<16xf32>
        %swap3A_627 = arith.constant 1 : i32
        %swap3A_628 = arith.index_cast %swap3A_627 : i32 to index
        %swap3A_629 = arith.index_cast %scan3A_496 : i32 to index
        %swap3A_630 = arith.constant 96 : index
        %swap3A_631 = tpu.vector_load %arg9[%swap3A_628, %swap3A_629, %swap3A_630] {strides = array<i32>} : memref<3x128x128xf32, #tpu.memory_space<vmem>>, vector<1x1x16xf32>,
        %swap3A_632 = vector.shape_cast %swap3A_631 : vector<1x1x16xf32> to vector<16xf32>
        %swap3A_633 = vector.shape_cast %sub3A_626 : vector<16xf32> to vector<1x1x16xf32>
        tpu.vector_store %arg9[%swap3A_628, %swap3A_629, %swap3A_630], %swap3A_633 {strides = array<i32>} : memref<3x128x128xf32, #tpu.memory_space<vmem>>, vector<1x1x16xf32>,
        %get3A_634 = arith.constant 1 : i32
        %get3A_635 = arith.index_cast %get3A_634 : i32 to index
        %get3A_636 = arith.index_cast %scan3A_496 : i32 to index
        %get3A_637 = arith.constant 112 : index
        %get3A_638 = tpu.vector_load %arg8[%get3A_635, %get3A_636, %get3A_637] {strides = array<i32>} : memref<3x128x128xf32, #tpu.memory_space<vmem>>, vector<1x1x16xf32>,
        %get3A_639 = vector.shape_cast %get3A_638 : vector<1x1x16xf32> to vector<16xf32>
        %get3A_640 = arith.constant 1 : i32
        %get3A_641 = arith.index_cast %get3A_640 : i32 to index
        %get3A_642 = arith.index_cast %scan3A_496 : i32 to index
        %get3A_643 = arith.constant 112 : index
        %get3A_644 = tpu.vector_load %arg9[%get3A_641, %get3A_642, %get3A_643] {strides = array<i32>} : memref<3x128x128xf32, #tpu.memory_space<vmem>>, vector<1x1x16xf32>,
        %get3A_645 = vector.shape_cast %get3A_644 : vector<1x1x16xf32> to vector<16xf32>
        %sub3A_646 = arith.subf %get3A_639, %get3A_645 : vector<16xf32>
        %swap3A_647 = arith.constant 1 : i32
        %swap3A_648 = arith.index_cast %swap3A_647 : i32 to index
        %swap3A_649 = arith.index_cast %scan3A_496 : i32 to index
        %swap3A_650 = arith.constant 112 : index
        %swap3A_651 = tpu.vector_load %arg9[%swap3A_648, %swap3A_649, %swap3A_650] {strides = array<i32>} : memref<3x128x128xf32, #tpu.memory_space<vmem>>, vector<1x1x16xf32>,
        %swap3A_652 = vector.shape_cast %swap3A_651 : vector<1x1x16xf32> to vector<16xf32>
        %swap3A_653 = vector.shape_cast %sub3A_646 : vector<16xf32> to vector<1x1x16xf32>
        tpu.vector_store %arg9[%swap3A_648, %swap3A_649, %swap3A_650], %swap3A_653 {strides = array<i32>} : memref<3x128x128xf32, #tpu.memory_space<vmem>>, vector<1x1x16xf32>,
        %scan3A_654 = arith.constant 1 : i32
        %scan3A_655 = arith.addi %scan3A_496, %scan3A_654 : i32
        %get3A_656 = arith.constant 1 : i32
        %get3A_657 = arith.index_cast %get3A_656 : i32 to index
        %get3A_658 = arith.index_cast %scan3A_655 : i32 to index
        %get3A_659 = arith.constant 0 : index
        %get3A_660 = tpu.vector_load %arg8[%get3A_657, %get3A_658, %get3A_659] {strides = array<i32>} : memref<3x128x128xf32, #tpu.memory_space<vmem>>, vector<1x1x16xf32>,
        %get3A_661 = vector.shape_cast %get3A_660 : vector<1x1x16xf32> to vector<16xf32>
        %get3A_662 = arith.constant 1 : i32
        %get3A_663 = arith.index_cast %get3A_662 : i32 to index
        %get3A_664 = arith.index_cast %scan3A_655 : i32 to index
        %get3A_665 = arith.constant 0 : index
        %get3A_666 = tpu.vector_load %arg9[%get3A_663, %get3A_664, %get3A_665] {strides = array<i32>} : memref<3x128x128xf32, #tpu.memory_space<vmem>>, vector<1x1x16xf32>,
        %get3A_667 = vector.shape_cast %get3A_666 : vector<1x1x16xf32> to vector<16xf32>
        %sub3A_668 = arith.subf %get3A_661, %get3A_667 : vector<16xf32>
        %swap3A_669 = arith.constant 1 : i32
        %swap3A_670 = arith.index_cast %swap3A_669 : i32 to index
        %swap3A_671 = arith.index_cast %scan3A_655 : i32 to index
        %swap3A_672 = arith.constant 0 : index
        %swap3A_673 = tpu.vector_load %arg9[%swap3A_670, %swap3A_671, %swap3A_672] {strides = array<i32>} : memref<3x128x128xf32, #tpu.memory_space<vmem>>, vector<1x1x16xf32>,
        %swap3A_674 = vector.shape_cast %swap3A_673 : vector<1x1x16xf32> to vector<16xf32>
        %swap3A_675 = vector.shape_cast %sub3A_668 : vector<16xf32> to vector<1x1x16xf32>
        tpu.vector_store %arg9[%swap3A_670, %swap3A_671, %swap3A_672], %swap3A_675 {strides = array<i32>} : memref<3x128x128xf32, #tpu.memory_space<vmem>>, vector<1x1x16xf32>,
        %get3A_676 = arith.constant 1 : i32
        %get3A_677 = arith.index_cast %get3A_676 : i32 to index
        %get3A_678 = arith.index_cast %scan3A_655 : i32 to index
        %get3A_679 = arith.constant 16 : index
        %get3A_680 = tpu.vector_load %arg8[%get3A_677, %get3A_678, %get3A_679] {strides = array<i32>} : memref<3x128x128xf32, #tpu.memory_space<vmem>>, vector<1x1x16xf32>,
        %get3A_681 = vector.shape_cast %get3A_680 : vector<1x1x16xf32> to vector<16xf32>
        %get3A_682 = arith.constant 1 : i32
        %get3A_683 = arith.index_cast %get3A_682 : i32 to index
        %get3A_684 = arith.index_cast %scan3A_655 : i32 to index
        %get3A_685 = arith.constant 16 : index
        %get3A_686 = tpu.vector_load %arg9[%get3A_683, %get3A_684, %get3A_685] {strides = array<i32>} : memref<3x128x128xf32, #tpu.memory_space<vmem>>, vector<1x1x16xf32>,
        %get3A_687 = vector.shape_cast %get3A_686 : vector<1x1x16xf32> to vector<16xf32>
        %sub3A_688 = arith.subf %get3A_681, %get3A_687 : vector<16xf32>
        %swap3A_689 = arith.constant 1 : i32
        %swap3A_690 = arith.index_cast %swap3A_689 : i32 to index
        %swap3A_691 = arith.index_cast %scan3A_655 : i32 to index
        %swap3A_692 = arith.constant 16 : index
        %swap3A_693 = tpu.vector_load %arg9[%swap3A_690, %swap3A_691, %swap3A_692] {strides = array<i32>} : memref<3x128x128xf32, #tpu.memory_space<vmem>>, vector<1x1x16xf32>,
        %swap3A_694 = vector.shape_cast %swap3A_693 : vector<1x1x16xf32> to vector<16xf32>
        %swap3A_695 = vector.shape_cast %sub3A_688 : vector<16xf32> to vector<1x1x16xf32>
        tpu.vector_store %arg9[%swap3A_690, %swap3A_691, %swap3A_692], %swap3A_695 {strides = array<i32>} : memref<3x128x128xf32, #tpu.memory_space<vmem>>, vector<1x1x16xf32>,
        %get3A_696 = arith.constant 1 : i32
        %get3A_697 = arith.index_cast %get3A_696 : i32 to index
        %get3A_698 = arith.index_cast %scan3A_655 : i32 to index
        %get3A_699 = arith.constant 32 : index
        %get3A_700 = tpu.vector_load %arg8[%get3A_697, %get3A_698, %get3A_699] {strides = array<i32>} : memref<3x128x128xf32, #tpu.memory_space<vmem>>, vector<1x1x16xf32>,
        %get3A_701 = vector.shape_cast %get3A_700 : vector<1x1x16xf32> to vector<16xf32>
        %get3A_702 = arith.constant 1 : i32
        %get3A_703 = arith.index_cast %get3A_702 : i32 to index
        %get3A_704 = arith.index_cast %scan3A_655 : i32 to index
        %get3A_705 = arith.constant 32 : index
        %get3A_706 = tpu.vector_load %arg9[%get3A_703, %get3A_704, %get3A_705] {strides = array<i32>} : memref<3x128x128xf32, #tpu.memory_space<vmem>>, vector<1x1x16xf32>,
        %get3A_707 = vector.shape_cast %get3A_706 : vector<1x1x16xf32> to vector<16xf32>
        %sub3A_708 = arith.subf %get3A_701, %get3A_707 : vector<16xf32>
        %swap3A_709 = arith.constant 1 : i32
        %swap3A_710 = arith.index_cast %swap3A_709 : i32 to index
        %swap3A_711 = arith.index_cast %scan3A_655 : i32 to index
        %swap3A_712 = arith.constant 32 : index
        %swap3A_713 = tpu.vector_load %arg9[%swap3A_710, %swap3A_711, %swap3A_712] {strides = array<i32>} : memref<3x128x128xf32, #tpu.memory_space<vmem>>, vector<1x1x16xf32>,
        %swap3A_714 = vector.shape_cast %swap3A_713 : vector<1x1x16xf32> to vector<16xf32>
        %swap3A_715 = vector.shape_cast %sub3A_708 : vector<16xf32> to vector<1x1x16xf32>
        tpu.vector_store %arg9[%swap3A_710, %swap3A_711, %swap3A_712], %swap3A_715 {strides = array<i32>} : memref<3x128x128xf32, #tpu.memory_space<vmem>>, vector<1x1x16xf32>,
        %get3A_716 = arith.constant 1 : i32
        %get3A_717 = arith.index_cast %get3A_716 : i32 to index
        %get3A_718 = arith.index_cast %scan3A_655 : i32 to index
        %get3A_719 = arith.constant 48 : index
        %get3A_720 = tpu.vector_load %arg8[%get3A_717, %get3A_718, %get3A_719] {strides = array<i32>} : memref<3x128x128xf32, #tpu.memory_space<vmem>>, vector<1x1x16xf32>,
        %get3A_721 = vector.shape_cast %get3A_720 : vector<1x1x16xf32> to vector<16xf32>
        %get3A_722 = arith.constant 1 : i32
        %get3A_723 = arith.index_cast %get3A_722 : i32 to index
        %get3A_724 = arith.index_cast %scan3A_655 : i32 to index
        %get3A_725 = arith.constant 48 : index
        %get3A_726 = tpu.vector_load %arg9[%get3A_723, %get3A_724, %get3A_725] {strides = array<i32>} : memref<3x128x128xf32, #tpu.memory_space<vmem>>, vector<1x1x16xf32>,
        %get3A_727 = vector.shape_cast %get3A_726 : vector<1x1x16xf32> to vector<16xf32>
        %sub3A_728 = arith.subf %get3A_721, %get3A_727 : vector<16xf32>
        %swap3A_729 = arith.constant 1 : i32
        %swap3A_730 = arith.index_cast %swap3A_729 : i32 to index
        %swap3A_731 = arith.index_cast %scan3A_655 : i32 to index
        %swap3A_732 = arith.constant 48 : index
        %swap3A_733 = tpu.vector_load %arg9[%swap3A_730, %swap3A_731, %swap3A_732] {strides = array<i32>} : memref<3x128x128xf32, #tpu.memory_space<vmem>>, vector<1x1x16xf32>,
        %swap3A_734 = vector.shape_cast %swap3A_733 : vector<1x1x16xf32> to vector<16xf32>
        %swap3A_735 = vector.shape_cast %sub3A_728 : vector<16xf32> to vector<1x1x16xf32>
        tpu.vector_store %arg9[%swap3A_730, %swap3A_731, %swap3A_732], %swap3A_735 {strides = array<i32>} : memref<3x128x128xf32, #tpu.memory_space<vmem>>, vector<1x1x16xf32>,
        %get3A_736 = arith.constant 1 : i32
        %get3A_737 = arith.index_cast %get3A_736 : i32 to index
        %get3A_738 = arith.index_cast %scan3A_655 : i32 to index
        %get3A_739 = arith.constant 64 : index
        %get3A_740 = tpu.vector_load %arg8[%get3A_737, %get3A_738, %get3A_739] {strides = array<i32>} : memref<3x128x128xf32, #tpu.memory_space<vmem>>, vector<1x1x16xf32>,
        %get3A_741 = vector.shape_cast %get3A_740 : vector<1x1x16xf32> to vector<16xf32>
        %get3A_742 = arith.constant 1 : i32
        %get3A_743 = arith.index_cast %get3A_742 : i32 to index
        %get3A_744 = arith.index_cast %scan3A_655 : i32 to index
        %get3A_745 = arith.constant 64 : index
        %get3A_746 = tpu.vector_load %arg9[%get3A_743, %get3A_744, %get3A_745] {strides = array<i32>} : memref<3x128x128xf32, #tpu.memory_space<vmem>>, vector<1x1x16xf32>,
        %get3A_747 = vector.shape_cast %get3A_746 : vector<1x1x16xf32> to vector<16xf32>
        %sub3A_748 = arith.subf %get3A_741, %get3A_747 : vector<16xf32>
        %swap3A_749 = arith.constant 1 : i32
        %swap3A_750 = arith.index_cast %swap3A_749 : i32 to index
        %swap3A_751 = arith.index_cast %scan3A_655 : i32 to index
        %swap3A_752 = arith.constant 64 : index
        %swap3A_753 = tpu.vector_load %arg9[%swap3A_750, %swap3A_751, %swap3A_752] {strides = array<i32>} : memref<3x128x128xf32, #tpu.memory_space<vmem>>, vector<1x1x16xf32>,
        %swap3A_754 = vector.shape_cast %swap3A_753 : vector<1x1x16xf32> to vector<16xf32>
        %swap3A_755 = vector.shape_cast %sub3A_748 : vector<16xf32> to vector<1x1x16xf32>
        tpu.vector_store %arg9[%swap3A_750, %swap3A_751, %swap3A_752], %swap3A_755 {strides = array<i32>} : memref<3x128x128xf32, #tpu.memory_space<vmem>>, vector<1x1x16xf32>,
        %get3A_756 = arith.constant 1 : i32
        %get3A_757 = arith.index_cast %get3A_756 : i32 to index
        %get3A_758 = arith.index_cast %scan3A_655 : i32 to index
        %get3A_759 = arith.constant 80 : index
        %get3A_760 = tpu.vector_load %arg8[%get3A_757, %get3A_758, %get3A_759] {strides = array<i32>} : memref<3x128x128xf32, #tpu.memory_space<vmem>>, vector<1x1x16xf32>,
        %get3A_761 = vector.shape_cast %get3A_760 : vector<1x1x16xf32> to vector<16xf32>
        %get3A_762 = arith.constant 1 : i32
        %get3A_763 = arith.index_cast %get3A_762 : i32 to index
        %get3A_764 = arith.index_cast %scan3A_655 : i32 to index
        %get3A_765 = arith.constant 80 : index
        %get3A_766 = tpu.vector_load %arg9[%get3A_763, %get3A_764, %get3A_765] {strides = array<i32>} : memref<3x128x128xf32, #tpu.memory_space<vmem>>, vector<1x1x16xf32>,
        %get3A_767 = vector.shape_cast %get3A_766 : vector<1x1x16xf32> to vector<16xf32>
        %sub3A_768 = arith.subf %get3A_761, %get3A_767 : vector<16xf32>
        %swap3A_769 = arith.constant 1 : i32
        %swap3A_770 = arith.index_cast %swap3A_769 : i32 to index
        %swap3A_771 = arith.index_cast %scan3A_655 : i32 to index
        %swap3A_772 = arith.constant 80 : index
        %swap3A_773 = tpu.vector_load %arg9[%swap3A_770, %swap3A_771, %swap3A_772] {strides = array<i32>} : memref<3x128x128xf32, #tpu.memory_space<vmem>>, vector<1x1x16xf32>,
        %swap3A_774 = vector.shape_cast %swap3A_773 : vector<1x1x16xf32> to vector<16xf32>
        %swap3A_775 = vector.shape_cast %sub3A_768 : vector<16xf32> to vector<1x1x16xf32>
        tpu.vector_store %arg9[%swap3A_770, %swap3A_771, %swap3A_772], %swap3A_775 {strides = array<i32>} : memref<3x128x128xf32, #tpu.memory_space<vmem>>, vector<1x1x16xf32>,
        %get3A_776 = arith.constant 1 : i32
        %get3A_777 = arith.index_cast %get3A_776 : i32 to index
        %get3A_778 = arith.index_cast %scan3A_655 : i32 to index
        %get3A_779 = arith.constant 96 : index
        %get3A_780 = tpu.vector_load %arg8[%get3A_777, %get3A_778, %get3A_779] {strides = array<i32>} : memref<3x128x128xf32, #tpu.memory_space<vmem>>, vector<1x1x16xf32>,
        %get3A_781 = vector.shape_cast %get3A_780 : vector<1x1x16xf32> to vector<16xf32>
        %get3A_782 = arith.constant 1 : i32
        %get3A_783 = arith.index_cast %get3A_782 : i32 to index
        %get3A_784 = arith.index_cast %scan3A_655 : i32 to index
        %get3A_785 = arith.constant 96 : index
        %get3A_786 = tpu.vector_load %arg9[%get3A_783, %get3A_784, %get3A_785] {strides = array<i32>} : memref<3x128x128xf32, #tpu.memory_space<vmem>>, vector<1x1x16xf32>,
        %get3A_787 = vector.shape_cast %get3A_786 : vector<1x1x16xf32> to vector<16xf32>
        %sub3A_788 = arith.subf %get3A_781, %get3A_787 : vector<16xf32>
        %swap3A_789 = arith.constant 1 : i32
        %swap3A_790 = arith.index_cast %swap3A_789 : i32 to index
        %swap3A_791 = arith.index_cast %scan3A_655 : i32 to index
        %swap3A_792 = arith.constant 96 : index
        %swap3A_793 = tpu.vector_load %arg9[%swap3A_790, %swap3A_791, %swap3A_792] {strides = array<i32>} : memref<3x128x128xf32, #tpu.memory_space<vmem>>, vector<1x1x16xf32>,
        %swap3A_794 = vector.shape_cast %swap3A_793 : vector<1x1x16xf32> to vector<16xf32>
        %swap3A_795 = vector.shape_cast %sub3A_788 : vector<16xf32> to vector<1x1x16xf32>
        tpu.vector_store %arg9[%swap3A_790, %swap3A_791, %swap3A_792], %swap3A_795 {strides = array<i32>} : memref<3x128x128xf32, #tpu.memory_space<vmem>>, vector<1x1x16xf32>,
        %get3A_796 = arith.constant 1 : i32
        %get3A_797 = arith.index_cast %get3A_796 : i32 to index
        %get3A_798 = arith.index_cast %scan3A_655 : i32 to index
        %get3A_799 = arith.constant 112 : index
        %get3A_800 = tpu.vector_load %arg8[%get3A_797, %get3A_798, %get3A_799] {strides = array<i32>} : memref<3x128x128xf32, #tpu.memory_space<vmem>>, vector<1x1x16xf32>,
        %get3A_801 = vector.shape_cast %get3A_800 : vector<1x1x16xf32> to vector<16xf32>
        %get3A_802 = arith.constant 1 : i32
        %get3A_803 = arith.index_cast %get3A_802 : i32 to index
        %get3A_804 = arith.index_cast %scan3A_655 : i32 to index
        %get3A_805 = arith.constant 112 : index
        %get3A_806 = tpu.vector_load %arg9[%get3A_803, %get3A_804, %get3A_805] {strides = array<i32>} : memref<3x128x128xf32, #tpu.memory_space<vmem>>, vector<1x1x16xf32>,
        %get3A_807 = vector.shape_cast %get3A_806 : vector<1x1x16xf32> to vector<16xf32>
        %sub3A_808 = arith.subf %get3A_801, %get3A_807 : vector<16xf32>
        %swap3A_809 = arith.constant 1 : i32
        %swap3A_810 = arith.index_cast %swap3A_809 : i32 to index
        %swap3A_811 = arith.index_cast %scan3A_655 : i32 to index
        %swap3A_812 = arith.constant 112 : index
        %swap3A_813 = tpu.vector_load %arg9[%swap3A_810, %swap3A_811, %swap3A_812] {strides = array<i32>} : memref<3x128x128xf32, #tpu.memory_space<vmem>>, vector<1x1x16xf32>,
        %swap3A_814 = vector.shape_cast %swap3A_813 : vector<1x1x16xf32> to vector<16xf32>
        %swap3A_815 = vector.shape_cast %sub3A_808 : vector<16xf32> to vector<1x1x16xf32>
        tpu.vector_store %arg9[%swap3A_810, %swap3A_811, %swap3A_812], %swap3A_815 {strides = array<i32>} : memref<3x128x128xf32, #tpu.memory_space<vmem>>, vector<1x1x16xf32>,
      }
      %scan3A_285 = arith.constant 128 : i32
      %mul3A_286 = arith.constant 3 : i32
      %mul3A_287 = arith.muli %scan3A_180, %mul3A_286 : i32
      %add3A_288 = arith.constant 1 : i32
      %add3A_289 = arith.addi %mul3A_287, %add3A_288 : i32
      %mul3A_290 = arith.constant 128 : i32
      %mul3A_291 = arith.muli %add3A_289, %mul3A_290 : i32
      %add3A_292 = arith.addi %mul3A_2, %mul3A_291 : i32
      %dma_start3A_293 = arith.constant 1 : i32
      %dma_start3A_294 = arith.constant 0 : i32
      %dma_start3A_295 = arith.constant 0 : i32
      %dma_start3A_296 = tpu.memref_slice %arg9[%dma_start3A_293, %dma_start3A_294, %dma_start3A_295] : memref<3x128x128xf32, #tpu.memory_space<vmem>> -> memref<1x128x128xf32, #tpu.memory_space<vmem>>
      %dma_start3A_297 = tpu.memref_squeeze %dma_start3A_296 : memref<1x128x128xf32, #tpu.memory_space<vmem>> -> memref<128x128xf32, #tpu.memory_space<vmem>>
      %dma_start3A_298 = arith.constant 0 : i32
      %dma_start3A_299 = tpu.memref_slice %arg5[%add3A_292, %dma_start3A_298] : memref<320000x256xf32, #tpu.memory_space<hbm>> -> memref<128x128xf32, #tpu.memory_space<hbm>>
      %dma_start3A_300 = arith.constant 0 : i32
      %dma_start3A_301 = tpu.memref_slice %arg5[%add3A_292, %dma_start3A_300] : memref<320000x256xf32, #tpu.memory_space<hbm>> -> memref<128x128xf32, #tpu.memory_space<hbm>>
      %dma_start3A_302 = arith.constant 0 : i32
      %dma_start3A_303 = arith.constant 0 : i32
      %dma_start3A_304 = tpu.memref_slice %arg9[%dma_start3A_293, %dma_start3A_302, %dma_start3A_303] : memref<3x128x128xf32, #tpu.memory_space<vmem>> -> memref<1x128x128xf32, #tpu.memory_space<vmem>>
      %dma_start3A_305 = tpu.memref_squeeze %dma_start3A_304 : memref<1x128x128xf32, #tpu.memory_space<vmem>> -> memref<128x128xf32, #tpu.memory_space<vmem>>
      tpu.enqueue_dma source(%dma_start3A_305 : memref<128x128xf32, #tpu.memory_space<vmem>>) target(%dma_start3A_301 : memref<128x128xf32, #tpu.memory_space<hbm>>) target_semaphore(%arg14 : memref<!tpu.dma_semaphore, #tpu.memory_space<semaphore_mem>>)
      %dma_start3A_306 = arith.constant 1 : i32
      %dma_start3A_307 = arith.constant 0 : i32
      %dma_start3A_308 = arith.constant 0 : i32
      %dma_start3A_309 = tpu.memref_slice %arg8[%dma_start3A_306, %dma_start3A_307, %dma_start3A_308] : memref<3x128x128xf32, #tpu.memory_space<vmem>> -> memref<1x128x128xf32, #tpu.memory_space<vmem>>
      %dma_start3A_310 = tpu.memref_squeeze %dma_start3A_309 : memref<1x128x128xf32, #tpu.memory_space<vmem>> -> memref<128x128xf32, #tpu.memory_space<vmem>>
      %dma_start3A_311 = arith.constant 128 : i32
      %dma_start3A_312 = tpu.memref_slice %arg5[%add3A_292, %dma_start3A_311] : memref<320000x256xf32, #tpu.memory_space<hbm>> -> memref<128x128xf32, #tpu.memory_space<hbm>>
      %dma_start3A_313 = arith.constant 128 : i32
      %dma_start3A_314 = tpu.memref_slice %arg5[%add3A_292, %dma_start3A_313] : memref<320000x256xf32, #tpu.memory_space<hbm>> -> memref<128x128xf32, #tpu.memory_space<hbm>>
      %dma_start3A_315 = arith.constant 0 : i32
      %dma_start3A_316 = arith.constant 0 : i32
      %dma_start3A_317 = tpu.memref_slice %arg8[%dma_start3A_306, %dma_start3A_315, %dma_start3A_316] : memref<3x128x128xf32, #tpu.memory_space<vmem>> -> memref<1x128x128xf32, #tpu.memory_space<vmem>>
      %dma_start3A_318 = tpu.memref_squeeze %dma_start3A_317 : memref<1x128x128xf32, #tpu.memory_space<vmem>> -> memref<128x128xf32, #tpu.memory_space<vmem>>
      tpu.enqueue_dma source(%dma_start3A_318 : memref<128x128xf32, #tpu.memory_space<vmem>>) target(%dma_start3A_314 : memref<128x128xf32, #tpu.memory_space<hbm>>) target_semaphore(%arg14 : memref<!tpu.dma_semaphore, #tpu.memory_space<semaphore_mem>>)
      %dma_wait3A_319 = arith.constant 2 : i32
      %dma_wait3A_320 = arith.constant 0 : i32
      %dma_wait3A_321 = arith.constant 0 : i32
      %dma_wait3A_322 = tpu.memref_slice %arg8[%dma_wait3A_319, %dma_wait3A_320, %dma_wait3A_321] : memref<3x128x128xf32, #tpu.memory_space<vmem>> -> memref<1x128x128xf32, #tpu.memory_space<vmem>>
      %dma_wait3A_323 = tpu.memref_squeeze %dma_wait3A_322 : memref<1x128x128xf32, #tpu.memory_space<vmem>> -> memref<128x128xf32, #tpu.memory_space<vmem>>
      %dma_wait3A_324 = arith.constant 0 : i32
      %dma_wait3A_325 = arith.constant 0 : i32
      %dma_wait3A_326 = tpu.memref_slice %arg2[%dma_wait3A_324, %dma_wait3A_325] : memref<10000x128xf32, #tpu.memory_space<hbm>> -> memref<128x128xf32, #tpu.memory_space<hbm>>
      %dma_wait3A_327 = arith.constant 0 : i32
      %dma_wait3A_328 = arith.constant 0 : i32
      %dma_wait3A_329 = tpu.memref_slice %arg8[%dma_wait3A_319, %dma_wait3A_327, %dma_wait3A_328] : memref<3x128x128xf32, #tpu.memory_space<vmem>> -> memref<1x128x128xf32, #tpu.memory_space<vmem>>
      %dma_wait3A_330 = tpu.memref_squeeze %dma_wait3A_329 : memref<1x128x128xf32, #tpu.memory_space<vmem>> -> memref<128x128xf32, #tpu.memory_space<vmem>>
      %dma_wait3A_331 = arith.constant 0 : i32
      %dma_wait3A_332 = arith.constant 0 : i32
      %dma_wait3A_333 = tpu.memref_slice %arg2[%dma_wait3A_331, %dma_wait3A_332] : memref<10000x128xf32, #tpu.memory_space<hbm>> -> memref<128x128xf32, #tpu.memory_space<hbm>>
      tpu.wait_dma2 semaphore(%arg12 : memref<!tpu.dma_semaphore, #tpu.memory_space<semaphore_mem>>) src(%dma_wait3A_333 : memref<128x128xf32, #tpu.memory_space<hbm>>) dst(%dma_wait3A_330 : memref<128x128xf32, #tpu.memory_space<vmem>>)
      %dma_wait3A_334 = arith.constant 2 : i32
      %dma_wait3A_335 = arith.constant 0 : i32
      %dma_wait3A_336 = arith.constant 0 : i32
      %dma_wait3A_337 = tpu.memref_slice %arg9[%dma_wait3A_334, %dma_wait3A_335, %dma_wait3A_336] : memref<3x128x128xf32, #tpu.memory_space<vmem>> -> memref<1x128x128xf32, #tpu.memory_space<vmem>>
      %dma_wait3A_338 = tpu.memref_squeeze %dma_wait3A_337 : memref<1x128x128xf32, #tpu.memory_space<vmem>> -> memref<128x128xf32, #tpu.memory_space<vmem>>
      %dma_wait3A_339 = arith.constant 0 : i32
      %dma_wait3A_340 = arith.constant 0 : i32
      %dma_wait3A_341 = tpu.memref_slice %arg2[%dma_wait3A_339, %dma_wait3A_340] : memref<10000x128xf32, #tpu.memory_space<hbm>> -> memref<128x128xf32, #tpu.memory_space<hbm>>
      %dma_wait3A_342 = arith.constant 0 : i32
      %dma_wait3A_343 = arith.constant 0 : i32
      %dma_wait3A_344 = tpu.memref_slice %arg9[%dma_wait3A_334, %dma_wait3A_342, %dma_wait3A_343] : memref<3x128x128xf32, #tpu.memory_space<vmem>> -> memref<1x128x128xf32, #tpu.memory_space<vmem>>
      %dma_wait3A_345 = tpu.memref_squeeze %dma_wait3A_344 : memref<1x128x128xf32, #tpu.memory_space<vmem>> -> memref<128x128xf32, #tpu.memory_space<vmem>>
      %dma_wait3A_346 = arith.constant 0 : i32
      %dma_wait3A_347 = arith.constant 0 : i32
      %dma_wait3A_348 = tpu.memref_slice %arg2[%dma_wait3A_346, %dma_wait3A_347] : memref<10000x128xf32, #tpu.memory_space<hbm>> -> memref<128x128xf32, #tpu.memory_space<hbm>>
      tpu.wait_dma2 semaphore(%arg12 : memref<!tpu.dma_semaphore, #tpu.memory_space<semaphore_mem>>) src(%dma_wait3A_348 : memref<128x128xf32, #tpu.memory_space<hbm>>) dst(%dma_wait3A_345 : memref<128x128xf32, #tpu.memory_space<vmem>>)
      %scan3A_349 = arith.constant 0 : i32
      %scan3A_350 = arith.constant 0 : i32
      %scan3A_351 = arith.constant 128 : i32
      %scan3A_352 = arith.addi %scan3A_350, %scan3A_351 : i32
      %scan3A_353 = arith.constant 2 : i32
      scf.for %scan3A_496 = %scan3A_350 to %scan3A_352 step %scan3A_353  : i32 {
        %get3A = arith.constant 2 : i32
        %get3A_497 = arith.index_cast %get3A : i32 to index
        %get3A_498 = arith.index_cast %scan3A_496 : i32 to index
        %get3A_499 = arith.constant 0 : index
        %get3A_500 = tpu.vector_load %arg8[%get3A_497, %get3A_498, %get3A_499] {strides = array<i32>} : memref<3x128x128xf32, #tpu.memory_space<vmem>>, vector<1x1x16xf32>,
        %get3A_501 = vector.shape_cast %get3A_500 : vector<1x1x16xf32> to vector<16xf32>
        %get3A_502 = arith.constant 2 : i32
        %get3A_503 = arith.index_cast %get3A_502 : i32 to index
        %get3A_504 = arith.index_cast %scan3A_496 : i32 to index
        %get3A_505 = arith.constant 0 : index
        %get3A_506 = tpu.vector_load %arg9[%get3A_503, %get3A_504, %get3A_505] {strides = array<i32>} : memref<3x128x128xf32, #tpu.memory_space<vmem>>, vector<1x1x16xf32>,
        %get3A_507 = vector.shape_cast %get3A_506 : vector<1x1x16xf32> to vector<16xf32>
        %sub3A = arith.subf %get3A_501, %get3A_507 : vector<16xf32>
        %swap3A = arith.constant 2 : i32
        %swap3A_508 = arith.index_cast %swap3A : i32 to index
        %swap3A_509 = arith.index_cast %scan3A_496 : i32 to index
        %swap3A_510 = arith.constant 0 : index
        %swap3A_511 = tpu.vector_load %arg9[%swap3A_508, %swap3A_509, %swap3A_510] {strides = array<i32>} : memref<3x128x128xf32, #tpu.memory_space<vmem>>, vector<1x1x16xf32>,
        %swap3A_512 = vector.shape_cast %swap3A_511 : vector<1x1x16xf32> to vector<16xf32>
        %swap3A_513 = vector.shape_cast %sub3A : vector<16xf32> to vector<1x1x16xf32>
        tpu.vector_store %arg9[%swap3A_508, %swap3A_509, %swap3A_510], %swap3A_513 {strides = array<i32>} : memref<3x128x128xf32, #tpu.memory_space<vmem>>, vector<1x1x16xf32>,
        %get3A_514 = arith.constant 2 : i32
        %get3A_515 = arith.index_cast %get3A_514 : i32 to index
        %get3A_516 = arith.index_cast %scan3A_496 : i32 to index
        %get3A_517 = arith.constant 16 : index
        %get3A_518 = tpu.vector_load %arg8[%get3A_515, %get3A_516, %get3A_517] {strides = array<i32>} : memref<3x128x128xf32, #tpu.memory_space<vmem>>, vector<1x1x16xf32>,
        %get3A_519 = vector.shape_cast %get3A_518 : vector<1x1x16xf32> to vector<16xf32>
        %get3A_520 = arith.constant 2 : i32
        %get3A_521 = arith.index_cast %get3A_520 : i32 to index
        %get3A_522 = arith.index_cast %scan3A_496 : i32 to index
        %get3A_523 = arith.constant 16 : index
        %get3A_524 = tpu.vector_load %arg9[%get3A_521, %get3A_522, %get3A_523] {strides = array<i32>} : memref<3x128x128xf32, #tpu.memory_space<vmem>>, vector<1x1x16xf32>,
        %get3A_525 = vector.shape_cast %get3A_524 : vector<1x1x16xf32> to vector<16xf32>
        %sub3A_526 = arith.subf %get3A_519, %get3A_525 : vector<16xf32>
        %swap3A_527 = arith.constant 2 : i32
        %swap3A_528 = arith.index_cast %swap3A_527 : i32 to index
        %swap3A_529 = arith.index_cast %scan3A_496 : i32 to index
        %swap3A_530 = arith.constant 16 : index
        %swap3A_531 = tpu.vector_load %arg9[%swap3A_528, %swap3A_529, %swap3A_530] {strides = array<i32>} : memref<3x128x128xf32, #tpu.memory_space<vmem>>, vector<1x1x16xf32>,
        %swap3A_532 = vector.shape_cast %swap3A_531 : vector<1x1x16xf32> to vector<16xf32>
        %swap3A_533 = vector.shape_cast %sub3A_526 : vector<16xf32> to vector<1x1x16xf32>
        tpu.vector_store %arg9[%swap3A_528, %swap3A_529, %swap3A_530], %swap3A_533 {strides = array<i32>} : memref<3x128x128xf32, #tpu.memory_space<vmem>>, vector<1x1x16xf32>,
        %get3A_534 = arith.constant 2 : i32
        %get3A_535 = arith.index_cast %get3A_534 : i32 to index
        %get3A_536 = arith.index_cast %scan3A_496 : i32 to index
        %get3A_537 = arith.constant 32 : index
        %get3A_538 = tpu.vector_load %arg8[%get3A_535, %get3A_536, %get3A_537] {strides = array<i32>} : memref<3x128x128xf32, #tpu.memory_space<vmem>>, vector<1x1x16xf32>,
        %get3A_539 = vector.shape_cast %get3A_538 : vector<1x1x16xf32> to vector<16xf32>
        %get3A_540 = arith.constant 2 : i32
        %get3A_541 = arith.index_cast %get3A_540 : i32 to index
        %get3A_542 = arith.index_cast %scan3A_496 : i32 to index
        %get3A_543 = arith.constant 32 : index
        %get3A_544 = tpu.vector_load %arg9[%get3A_541, %get3A_542, %get3A_543] {strides = array<i32>} : memref<3x128x128xf32, #tpu.memory_space<vmem>>, vector<1x1x16xf32>,
        %get3A_545 = vector.shape_cast %get3A_544 : vector<1x1x16xf32> to vector<16xf32>
        %sub3A_546 = arith.subf %get3A_539, %get3A_545 : vector<16xf32>
        %swap3A_547 = arith.constant 2 : i32
        %swap3A_548 = arith.index_cast %swap3A_547 : i32 to index
        %swap3A_549 = arith.index_cast %scan3A_496 : i32 to index
        %swap3A_550 = arith.constant 32 : index
        %swap3A_551 = tpu.vector_load %arg9[%swap3A_548, %swap3A_549, %swap3A_550] {strides = array<i32>} : memref<3x128x128xf32, #tpu.memory_space<vmem>>, vector<1x1x16xf32>,
        %swap3A_552 = vector.shape_cast %swap3A_551 : vector<1x1x16xf32> to vector<16xf32>
        %swap3A_553 = vector.shape_cast %sub3A_546 : vector<16xf32> to vector<1x1x16xf32>
        tpu.vector_store %arg9[%swap3A_548, %swap3A_549, %swap3A_550], %swap3A_553 {strides = array<i32>} : memref<3x128x128xf32, #tpu.memory_space<vmem>>, vector<1x1x16xf32>,
        %get3A_554 = arith.constant 2 : i32
        %get3A_555 = arith.index_cast %get3A_554 : i32 to index
        %get3A_556 = arith.index_cast %scan3A_496 : i32 to index
        %get3A_557 = arith.constant 48 : index
        %get3A_558 = tpu.vector_load %arg8[%get3A_555, %get3A_556, %get3A_557] {strides = array<i32>} : memref<3x128x128xf32, #tpu.memory_space<vmem>>, vector<1x1x16xf32>,
        %get3A_559 = vector.shape_cast %get3A_558 : vector<1x1x16xf32> to vector<16xf32>
        %get3A_560 = arith.constant 2 : i32
        %get3A_561 = arith.index_cast %get3A_560 : i32 to index
        %get3A_562 = arith.index_cast %scan3A_496 : i32 to index
        %get3A_563 = arith.constant 48 : index
        %get3A_564 = tpu.vector_load %arg9[%get3A_561, %get3A_562, %get3A_563] {strides = array<i32>} : memref<3x128x128xf32, #tpu.memory_space<vmem>>, vector<1x1x16xf32>,
        %get3A_565 = vector.shape_cast %get3A_564 : vector<1x1x16xf32> to vector<16xf32>
        %sub3A_566 = arith.subf %get3A_559, %get3A_565 : vector<16xf32>
        %swap3A_567 = arith.constant 2 : i32
        %swap3A_568 = arith.index_cast %swap3A_567 : i32 to index
        %swap3A_569 = arith.index_cast %scan3A_496 : i32 to index
        %swap3A_570 = arith.constant 48 : index
        %swap3A_571 = tpu.vector_load %arg9[%swap3A_568, %swap3A_569, %swap3A_570] {strides = array<i32>} : memref<3x128x128xf32, #tpu.memory_space<vmem>>, vector<1x1x16xf32>,
        %swap3A_572 = vector.shape_cast %swap3A_571 : vector<1x1x16xf32> to vector<16xf32>
        %swap3A_573 = vector.shape_cast %sub3A_566 : vector<16xf32> to vector<1x1x16xf32>
        tpu.vector_store %arg9[%swap3A_568, %swap3A_569, %swap3A_570], %swap3A_573 {strides = array<i32>} : memref<3x128x128xf32, #tpu.memory_space<vmem>>, vector<1x1x16xf32>,
        %get3A_574 = arith.constant 2 : i32
        %get3A_575 = arith.index_cast %get3A_574 : i32 to index
        %get3A_576 = arith.index_cast %scan3A_496 : i32 to index
        %get3A_577 = arith.constant 64 : index
        %get3A_578 = tpu.vector_load %arg8[%get3A_575, %get3A_576, %get3A_577] {strides = array<i32>} : memref<3x128x128xf32, #tpu.memory_space<vmem>>, vector<1x1x16xf32>,
        %get3A_579 = vector.shape_cast %get3A_578 : vector<1x1x16xf32> to vector<16xf32>
        %get3A_580 = arith.constant 2 : i32
        %get3A_581 = arith.index_cast %get3A_580 : i32 to index
        %get3A_582 = arith.index_cast %scan3A_496 : i32 to index
        %get3A_583 = arith.constant 64 : index
        %get3A_584 = tpu.vector_load %arg9[%get3A_581, %get3A_582, %get3A_583] {strides = array<i32>} : memref<3x128x128xf32, #tpu.memory_space<vmem>>, vector<1x1x16xf32>,
        %get3A_585 = vector.shape_cast %get3A_584 : vector<1x1x16xf32> to vector<16xf32>
        %sub3A_586 = arith.subf %get3A_579, %get3A_585 : vector<16xf32>
        %swap3A_587 = arith.constant 2 : i32
        %swap3A_588 = arith.index_cast %swap3A_587 : i32 to index
        %swap3A_589 = arith.index_cast %scan3A_496 : i32 to index
        %swap3A_590 = arith.constant 64 : index
        %swap3A_591 = tpu.vector_load %arg9[%swap3A_588, %swap3A_589, %swap3A_590] {strides = array<i32>} : memref<3x128x128xf32, #tpu.memory_space<vmem>>, vector<1x1x16xf32>,
        %swap3A_592 = vector.shape_cast %swap3A_591 : vector<1x1x16xf32> to vector<16xf32>
        %swap3A_593 = vector.shape_cast %sub3A_586 : vector<16xf32> to vector<1x1x16xf32>
        tpu.vector_store %arg9[%swap3A_588, %swap3A_589, %swap3A_590], %swap3A_593 {strides = array<i32>} : memref<3x128x128xf32, #tpu.memory_space<vmem>>, vector<1x1x16xf32>,
        %get3A_594 = arith.constant 2 : i32
        %get3A_595 = arith.index_cast %get3A_594 : i32 to index
        %get3A_596 = arith.index_cast %scan3A_496 : i32 to index
        %get3A_597 = arith.constant 80 : index
        %get3A_598 = tpu.vector_load %arg8[%get3A_595, %get3A_596, %get3A_597] {strides = array<i32>} : memref<3x128x128xf32, #tpu.memory_space<vmem>>, vector<1x1x16xf32>,
        %get3A_599 = vector.shape_cast %get3A_598 : vector<1x1x16xf32> to vector<16xf32>
        %get3A_600 = arith.constant 2 : i32
        %get3A_601 = arith.index_cast %get3A_600 : i32 to index
        %get3A_602 = arith.index_cast %scan3A_496 : i32 to index
        %get3A_603 = arith.constant 80 : index
        %get3A_604 = tpu.vector_load %arg9[%get3A_601, %get3A_602, %get3A_603] {strides = array<i32>} : memref<3x128x128xf32, #tpu.memory_space<vmem>>, vector<1x1x16xf32>,
        %get3A_605 = vector.shape_cast %get3A_604 : vector<1x1x16xf32> to vector<16xf32>
        %sub3A_606 = arith.subf %get3A_599, %get3A_605 : vector<16xf32>
        %swap3A_607 = arith.constant 2 : i32
        %swap3A_608 = arith.index_cast %swap3A_607 : i32 to index
        %swap3A_609 = arith.index_cast %scan3A_496 : i32 to index
        %swap3A_610 = arith.constant 80 : index
        %swap3A_611 = tpu.vector_load %arg9[%swap3A_608, %swap3A_609, %swap3A_610] {strides = array<i32>} : memref<3x128x128xf32, #tpu.memory_space<vmem>>, vector<1x1x16xf32>,
        %swap3A_612 = vector.shape_cast %swap3A_611 : vector<1x1x16xf32> to vector<16xf32>
        %swap3A_613 = vector.shape_cast %sub3A_606 : vector<16xf32> to vector<1x1x16xf32>
        tpu.vector_store %arg9[%swap3A_608, %swap3A_609, %swap3A_610], %swap3A_613 {strides = array<i32>} : memref<3x128x128xf32, #tpu.memory_space<vmem>>, vector<1x1x16xf32>,
        %get3A_614 = arith.constant 2 : i32
        %get3A_615 = arith.index_cast %get3A_614 : i32 to index
        %get3A_616 = arith.index_cast %scan3A_496 : i32 to index
        %get3A_617 = arith.constant 96 : index
        %get3A_618 = tpu.vector_load %arg8[%get3A_615, %get3A_616, %get3A_617] {strides = array<i32>} : memref<3x128x128xf32, #tpu.memory_space<vmem>>, vector<1x1x16xf32>,
        %get3A_619 = vector.shape_cast %get3A_618 : vector<1x1x16xf32> to vector<16xf32>
        %get3A_620 = arith.constant 2 : i32
        %get3A_621 = arith.index_cast %get3A_620 : i32 to index
        %get3A_622 = arith.index_cast %scan3A_496 : i32 to index
        %get3A_623 = arith.constant 96 : index
        %get3A_624 = tpu.vector_load %arg9[%get3A_621, %get3A_622, %get3A_623] {strides = array<i32>} : memref<3x128x128xf32, #tpu.memory_space<vmem>>, vector<1x1x16xf32>,
        %get3A_625 = vector.shape_cast %get3A_624 : vector<1x1x16xf32> to vector<16xf32>
        %sub3A_626 = arith.subf %get3A_619, %get3A_625 : vector<16xf32>
        %swap3A_627 = arith.constant 2 : i32
        %swap3A_628 = arith.index_cast %swap3A_627 : i32 to index
        %swap3A_629 = arith.index_cast %scan3A_496 : i32 to index
        %swap3A_630 = arith.constant 96 : index
        %swap3A_631 = tpu.vector_load %arg9[%swap3A_628, %swap3A_629, %swap3A_630] {strides = array<i32>} : memref<3x128x128xf32, #tpu.memory_space<vmem>>, vector<1x1x16xf32>,
        %swap3A_632 = vector.shape_cast %swap3A_631 : vector<1x1x16xf32> to vector<16xf32>
        %swap3A_633 = vector.shape_cast %sub3A_626 : vector<16xf32> to vector<1x1x16xf32>
        tpu.vector_store %arg9[%swap3A_628, %swap3A_629, %swap3A_630], %swap3A_633 {strides = array<i32>} : memref<3x128x128xf32, #tpu.memory_space<vmem>>, vector<1x1x16xf32>,
        %get3A_634 = arith.constant 2 : i32
        %get3A_635 = arith.index_cast %get3A_634 : i32 to index
        %get3A_636 = arith.index_cast %scan3A_496 : i32 to index
        %get3A_637 = arith.constant 112 : index
        %get3A_638 = tpu.vector_load %arg8[%get3A_635, %get3A_636, %get3A_637] {strides = array<i32>} : memref<3x128x128xf32, #tpu.memory_space<vmem>>, vector<1x1x16xf32>,
        %get3A_639 = vector.shape_cast %get3A_638 : vector<1x1x16xf32> to vector<16xf32>
        %get3A_640 = arith.constant 2 : i32
        %get3A_641 = arith.index_cast %get3A_640 : i32 to index
        %get3A_642 = arith.index_cast %scan3A_496 : i32 to index
        %get3A_643 = arith.constant 112 : index
        %get3A_644 = tpu.vector_load %arg9[%get3A_641, %get3A_642, %get3A_643] {strides = array<i32>} : memref<3x128x128xf32, #tpu.memory_space<vmem>>, vector<1x1x16xf32>,
        %get3A_645 = vector.shape_cast %get3A_644 : vector<1x1x16xf32> to vector<16xf32>
        %sub3A_646 = arith.subf %get3A_639, %get3A_645 : vector<16xf32>
        %swap3A_647 = arith.constant 2 : i32
        %swap3A_648 = arith.index_cast %swap3A_647 : i32 to index
        %swap3A_649 = arith.index_cast %scan3A_496 : i32 to index
        %swap3A_650 = arith.constant 112 : index
        %swap3A_651 = tpu.vector_load %arg9[%swap3A_648, %swap3A_649, %swap3A_650] {strides = array<i32>} : memref<3x128x128xf32, #tpu.memory_space<vmem>>, vector<1x1x16xf32>,
        %swap3A_652 = vector.shape_cast %swap3A_651 : vector<1x1x16xf32> to vector<16xf32>
        %swap3A_653 = vector.shape_cast %sub3A_646 : vector<16xf32> to vector<1x1x16xf32>
        tpu.vector_store %arg9[%swap3A_648, %swap3A_649, %swap3A_650], %swap3A_653 {strides = array<i32>} : memref<3x128x128xf32, #tpu.memory_space<vmem>>, vector<1x1x16xf32>,
        %scan3A_654 = arith.constant 1 : i32
        %scan3A_655 = arith.addi %scan3A_496, %scan3A_654 : i32
        %get3A_656 = arith.constant 2 : i32
        %get3A_657 = arith.index_cast %get3A_656 : i32 to index
        %get3A_658 = arith.index_cast %scan3A_655 : i32 to index
        %get3A_659 = arith.constant 0 : index
        %get3A_660 = tpu.vector_load %arg8[%get3A_657, %get3A_658, %get3A_659] {strides = array<i32>} : memref<3x128x128xf32, #tpu.memory_space<vmem>>, vector<1x1x16xf32>,
        %get3A_661 = vector.shape_cast %get3A_660 : vector<1x1x16xf32> to vector<16xf32>
        %get3A_662 = arith.constant 2 : i32
        %get3A_663 = arith.index_cast %get3A_662 : i32 to index
        %get3A_664 = arith.index_cast %scan3A_655 : i32 to index
        %get3A_665 = arith.constant 0 : index
        %get3A_666 = tpu.vector_load %arg9[%get3A_663, %get3A_664, %get3A_665] {strides = array<i32>} : memref<3x128x128xf32, #tpu.memory_space<vmem>>, vector<1x1x16xf32>,
        %get3A_667 = vector.shape_cast %get3A_666 : vector<1x1x16xf32> to vector<16xf32>
        %sub3A_668 = arith.subf %get3A_661, %get3A_667 : vector<16xf32>
        %swap3A_669 = arith.constant 2 : i32
        %swap3A_670 = arith.index_cast %swap3A_669 : i32 to index
        %swap3A_671 = arith.index_cast %scan3A_655 : i32 to index
        %swap3A_672 = arith.constant 0 : index
        %swap3A_673 = tpu.vector_load %arg9[%swap3A_670, %swap3A_671, %swap3A_672] {strides = array<i32>} : memref<3x128x128xf32, #tpu.memory_space<vmem>>, vector<1x1x16xf32>,
        %swap3A_674 = vector.shape_cast %swap3A_673 : vector<1x1x16xf32> to vector<16xf32>
        %swap3A_675 = vector.shape_cast %sub3A_668 : vector<16xf32> to vector<1x1x16xf32>
        tpu.vector_store %arg9[%swap3A_670, %swap3A_671, %swap3A_672], %swap3A_675 {strides = array<i32>} : memref<3x128x128xf32, #tpu.memory_space<vmem>>, vector<1x1x16xf32>,
        %get3A_676 = arith.constant 2 : i32
        %get3A_677 = arith.index_cast %get3A_676 : i32 to index
        %get3A_678 = arith.index_cast %scan3A_655 : i32 to index
        %get3A_679 = arith.constant 16 : index
        %get3A_680 = tpu.vector_load %arg8[%get3A_677, %get3A_678, %get3A_679] {strides = array<i32>} : memref<3x128x128xf32, #tpu.memory_space<vmem>>, vector<1x1x16xf32>,
        %get3A_681 = vector.shape_cast %get3A_680 : vector<1x1x16xf32> to vector<16xf32>
        %get3A_682 = arith.constant 2 : i32
        %get3A_683 = arith.index_cast %get3A_682 : i32 to index
        %get3A_684 = arith.index_cast %scan3A_655 : i32 to index
        %get3A_685 = arith.constant 16 : index
        %get3A_686 = tpu.vector_load %arg9[%get3A_683, %get3A_684, %get3A_685] {strides = array<i32>} : memref<3x128x128xf32, #tpu.memory_space<vmem>>, vector<1x1x16xf32>,
        %get3A_687 = vector.shape_cast %get3A_686 : vector<1x1x16xf32> to vector<16xf32>
        %sub3A_688 = arith.subf %get3A_681, %get3A_687 : vector<16xf32>
        %swap3A_689 = arith.constant 2 : i32
        %swap3A_690 = arith.index_cast %swap3A_689 : i32 to index
        %swap3A_691 = arith.index_cast %scan3A_655 : i32 to index
        %swap3A_692 = arith.constant 16 : index
        %swap3A_693 = tpu.vector_load %arg9[%swap3A_690, %swap3A_691, %swap3A_692] {strides = array<i32>} : memref<3x128x128xf32, #tpu.memory_space<vmem>>, vector<1x1x16xf32>,
        %swap3A_694 = vector.shape_cast %swap3A_693 : vector<1x1x16xf32> to vector<16xf32>
        %swap3A_695 = vector.shape_cast %sub3A_688 : vector<16xf32> to vector<1x1x16xf32>
        tpu.vector_store %arg9[%swap3A_690, %swap3A_691, %swap3A_692], %swap3A_695 {strides = array<i32>} : memref<3x128x128xf32, #tpu.memory_space<vmem>>, vector<1x1x16xf32>,
        %get3A_696 = arith.constant 2 : i32
        %get3A_697 = arith.index_cast %get3A_696 : i32 to index
        %get3A_698 = arith.index_cast %scan3A_655 : i32 to index
        %get3A_699 = arith.constant 32 : index
        %get3A_700 = tpu.vector_load %arg8[%get3A_697, %get3A_698, %get3A_699] {strides = array<i32>} : memref<3x128x128xf32, #tpu.memory_space<vmem>>, vector<1x1x16xf32>,
        %get3A_701 = vector.shape_cast %get3A_700 : vector<1x1x16xf32> to vector<16xf32>
        %get3A_702 = arith.constant 2 : i32
        %get3A_703 = arith.index_cast %get3A_702 : i32 to index
        %get3A_704 = arith.index_cast %scan3A_655 : i32 to index
        %get3A_705 = arith.constant 32 : index
        %get3A_706 = tpu.vector_load %arg9[%get3A_703, %get3A_704, %get3A_705] {strides = array<i32>} : memref<3x128x128xf32, #tpu.memory_space<vmem>>, vector<1x1x16xf32>,
        %get3A_707 = vector.shape_cast %get3A_706 : vector<1x1x16xf32> to vector<16xf32>
        %sub3A_708 = arith.subf %get3A_701, %get3A_707 : vector<16xf32>
        %swap3A_709 = arith.constant 2 : i32
        %swap3A_710 = arith.index_cast %swap3A_709 : i32 to index
        %swap3A_711 = arith.index_cast %scan3A_655 : i32 to index
        %swap3A_712 = arith.constant 32 : index
        %swap3A_713 = tpu.vector_load %arg9[%swap3A_710, %swap3A_711, %swap3A_712] {strides = array<i32>} : memref<3x128x128xf32, #tpu.memory_space<vmem>>, vector<1x1x16xf32>,
        %swap3A_714 = vector.shape_cast %swap3A_713 : vector<1x1x16xf32> to vector<16xf32>
        %swap3A_715 = vector.shape_cast %sub3A_708 : vector<16xf32> to vector<1x1x16xf32>
        tpu.vector_store %arg9[%swap3A_710, %swap3A_711, %swap3A_712], %swap3A_715 {strides = array<i32>} : memref<3x128x128xf32, #tpu.memory_space<vmem>>, vector<1x1x16xf32>,
        %get3A_716 = arith.constant 2 : i32
        %get3A_717 = arith.index_cast %get3A_716 : i32 to index
        %get3A_718 = arith.index_cast %scan3A_655 : i32 to index
        %get3A_719 = arith.constant 48 : index
        %get3A_720 = tpu.vector_load %arg8[%get3A_717, %get3A_718, %get3A_719] {strides = array<i32>} : memref<3x128x128xf32, #tpu.memory_space<vmem>>, vector<1x1x16xf32>,
        %get3A_721 = vector.shape_cast %get3A_720 : vector<1x1x16xf32> to vector<16xf32>
        %get3A_722 = arith.constant 2 : i32
        %get3A_723 = arith.index_cast %get3A_722 : i32 to index
        %get3A_724 = arith.index_cast %scan3A_655 : i32 to index
        %get3A_725 = arith.constant 48 : index
        %get3A_726 = tpu.vector_load %arg9[%get3A_723, %get3A_724, %get3A_725] {strides = array<i32>} : memref<3x128x128xf32, #tpu.memory_space<vmem>>, vector<1x1x16xf32>,
        %get3A_727 = vector.shape_cast %get3A_726 : vector<1x1x16xf32> to vector<16xf32>
        %sub3A_728 = arith.subf %get3A_721, %get3A_727 : vector<16xf32>
        %swap3A_729 = arith.constant 2 : i32
        %swap3A_730 = arith.index_cast %swap3A_729 : i32 to index
        %swap3A_731 = arith.index_cast %scan3A_655 : i32 to index
        %swap3A_732 = arith.constant 48 : index
        %swap3A_733 = tpu.vector_load %arg9[%swap3A_730, %swap3A_731, %swap3A_732] {strides = array<i32>} : memref<3x128x128xf32, #tpu.memory_space<vmem>>, vector<1x1x16xf32>,
        %swap3A_734 = vector.shape_cast %swap3A_733 : vector<1x1x16xf32> to vector<16xf32>
        %swap3A_735 = vector.shape_cast %sub3A_728 : vector<16xf32> to vector<1x1x16xf32>
        tpu.vector_store %arg9[%swap3A_730, %swap3A_731, %swap3A_732], %swap3A_735 {strides = array<i32>} : memref<3x128x128xf32, #tpu.memory_space<vmem>>, vector<1x1x16xf32>,
        %get3A_736 = arith.constant 2 : i32
        %get3A_737 = arith.index_cast %get3A_736 : i32 to index
        %get3A_738 = arith.index_cast %scan3A_655 : i32 to index
        %get3A_739 = arith.constant 64 : index
        %get3A_740 = tpu.vector_load %arg8[%get3A_737, %get3A_738, %get3A_739] {strides = array<i32>} : memref<3x128x128xf32, #tpu.memory_space<vmem>>, vector<1x1x16xf32>,
        %get3A_741 = vector.shape_cast %get3A_740 : vector<1x1x16xf32> to vector<16xf32>
        %get3A_742 = arith.constant 2 : i32
        %get3A_743 = arith.index_cast %get3A_742 : i32 to index
        %get3A_744 = arith.index_cast %scan3A_655 : i32 to index
        %get3A_745 = arith.constant 64 : index
        %get3A_746 = tpu.vector_load %arg9[%get3A_743, %get3A_744, %get3A_745] {strides = array<i32>} : memref<3x128x128xf32, #tpu.memory_space<vmem>>, vector<1x1x16xf32>,
        %get3A_747 = vector.shape_cast %get3A_746 : vector<1x1x16xf32> to vector<16xf32>
        %sub3A_748 = arith.subf %get3A_741, %get3A_747 : vector<16xf32>
        %swap3A_749 = arith.constant 2 : i32
        %swap3A_750 = arith.index_cast %swap3A_749 : i32 to index
        %swap3A_751 = arith.index_cast %scan3A_655 : i32 to index
        %swap3A_752 = arith.constant 64 : index
        %swap3A_753 = tpu.vector_load %arg9[%swap3A_750, %swap3A_751, %swap3A_752] {strides = array<i32>} : memref<3x128x128xf32, #tpu.memory_space<vmem>>, vector<1x1x16xf32>,
        %swap3A_754 = vector.shape_cast %swap3A_753 : vector<1x1x16xf32> to vector<16xf32>
        %swap3A_755 = vector.shape_cast %sub3A_748 : vector<16xf32> to vector<1x1x16xf32>
        tpu.vector_store %arg9[%swap3A_750, %swap3A_751, %swap3A_752], %swap3A_755 {strides = array<i32>} : memref<3x128x128xf32, #tpu.memory_space<vmem>>, vector<1x1x16xf32>,
        %get3A_756 = arith.constant 2 : i32
        %get3A_757 = arith.index_cast %get3A_756 : i32 to index
        %get3A_758 = arith.index_cast %scan3A_655 : i32 to index
        %get3A_759 = arith.constant 80 : index
        %get3A_760 = tpu.vector_load %arg8[%get3A_757, %get3A_758, %get3A_759] {strides = array<i32>} : memref<3x128x128xf32, #tpu.memory_space<vmem>>, vector<1x1x16xf32>,
        %get3A_761 = vector.shape_cast %get3A_760 : vector<1x1x16xf32> to vector<16xf32>
        %get3A_762 = arith.constant 2 : i32
        %get3A_763 = arith.index_cast %get3A_762 : i32 to index
        %get3A_764 = arith.index_cast %scan3A_655 : i32 to index
        %get3A_765 = arith.constant 80 : index
        %get3A_766 = tpu.vector_load %arg9[%get3A_763, %get3A_764, %get3A_765] {strides = array<i32>} : memref<3x128x128xf32, #tpu.memory_space<vmem>>, vector<1x1x16xf32>,
        %get3A_767 = vector.shape_cast %get3A_766 : vector<1x1x16xf32> to vector<16xf32>
        %sub3A_768 = arith.subf %get3A_761, %get3A_767 : vector<16xf32>
        %swap3A_769 = arith.constant 2 : i32
        %swap3A_770 = arith.index_cast %swap3A_769 : i32 to index
        %swap3A_771 = arith.index_cast %scan3A_655 : i32 to index
        %swap3A_772 = arith.constant 80 : index
        %swap3A_773 = tpu.vector_load %arg9[%swap3A_770, %swap3A_771, %swap3A_772] {strides = array<i32>} : memref<3x128x128xf32, #tpu.memory_space<vmem>>, vector<1x1x16xf32>,
        %swap3A_774 = vector.shape_cast %swap3A_773 : vector<1x1x16xf32> to vector<16xf32>
        %swap3A_775 = vector.shape_cast %sub3A_768 : vector<16xf32> to vector<1x1x16xf32>
        tpu.vector_store %arg9[%swap3A_770, %swap3A_771, %swap3A_772], %swap3A_775 {strides = array<i32>} : memref<3x128x128xf32, #tpu.memory_space<vmem>>, vector<1x1x16xf32>,
        %get3A_776 = arith.constant 2 : i32
        %get3A_777 = arith.index_cast %get3A_776 : i32 to index
        %get3A_778 = arith.index_cast %scan3A_655 : i32 to index
        %get3A_779 = arith.constant 96 : index
        %get3A_780 = tpu.vector_load %arg8[%get3A_777, %get3A_778, %get3A_779] {strides = array<i32>} : memref<3x128x128xf32, #tpu.memory_space<vmem>>, vector<1x1x16xf32>,
        %get3A_781 = vector.shape_cast %get3A_780 : vector<1x1x16xf32> to vector<16xf32>
        %get3A_782 = arith.constant 2 : i32
        %get3A_783 = arith.index_cast %get3A_782 : i32 to index
        %get3A_784 = arith.index_cast %scan3A_655 : i32 to index
        %get3A_785 = arith.constant 96 : index
        %get3A_786 = tpu.vector_load %arg9[%get3A_783, %get3A_784, %get3A_785] {strides = array<i32>} : memref<3x128x128xf32, #tpu.memory_space<vmem>>, vector<1x1x16xf32>,
        %get3A_787 = vector.shape_cast %get3A_786 : vector<1x1x16xf32> to vector<16xf32>
        %sub3A_788 = arith.subf %get3A_781, %get3A_787 : vector<16xf32>
        %swap3A_789 = arith.constant 2 : i32
        %swap3A_790 = arith.index_cast %swap3A_789 : i32 to index
        %swap3A_791 = arith.index_cast %scan3A_655 : i32 to index
        %swap3A_792 = arith.constant 96 : index
        %swap3A_793 = tpu.vector_load %arg9[%swap3A_790, %swap3A_791, %swap3A_792] {strides = array<i32>} : memref<3x128x128xf32, #tpu.memory_space<vmem>>, vector<1x1x16xf32>,
        %swap3A_794 = vector.shape_cast %swap3A_793 : vector<1x1x16xf32> to vector<16xf32>
        %swap3A_795 = vector.shape_cast %sub3A_788 : vector<16xf32> to vector<1x1x16xf32>
        tpu.vector_store %arg9[%swap3A_790, %swap3A_791, %swap3A_792], %swap3A_795 {strides = array<i32>} : memref<3x128x128xf32, #tpu.memory_space<vmem>>, vector<1x1x16xf32>,
        %get3A_796 = arith.constant 2 : i32
        %get3A_797 = arith.index_cast %get3A_796 : i32 to index
        %get3A_798 = arith.index_cast %scan3A_655 : i32 to index
        %get3A_799 = arith.constant 112 : index
        %get3A_800 = tpu.vector_load %arg8[%get3A_797, %get3A_798, %get3A_799] {strides = array<i32>} : memref<3x128x128xf32, #tpu.memory_space<vmem>>, vector<1x1x16xf32>,
        %get3A_801 = vector.shape_cast %get3A_800 : vector<1x1x16xf32> to vector<16xf32>
        %get3A_802 = arith.constant 2 : i32
        %get3A_803 = arith.index_cast %get3A_802 : i32 to index
        %get3A_804 = arith.index_cast %scan3A_655 : i32 to index
        %get3A_805 = arith.constant 112 : index
        %get3A_806 = tpu.vector_load %arg9[%get3A_803, %get3A_804, %get3A_805] {strides = array<i32>} : memref<3x128x128xf32, #tpu.memory_space<vmem>>, vector<1x1x16xf32>,
        %get3A_807 = vector.shape_cast %get3A_806 : vector<1x1x16xf32> to vector<16xf32>
        %sub3A_808 = arith.subf %get3A_801, %get3A_807 : vector<16xf32>
        %swap3A_809 = arith.constant 2 : i32
        %swap3A_810 = arith.index_cast %swap3A_809 : i32 to index
        %swap3A_811 = arith.index_cast %scan3A_655 : i32 to index
        %swap3A_812 = arith.constant 112 : index
        %swap3A_813 = tpu.vector_load %arg9[%swap3A_810, %swap3A_811, %swap3A_812] {strides = array<i32>} : memref<3x128x128xf32, #tpu.memory_space<vmem>>, vector<1x1x16xf32>,
        %swap3A_814 = vector.shape_cast %swap3A_813 : vector<1x1x16xf32> to vector<16xf32>
        %swap3A_815 = vector.shape_cast %sub3A_808 : vector<16xf32> to vector<1x1x16xf32>
        tpu.vector_store %arg9[%swap3A_810, %swap3A_811, %swap3A_812], %swap3A_815 {strides = array<i32>} : memref<3x128x128xf32, #tpu.memory_space<vmem>>, vector<1x1x16xf32>,
      }
      %scan3A_354 = arith.constant 128 : i32
      %mul3A_355 = arith.constant 3 : i32
      %mul3A_356 = arith.muli %scan3A_180, %mul3A_355 : i32
      %add3A_357 = arith.constant 2 : i32
      %add3A_358 = arith.addi %mul3A_356, %add3A_357 : i32
      %mul3A_359 = arith.constant 128 : i32
      %mul3A_360 = arith.muli %add3A_358, %mul3A_359 : i32
      %add3A_361 = arith.addi %mul3A_2, %mul3A_360 : i32
      %dma_start3A_362 = arith.constant 2 : i32
      %dma_start3A_363 = arith.constant 0 : i32
      %dma_start3A_364 = arith.constant 0 : i32
      %dma_start3A_365 = tpu.memref_slice %arg9[%dma_start3A_362, %dma_start3A_363, %dma_start3A_364] : memref<3x128x128xf32, #tpu.memory_space<vmem>> -> memref<1x128x128xf32, #tpu.memory_space<vmem>>
      %dma_start3A_366 = tpu.memref_squeeze %dma_start3A_365 : memref<1x128x128xf32, #tpu.memory_space<vmem>> -> memref<128x128xf32, #tpu.memory_space<vmem>>
      %dma_start3A_367 = arith.constant 0 : i32
      %dma_start3A_368 = tpu.memref_slice %arg5[%add3A_361, %dma_start3A_367] : memref<320000x256xf32, #tpu.memory_space<hbm>> -> memref<128x128xf32, #tpu.memory_space<hbm>>
      %dma_start3A_369 = arith.constant 0 : i32
      %dma_start3A_370 = tpu.memref_slice %arg5[%add3A_361, %dma_start3A_369] : memref<320000x256xf32, #tpu.memory_space<hbm>> -> memref<128x128xf32, #tpu.memory_space<hbm>>
      %dma_start3A_371 = arith.constant 0 : i32
      %dma_start3A_372 = arith.constant 0 : i32
      %dma_start3A_373 = tpu.memref_slice %arg9[%dma_start3A_362, %dma_start3A_371, %dma_start3A_372] : memref<3x128x128xf32, #tpu.memory_space<vmem>> -> memref<1x128x128xf32, #tpu.memory_space<vmem>>
      %dma_start3A_374 = tpu.memref_squeeze %dma_start3A_373 : memref<1x128x128xf32, #tpu.memory_space<vmem>> -> memref<128x128xf32, #tpu.memory_space<vmem>>
      tpu.enqueue_dma source(%dma_start3A_374 : memref<128x128xf32, #tpu.memory_space<vmem>>) target(%dma_start3A_370 : memref<128x128xf32, #tpu.memory_space<hbm>>) target_semaphore(%arg15 : memref<!tpu.dma_semaphore, #tpu.memory_space<semaphore_mem>>)
      %dma_start3A_375 = arith.constant 2 : i32
      %dma_start3A_376 = arith.constant 0 : i32
      %dma_start3A_377 = arith.constant 0 : i32
      %dma_start3A_378 = tpu.memref_slice %arg8[%dma_start3A_375, %dma_start3A_376, %dma_start3A_377] : memref<3x128x128xf32, #tpu.memory_space<vmem>> -> memref<1x128x128xf32, #tpu.memory_space<vmem>>
      %dma_start3A_379 = tpu.memref_squeeze %dma_start3A_378 : memref<1x128x128xf32, #tpu.memory_space<vmem>> -> memref<128x128xf32, #tpu.memory_space<vmem>>
      %dma_start3A_380 = arith.constant 128 : i32
      %dma_start3A_381 = tpu.memref_slice %arg5[%add3A_361, %dma_start3A_380] : memref<320000x256xf32, #tpu.memory_space<hbm>> -> memref<128x128xf32, #tpu.memory_space<hbm>>
      %dma_start3A_382 = arith.constant 128 : i32
      %dma_start3A_383 = tpu.memref_slice %arg5[%add3A_361, %dma_start3A_382] : memref<320000x256xf32, #tpu.memory_space<hbm>> -> memref<128x128xf32, #tpu.memory_space<hbm>>
      %dma_start3A_384 = arith.constant 0 : i32
      %dma_start3A_385 = arith.constant 0 : i32
      %dma_start3A_386 = tpu.memref_slice %arg8[%dma_start3A_375, %dma_start3A_384, %dma_start3A_385] : memref<3x128x128xf32, #tpu.memory_space<vmem>> -> memref<1x128x128xf32, #tpu.memory_space<vmem>>
      %dma_start3A_387 = tpu.memref_squeeze %dma_start3A_386 : memref<1x128x128xf32, #tpu.memory_space<vmem>> -> memref<128x128xf32, #tpu.memory_space<vmem>>
      tpu.enqueue_dma source(%dma_start3A_387 : memref<128x128xf32, #tpu.memory_space<vmem>>) target(%dma_start3A_383 : memref<128x128xf32, #tpu.memory_space<hbm>>) target_semaphore(%arg15 : memref<!tpu.dma_semaphore, #tpu.memory_space<semaphore_mem>>)
      %dma_wait3A_388 = arith.constant 0 : i32
      %dma_wait3A_389 = arith.constant 0 : i32
      %dma_wait3A_390 = arith.constant 0 : i32
      %dma_wait3A_391 = tpu.memref_slice %arg8[%dma_wait3A_388, %dma_wait3A_389, %dma_wait3A_390] : memref<3x128x128xf32, #tpu.memory_space<vmem>> -> memref<1x128x128xf32, #tpu.memory_space<vmem>>
      %dma_wait3A_392 = tpu.memref_squeeze %dma_wait3A_391 : memref<1x128x128xf32, #tpu.memory_space<vmem>> -> memref<128x128xf32, #tpu.memory_space<vmem>>
      %dma_wait3A_393 = arith.constant 0 : i32
      %dma_wait3A_394 = arith.constant 0 : i32
      %dma_wait3A_395 = tpu.memref_slice %arg5[%dma_wait3A_393, %dma_wait3A_394] : memref<320000x256xf32, #tpu.memory_space<hbm>> -> memref<128x128xf32, #tpu.memory_space<hbm>>
      %dma_wait3A_396 = arith.constant 0 : i32
      %dma_wait3A_397 = arith.constant 0 : i32
      %dma_wait3A_398 = tpu.memref_slice %arg5[%dma_wait3A_396, %dma_wait3A_397] : memref<320000x256xf32, #tpu.memory_space<hbm>> -> memref<128x128xf32, #tpu.memory_space<hbm>>
      %dma_wait3A_399 = arith.constant 0 : i32
      %dma_wait3A_400 = arith.constant 0 : i32
      %dma_wait3A_401 = tpu.memref_slice %arg8[%dma_wait3A_388, %dma_wait3A_399, %dma_wait3A_400] : memref<3x128x128xf32, #tpu.memory_space<vmem>> -> memref<1x128x128xf32, #tpu.memory_space<vmem>>
      %dma_wait3A_402 = tpu.memref_squeeze %dma_wait3A_401 : memref<1x128x128xf32, #tpu.memory_space<vmem>> -> memref<128x128xf32, #tpu.memory_space<vmem>>
      tpu.wait_dma2 semaphore(%arg13 : memref<!tpu.dma_semaphore, #tpu.memory_space<semaphore_mem>>) src(%dma_wait3A_402 : memref<128x128xf32, #tpu.memory_space<vmem>>) dst(%dma_wait3A_398 : memref<128x128xf32, #tpu.memory_space<hbm>>)
      %dma_wait3A_403 = arith.constant 0 : i32
      %dma_wait3A_404 = arith.constant 0 : i32
      %dma_wait3A_405 = arith.constant 0 : i32
      %dma_wait3A_406 = tpu.memref_slice %arg9[%dma_wait3A_403, %dma_wait3A_404, %dma_wait3A_405] : memref<3x128x128xf32, #tpu.memory_space<vmem>> -> memref<1x128x128xf32, #tpu.memory_space<vmem>>
      %dma_wait3A_407 = tpu.memref_squeeze %dma_wait3A_406 : memref<1x128x128xf32, #tpu.memory_space<vmem>> -> memref<128x128xf32, #tpu.memory_space<vmem>>
      %dma_wait3A_408 = arith.constant 0 : i32
      %dma_wait3A_409 = arith.constant 0 : i32
      %dma_wait3A_410 = tpu.memref_slice %arg5[%dma_wait3A_408, %dma_wait3A_409] : memref<320000x256xf32, #tpu.memory_space<hbm>> -> memref<128x128xf32, #tpu.memory_space<hbm>>
      %dma_wait3A_411 = arith.constant 0 : i32
      %dma_wait3A_412 = arith.constant 0 : i32
      %dma_wait3A_413 = tpu.memref_slice %arg5[%dma_wait3A_411, %dma_wait3A_412] : memref<320000x256xf32, #tpu.memory_space<hbm>> -> memref<128x128xf32, #tpu.memory_space<hbm>>
      %dma_wait3A_414 = arith.constant 0 : i32
      %dma_wait3A_415 = arith.constant 0 : i32
      %dma_wait3A_416 = tpu.memref_slice %arg9[%dma_wait3A_403, %dma_wait3A_414, %dma_wait3A_415] : memref<3x128x128xf32, #tpu.memory_space<vmem>> -> memref<1x128x128xf32, #tpu.memory_space<vmem>>
      %dma_wait3A_417 = tpu.memref_squeeze %dma_wait3A_416 : memref<1x128x128xf32, #tpu.memory_space<vmem>> -> memref<128x128xf32, #tpu.memory_space<vmem>>
      tpu.wait_dma2 semaphore(%arg13 : memref<!tpu.dma_semaphore, #tpu.memory_space<semaphore_mem>>) src(%dma_wait3A_417 : memref<128x128xf32, #tpu.memory_space<vmem>>) dst(%dma_wait3A_413 : memref<128x128xf32, #tpu.memory_space<hbm>>)
      %add3A_418 = arith.constant 1 : i32
      %add3A_419 = arith.addi %scan3A_180, %add3A_418 : i32
      %lt3A = arith.constant 26 : i32
      %lt3A_420 = arith.cmpi slt, %add3A_419, %lt3A : i32
      %convert_element_type3A = arith.extui %lt3A_420 : i1 to i32
      %cond3A = arith.constant 0 : i32
      %cond3A_421 = arith.cmpi ne, %convert_element_type3A, %cond3A : i32
      scf.if %cond3A_421 {
        %add3A_496 = arith.constant 1 : i32
        %add3A_497 = arith.addi %scan3A_180, %add3A_496 : i32
        %mul3A_498 = arith.constant 3 : i32
        %mul3A_499 = arith.muli %add3A_497, %mul3A_498 : i32
        %add3A_500 = arith.constant 0 : i32
        %add3A_501 = arith.addi %mul3A_499, %add3A_500 : i32
        %mul3A_502 = arith.constant 128 : i32
        %mul3A_503 = arith.muli %add3A_501, %mul3A_502 : i32
        %dma_start3A_504 = arith.constant 0 : i32
        %dma_start3A_505 = arith.constant 0 : i32
        %dma_start3A_506 = arith.constant 0 : i32
        %dma_start3A_507 = tpu.memref_slice %arg8[%dma_start3A_504, %dma_start3A_505, %dma_start3A_506] : memref<3x128x128xf32, #tpu.memory_space<vmem>> -> memref<1x128x128xf32, #tpu.memory_space<vmem>>
        %dma_start3A_508 = tpu.memref_squeeze %dma_start3A_507 : memref<1x128x128xf32, #tpu.memory_space<vmem>> -> memref<128x128xf32, #tpu.memory_space<vmem>>
        %dma_start3A_509 = tpu.memref_slice %arg6[%mul3A_503] : memref<10000xi32, #tpu.memory_space<vmem>> -> memref<128xi32, #tpu.memory_space<vmem>>
        %dma_start3A_510 = arith.constant 0 : i32
        %dma_start3A_511 = arith.constant 0 : i32
        %dma_start3A_512 = tpu.memref_slice %arg2[%dma_start3A_510, %dma_start3A_511] : memref<10000x128xf32, #tpu.memory_space<hbm>> -> memref<10000x128xf32, #tpu.memory_space<hbm>>
        tpu.enqueue_indirect_dma source(%dma_start3A_512 : memref<10000x128xf32, #tpu.memory_space<hbm>>) target(%dma_start3A_508 : memref<128x128xf32, #tpu.memory_space<vmem>>) offsets(%dma_start3A_509 : memref<128xi32, #tpu.memory_space<vmem>>) semaphore(%arg10 : memref<!tpu.dma_semaphore, #tpu.memory_space<semaphore_mem>>)
        %dma_start3A_513 = arith.constant 0 : i32
        %dma_start3A_514 = arith.constant 0 : i32
        %dma_start3A_515 = arith.constant 0 : i32
        %dma_start3A_516 = tpu.memref_slice %arg9[%dma_start3A_513, %dma_start3A_514, %dma_start3A_515] : memref<3x128x128xf32, #tpu.memory_space<vmem>> -> memref<1x128x128xf32, #tpu.memory_space<vmem>>
        %dma_start3A_517 = tpu.memref_squeeze %dma_start3A_516 : memref<1x128x128xf32, #tpu.memory_space<vmem>> -> memref<128x128xf32, #tpu.memory_space<vmem>>
        %dma_start3A_518 = tpu.memref_slice %arg7[%mul3A_503] : memref<10000xi32, #tpu.memory_space<vmem>> -> memref<128xi32, #tpu.memory_space<vmem>>
        %dma_start3A_519 = arith.constant 0 : i32
        %dma_start3A_520 = arith.constant 0 : i32
        %dma_start3A_521 = tpu.memref_slice %arg2[%dma_start3A_519, %dma_start3A_520] : memref<10000x128xf32, #tpu.memory_space<hbm>> -> memref<10000x128xf32, #tpu.memory_space<hbm>>
        tpu.enqueue_indirect_dma source(%dma_start3A_521 : memref<10000x128xf32, #tpu.memory_space<hbm>>) target(%dma_start3A_517 : memref<128x128xf32, #tpu.memory_space<vmem>>) offsets(%dma_start3A_518 : memref<128xi32, #tpu.memory_space<vmem>>) semaphore(%arg10 : memref<!tpu.dma_semaphore, #tpu.memory_space<semaphore_mem>>)
      } else {
      }
      %dma_wait3A_422 = arith.constant 1 : i32
      %dma_wait3A_423 = arith.constant 0 : i32
      %dma_wait3A_424 = arith.constant 0 : i32
      %dma_wait3A_425 = tpu.memref_slice %arg8[%dma_wait3A_422, %dma_wait3A_423, %dma_wait3A_424] : memref<3x128x128xf32, #tpu.memory_space<vmem>> -> memref<1x128x128xf32, #tpu.memory_space<vmem>>
      %dma_wait3A_426 = tpu.memref_squeeze %dma_wait3A_425 : memref<1x128x128xf32, #tpu.memory_space<vmem>> -> memref<128x128xf32, #tpu.memory_space<vmem>>
      %dma_wait3A_427 = arith.constant 0 : i32
      %dma_wait3A_428 = arith.constant 0 : i32
      %dma_wait3A_429 = tpu.memref_slice %arg5[%dma_wait3A_427, %dma_wait3A_428] : memref<320000x256xf32, #tpu.memory_space<hbm>> -> memref<128x128xf32, #tpu.memory_space<hbm>>
      %dma_wait3A_430 = arith.constant 0 : i32
      %dma_wait3A_431 = arith.constant 0 : i32
      %dma_wait3A_432 = tpu.memref_slice %arg5[%dma_wait3A_430, %dma_wait3A_431] : memref<320000x256xf32, #tpu.memory_space<hbm>> -> memref<128x128xf32, #tpu.memory_space<hbm>>
      %dma_wait3A_433 = arith.constant 0 : i32
      %dma_wait3A_434 = arith.constant 0 : i32
      %dma_wait3A_435 = tpu.memref_slice %arg8[%dma_wait3A_422, %dma_wait3A_433, %dma_wait3A_434] : memref<3x128x128xf32, #tpu.memory_space<vmem>> -> memref<1x128x128xf32, #tpu.memory_space<vmem>>
      %dma_wait3A_436 = tpu.memref_squeeze %dma_wait3A_435 : memref<1x128x128xf32, #tpu.memory_space<vmem>> -> memref<128x128xf32, #tpu.memory_space<vmem>>
      tpu.wait_dma2 semaphore(%arg14 : memref<!tpu.dma_semaphore, #tpu.memory_space<semaphore_mem>>) src(%dma_wait3A_436 : memref<128x128xf32, #tpu.memory_space<vmem>>) dst(%dma_wait3A_432 : memref<128x128xf32, #tpu.memory_space<hbm>>)
      %dma_wait3A_437 = arith.constant 1 : i32
      %dma_wait3A_438 = arith.constant 0 : i32
      %dma_wait3A_439 = arith.constant 0 : i32
      %dma_wait3A_440 = tpu.memref_slice %arg9[%dma_wait3A_437, %dma_wait3A_438, %dma_wait3A_439] : memref<3x128x128xf32, #tpu.memory_space<vmem>> -> memref<1x128x128xf32, #tpu.memory_space<vmem>>
      %dma_wait3A_441 = tpu.memref_squeeze %dma_wait3A_440 : memref<1x128x128xf32, #tpu.memory_space<vmem>> -> memref<128x128xf32, #tpu.memory_space<vmem>>
      %dma_wait3A_442 = arith.constant 0 : i32
      %dma_wait3A_443 = arith.constant 0 : i32
      %dma_wait3A_444 = tpu.memref_slice %arg5[%dma_wait3A_442, %dma_wait3A_443] : memref<320000x256xf32, #tpu.memory_space<hbm>> -> memref<128x128xf32, #tpu.memory_space<hbm>>
      %dma_wait3A_445 = arith.constant 0 : i32
      %dma_wait3A_446 = arith.constant 0 : i32
      %dma_wait3A_447 = tpu.memref_slice %arg5[%dma_wait3A_445, %dma_wait3A_446] : memref<320000x256xf32, #tpu.memory_space<hbm>> -> memref<128x128xf32, #tpu.memory_space<hbm>>
      %dma_wait3A_448 = arith.constant 0 : i32
      %dma_wait3A_449 = arith.constant 0 : i32
      %dma_wait3A_450 = tpu.memref_slice %arg9[%dma_wait3A_437, %dma_wait3A_448, %dma_wait3A_449] : memref<3x128x128xf32, #tpu.memory_space<vmem>> -> memref<1x128x128xf32, #tpu.memory_space<vmem>>
      %dma_wait3A_451 = tpu.memref_squeeze %dma_wait3A_450 : memref<1x128x128xf32, #tpu.memory_space<vmem>> -> memref<128x128xf32, #tpu.memory_space<vmem>>
      tpu.wait_dma2 semaphore(%arg14 : memref<!tpu.dma_semaphore, #tpu.memory_space<semaphore_mem>>) src(%dma_wait3A_451 : memref<128x128xf32, #tpu.memory_space<vmem>>) dst(%dma_wait3A_447 : memref<128x128xf32, #tpu.memory_space<hbm>>)
      %add3A_452 = arith.constant 1 : i32
      %add3A_453 = arith.addi %scan3A_180, %add3A_452 : i32
      %lt3A_454 = arith.constant 26 : i32
      %lt3A_455 = arith.cmpi slt, %add3A_453, %lt3A_454 : i32
      %convert_element_type3A_456 = arith.extui %lt3A_455 : i1 to i32
      %cond3A_457 = arith.constant 0 : i32
      %cond3A_458 = arith.cmpi ne, %convert_element_type3A_456, %cond3A_457 : i32
      scf.if %cond3A_458 {
        %add3A_496 = arith.constant 1 : i32
        %add3A_497 = arith.addi %scan3A_180, %add3A_496 : i32
        %mul3A_498 = arith.constant 3 : i32
        %mul3A_499 = arith.muli %add3A_497, %mul3A_498 : i32
        %add3A_500 = arith.constant 1 : i32
        %add3A_501 = arith.addi %mul3A_499, %add3A_500 : i32
        %mul3A_502 = arith.constant 128 : i32
        %mul3A_503 = arith.muli %add3A_501, %mul3A_502 : i32
        %dma_start3A_504 = arith.constant 1 : i32
        %dma_start3A_505 = arith.constant 0 : i32
        %dma_start3A_506 = arith.constant 0 : i32
        %dma_start3A_507 = tpu.memref_slice %arg8[%dma_start3A_504, %dma_start3A_505, %dma_start3A_506] : memref<3x128x128xf32, #tpu.memory_space<vmem>> -> memref<1x128x128xf32, #tpu.memory_space<vmem>>
        %dma_start3A_508 = tpu.memref_squeeze %dma_start3A_507 : memref<1x128x128xf32, #tpu.memory_space<vmem>> -> memref<128x128xf32, #tpu.memory_space<vmem>>
        %dma_start3A_509 = tpu.memref_slice %arg6[%mul3A_503] : memref<10000xi32, #tpu.memory_space<vmem>> -> memref<128xi32, #tpu.memory_space<vmem>>
        %dma_start3A_510 = arith.constant 0 : i32
        %dma_start3A_511 = arith.constant 0 : i32
        %dma_start3A_512 = tpu.memref_slice %arg2[%dma_start3A_510, %dma_start3A_511] : memref<10000x128xf32, #tpu.memory_space<hbm>> -> memref<10000x128xf32, #tpu.memory_space<hbm>>
        tpu.enqueue_indirect_dma source(%dma_start3A_512 : memref<10000x128xf32, #tpu.memory_space<hbm>>) target(%dma_start3A_508 : memref<128x128xf32, #tpu.memory_space<vmem>>) offsets(%dma_start3A_509 : memref<128xi32, #tpu.memory_space<vmem>>) semaphore(%arg11 : memref<!tpu.dma_semaphore, #tpu.memory_space<semaphore_mem>>)
        %dma_start3A_513 = arith.constant 1 : i32
        %dma_start3A_514 = arith.constant 0 : i32
        %dma_start3A_515 = arith.constant 0 : i32
        %dma_start3A_516 = tpu.memref_slice %arg9[%dma_start3A_513, %dma_start3A_514, %dma_start3A_515] : memref<3x128x128xf32, #tpu.memory_space<vmem>> -> memref<1x128x128xf32, #tpu.memory_space<vmem>>
        %dma_start3A_517 = tpu.memref_squeeze %dma_start3A_516 : memref<1x128x128xf32, #tpu.memory_space<vmem>> -> memref<128x128xf32, #tpu.memory_space<vmem>>
        %dma_start3A_518 = tpu.memref_slice %arg7[%mul3A_503] : memref<10000xi32, #tpu.memory_space<vmem>> -> memref<128xi32, #tpu.memory_space<vmem>>
        %dma_start3A_519 = arith.constant 0 : i32
        %dma_start3A_520 = arith.constant 0 : i32
        %dma_start3A_521 = tpu.memref_slice %arg2[%dma_start3A_519, %dma_start3A_520] : memref<10000x128xf32, #tpu.memory_space<hbm>> -> memref<10000x128xf32, #tpu.memory_space<hbm>>
        tpu.enqueue_indirect_dma source(%dma_start3A_521 : memref<10000x128xf32, #tpu.memory_space<hbm>>) target(%dma_start3A_517 : memref<128x128xf32, #tpu.memory_space<vmem>>) offsets(%dma_start3A_518 : memref<128xi32, #tpu.memory_space<vmem>>) semaphore(%arg11 : memref<!tpu.dma_semaphore, #tpu.memory_space<semaphore_mem>>)
      } else {
      }
      %dma_wait3A_459 = arith.constant 2 : i32
      %dma_wait3A_460 = arith.constant 0 : i32
      %dma_wait3A_461 = arith.constant 0 : i32
      %dma_wait3A_462 = tpu.memref_slice %arg8[%dma_wait3A_459, %dma_wait3A_460, %dma_wait3A_461] : memref<3x128x128xf32, #tpu.memory_space<vmem>> -> memref<1x128x128xf32, #tpu.memory_space<vmem>>
      %dma_wait3A_463 = tpu.memref_squeeze %dma_wait3A_462 : memref<1x128x128xf32, #tpu.memory_space<vmem>> -> memref<128x128xf32, #tpu.memory_space<vmem>>
      %dma_wait3A_464 = arith.constant 0 : i32
      %dma_wait3A_465 = arith.constant 0 : i32
      %dma_wait3A_466 = tpu.memref_slice %arg5[%dma_wait3A_464, %dma_wait3A_465] : memref<320000x256xf32, #tpu.memory_space<hbm>> -> memref<128x128xf32, #tpu.memory_space<hbm>>
      %dma_wait3A_467 = arith.constant 0 : i32
      %dma_wait3A_468 = arith.constant 0 : i32
      %dma_wait3A_469 = tpu.memref_slice %arg5[%dma_wait3A_467, %dma_wait3A_468] : memref<320000x256xf32, #tpu.memory_space<hbm>> -> memref<128x128xf32, #tpu.memory_space<hbm>>
      %dma_wait3A_470 = arith.constant 0 : i32
      %dma_wait3A_471 = arith.constant 0 : i32
      %dma_wait3A_472 = tpu.memref_slice %arg8[%dma_wait3A_459, %dma_wait3A_470, %dma_wait3A_471] : memref<3x128x128xf32, #tpu.memory_space<vmem>> -> memref<1x128x128xf32, #tpu.memory_space<vmem>>
      %dma_wait3A_473 = tpu.memref_squeeze %dma_wait3A_472 : memref<1x128x128xf32, #tpu.memory_space<vmem>> -> memref<128x128xf32, #tpu.memory_space<vmem>>
      tpu.wait_dma2 semaphore(%arg15 : memref<!tpu.dma_semaphore, #tpu.memory_space<semaphore_mem>>) src(%dma_wait3A_473 : memref<128x128xf32, #tpu.memory_space<vmem>>) dst(%dma_wait3A_469 : memref<128x128xf32, #tpu.memory_space<hbm>>)
      %dma_wait3A_474 = arith.constant 2 : i32
      %dma_wait3A_475 = arith.constant 0 : i32
      %dma_wait3A_476 = arith.constant 0 : i32
      %dma_wait3A_477 = tpu.memref_slice %arg9[%dma_wait3A_474, %dma_wait3A_475, %dma_wait3A_476] : memref<3x128x128xf32, #tpu.memory_space<vmem>> -> memref<1x128x128xf32, #tpu.memory_space<vmem>>
      %dma_wait3A_478 = tpu.memref_squeeze %dma_wait3A_477 : memref<1x128x128xf32, #tpu.memory_space<vmem>> -> memref<128x128xf32, #tpu.memory_space<vmem>>
      %dma_wait3A_479 = arith.constant 0 : i32
      %dma_wait3A_480 = arith.constant 0 : i32
      %dma_wait3A_481 = tpu.memref_slice %arg5[%dma_wait3A_479, %dma_wait3A_480] : memref<320000x256xf32, #tpu.memory_space<hbm>> -> memref<128x128xf32, #tpu.memory_space<hbm>>
      %dma_wait3A_482 = arith.constant 0 : i32
      %dma_wait3A_483 = arith.constant 0 : i32
      %dma_wait3A_484 = tpu.memref_slice %arg5[%dma_wait3A_482, %dma_wait3A_483] : memref<320000x256xf32, #tpu.memory_space<hbm>> -> memref<128x128xf32, #tpu.memory_space<hbm>>
      %dma_wait3A_485 = arith.constant 0 : i32
      %dma_wait3A_486 = arith.constant 0 : i32
      %dma_wait3A_487 = tpu.memref_slice %arg9[%dma_wait3A_474, %dma_wait3A_485, %dma_wait3A_486] : memref<3x128x128xf32, #tpu.memory_space<vmem>> -> memref<1x128x128xf32, #tpu.memory_space<vmem>>
      %dma_wait3A_488 = tpu.memref_squeeze %dma_wait3A_487 : memref<1x128x128xf32, #tpu.memory_space<vmem>> -> memref<128x128xf32, #tpu.memory_space<vmem>>
      tpu.wait_dma2 semaphore(%arg15 : memref<!tpu.dma_semaphore, #tpu.memory_space<semaphore_mem>>) src(%dma_wait3A_488 : memref<128x128xf32, #tpu.memory_space<vmem>>) dst(%dma_wait3A_484 : memref<128x128xf32, #tpu.memory_space<hbm>>)
      %add3A_489 = arith.constant 1 : i32
      %add3A_490 = arith.addi %scan3A_180, %add3A_489 : i32
      %lt3A_491 = arith.constant 26 : i32
      %lt3A_492 = arith.cmpi slt, %add3A_490, %lt3A_491 : i32
      %convert_element_type3A_493 = arith.extui %lt3A_492 : i1 to i32
      %cond3A_494 = arith.constant 0 : i32
      %cond3A_495 = arith.cmpi ne, %convert_element_type3A_493, %cond3A_494 : i32
      scf.if %cond3A_495 {
        %add3A_496 = arith.constant 1 : i32
        %add3A_497 = arith.addi %scan3A_180, %add3A_496 : i32
        %mul3A_498 = arith.constant 3 : i32
        %mul3A_499 = arith.muli %add3A_497, %mul3A_498 : i32
        %add3A_500 = arith.constant 2 : i32
        %add3A_501 = arith.addi %mul3A_499, %add3A_500 : i32
        %mul3A_502 = arith.constant 128 : i32
        %mul3A_503 = arith.muli %add3A_501, %mul3A_502 : i32
        %dma_start3A_504 = arith.constant 2 : i32
        %dma_start3A_505 = arith.constant 0 : i32
        %dma_start3A_506 = arith.constant 0 : i32
        %dma_start3A_507 = tpu.memref_slice %arg8[%dma_start3A_504, %dma_start3A_505, %dma_start3A_506] : memref<3x128x128xf32, #tpu.memory_space<vmem>> -> memref<1x128x128xf32, #tpu.memory_space<vmem>>
        %dma_start3A_508 = tpu.memref_squeeze %dma_start3A_507 : memref<1x128x128xf32, #tpu.memory_space<vmem>> -> memref<128x128xf32, #tpu.memory_space<vmem>>
        %dma_start3A_509 = tpu.memref_slice %arg6[%mul3A_503] : memref<10000xi32, #tpu.memory_space<vmem>> -> memref<128xi32, #tpu.memory_space<vmem>>
        %dma_start3A_510 = arith.constant 0 : i32
        %dma_start3A_511 = arith.constant 0 : i32
        %dma_start3A_512 = tpu.memref_slice %arg2[%dma_start3A_510, %dma_start3A_511] : memref<10000x128xf32, #tpu.memory_space<hbm>> -> memref<10000x128xf32, #tpu.memory_space<hbm>>
        tpu.enqueue_indirect_dma source(%dma_start3A_512 : memref<10000x128xf32, #tpu.memory_space<hbm>>) target(%dma_start3A_508 : memref<128x128xf32, #tpu.memory_space<vmem>>) offsets(%dma_start3A_509 : memref<128xi32, #tpu.memory_space<vmem>>) semaphore(%arg12 : memref<!tpu.dma_semaphore, #tpu.memory_space<semaphore_mem>>)
        %dma_start3A_513 = arith.constant 2 : i32
        %dma_start3A_514 = arith.constant 0 : i32
        %dma_start3A_515 = arith.constant 0 : i32
        %dma_start3A_516 = tpu.memref_slice %arg9[%dma_start3A_513, %dma_start3A_514, %dma_start3A_515] : memref<3x128x128xf32, #tpu.memory_space<vmem>> -> memref<1x128x128xf32, #tpu.memory_space<vmem>>
        %dma_start3A_517 = tpu.memref_squeeze %dma_start3A_516 : memref<1x128x128xf32, #tpu.memory_space<vmem>> -> memref<128x128xf32, #tpu.memory_space<vmem>>
        %dma_start3A_518 = tpu.memref_slice %arg7[%mul3A_503] : memref<10000xi32, #tpu.memory_space<vmem>> -> memref<128xi32, #tpu.memory_space<vmem>>
        %dma_start3A_519 = arith.constant 0 : i32
        %dma_start3A_520 = arith.constant 0 : i32
        %dma_start3A_521 = tpu.memref_slice %arg2[%dma_start3A_519, %dma_start3A_520] : memref<10000x128xf32, #tpu.memory_space<hbm>> -> memref<10000x128xf32, #tpu.memory_space<hbm>>
        tpu.enqueue_indirect_dma source(%dma_start3A_521 : memref<10000x128xf32, #tpu.memory_space<hbm>>) target(%dma_start3A_517 : memref<128x128xf32, #tpu.memory_space<vmem>>) offsets(%dma_start3A_518 : memref<128xi32, #tpu.memory_space<vmem>>) semaphore(%arg12 : memref<!tpu.dma_semaphore, #tpu.memory_space<semaphore_mem>>)
      } else {
      }
    }
    %scan3A_66 = arith.constant 26 : i32
    %dma_start3A_67 = arith.constant 0 : i32
    %dma_start3A_68 = arith.constant 0 : i32
    %dma_start3A_69 = arith.constant 0 : i32
    %dma_start3A_70 = tpu.memref_slice %arg8[%dma_start3A_67, %dma_start3A_68, %dma_start3A_69] : memref<3x128x128xf32, #tpu.memory_space<vmem>> -> memref<1x16x128xf32, #tpu.memory_space<vmem>>
    %dma_start3A_71 = tpu.memref_squeeze %dma_start3A_70 : memref<1x16x128xf32, #tpu.memory_space<vmem>> -> memref<16x128xf32, #tpu.memory_space<vmem>>
    %dma_start3A_72 = arith.constant 9984 : i32
    %dma_start3A_73 = tpu.memref_slice %arg6[%dma_start3A_72] : memref<10000xi32, #tpu.memory_space<vmem>> -> memref<16xi32, #tpu.memory_space<vmem>>
    %dma_start3A_74 = arith.constant 0 : i32
    %dma_start3A_75 = arith.constant 0 : i32
    %dma_start3A_76 = tpu.memref_slice %arg2[%dma_start3A_74, %dma_start3A_75] : memref<10000x128xf32, #tpu.memory_space<hbm>> -> memref<10000x128xf32, #tpu.memory_space<hbm>>
    tpu.enqueue_indirect_dma source(%dma_start3A_76 : memref<10000x128xf32, #tpu.memory_space<hbm>>) target(%dma_start3A_71 : memref<16x128xf32, #tpu.memory_space<vmem>>) offsets(%dma_start3A_73 : memref<16xi32, #tpu.memory_space<vmem>>) semaphore(%arg10 : memref<!tpu.dma_semaphore, #tpu.memory_space<semaphore_mem>>)
    %dma_start3A_77 = arith.constant 0 : i32
    %dma_start3A_78 = arith.constant 0 : i32
    %dma_start3A_79 = arith.constant 0 : i32
    %dma_start3A_80 = tpu.memref_slice %arg9[%dma_start3A_77, %dma_start3A_78, %dma_start3A_79] : memref<3x128x128xf32, #tpu.memory_space<vmem>> -> memref<1x16x128xf32, #tpu.memory_space<vmem>>
    %dma_start3A_81 = tpu.memref_squeeze %dma_start3A_80 : memref<1x16x128xf32, #tpu.memory_space<vmem>> -> memref<16x128xf32, #tpu.memory_space<vmem>>
    %dma_start3A_82 = arith.constant 9984 : i32
    %dma_start3A_83 = tpu.memref_slice %arg7[%dma_start3A_82] : memref<10000xi32, #tpu.memory_space<vmem>> -> memref<16xi32, #tpu.memory_space<vmem>>
    %dma_start3A_84 = arith.constant 0 : i32
    %dma_start3A_85 = arith.constant 0 : i32
    %dma_start3A_86 = tpu.memref_slice %arg2[%dma_start3A_84, %dma_start3A_85] : memref<10000x128xf32, #tpu.memory_space<hbm>> -> memref<10000x128xf32, #tpu.memory_space<hbm>>
    tpu.enqueue_indirect_dma source(%dma_start3A_86 : memref<10000x128xf32, #tpu.memory_space<hbm>>) target(%dma_start3A_81 : memref<16x128xf32, #tpu.memory_space<vmem>>) offsets(%dma_start3A_83 : memref<16xi32, #tpu.memory_space<vmem>>) semaphore(%arg10 : memref<!tpu.dma_semaphore, #tpu.memory_space<semaphore_mem>>)
    %dma_wait3A = arith.constant 0 : i32
    %dma_wait3A_87 = arith.constant 0 : i32
    %dma_wait3A_88 = arith.constant 0 : i32
    %dma_wait3A_89 = tpu.memref_slice %arg8[%dma_wait3A, %dma_wait3A_87, %dma_wait3A_88] : memref<3x128x128xf32, #tpu.memory_space<vmem>> -> memref<1x16x128xf32, #tpu.memory_space<vmem>>
    %dma_wait3A_90 = tpu.memref_squeeze %dma_wait3A_89 : memref<1x16x128xf32, #tpu.memory_space<vmem>> -> memref<16x128xf32, #tpu.memory_space<vmem>>
    %dma_wait3A_91 = arith.constant 0 : i32
    %dma_wait3A_92 = arith.constant 0 : i32
    %dma_wait3A_93 = tpu.memref_slice %arg2[%dma_wait3A_91, %dma_wait3A_92] : memref<10000x128xf32, #tpu.memory_space<hbm>> -> memref<16x128xf32, #tpu.memory_space<hbm>>
    %dma_wait3A_94 = arith.constant 0 : i32
    %dma_wait3A_95 = arith.constant 0 : i32
    %dma_wait3A_96 = tpu.memref_slice %arg8[%dma_wait3A, %dma_wait3A_94, %dma_wait3A_95] : memref<3x128x128xf32, #tpu.memory_space<vmem>> -> memref<1x16x128xf32, #tpu.memory_space<vmem>>
    %dma_wait3A_97 = tpu.memref_squeeze %dma_wait3A_96 : memref<1x16x128xf32, #tpu.memory_space<vmem>> -> memref<16x128xf32, #tpu.memory_space<vmem>>
    %dma_wait3A_98 = arith.constant 0 : i32
    %dma_wait3A_99 = arith.constant 0 : i32
    %dma_wait3A_100 = tpu.memref_slice %arg2[%dma_wait3A_98, %dma_wait3A_99] : memref<10000x128xf32, #tpu.memory_space<hbm>> -> memref<16x128xf32, #tpu.memory_space<hbm>>
    tpu.wait_dma2 semaphore(%arg10 : memref<!tpu.dma_semaphore, #tpu.memory_space<semaphore_mem>>) src(%dma_wait3A_100 : memref<16x128xf32, #tpu.memory_space<hbm>>) dst(%dma_wait3A_97 : memref<16x128xf32, #tpu.memory_space<vmem>>)
    %dma_wait3A_101 = arith.constant 0 : i32
    %dma_wait3A_102 = arith.constant 0 : i32
    %dma_wait3A_103 = arith.constant 0 : i32
    %dma_wait3A_104 = tpu.memref_slice %arg9[%dma_wait3A_101, %dma_wait3A_102, %dma_wait3A_103] : memref<3x128x128xf32, #tpu.memory_space<vmem>> -> memref<1x16x128xf32, #tpu.memory_space<vmem>>
    %dma_wait3A_105 = tpu.memref_squeeze %dma_wait3A_104 : memref<1x16x128xf32, #tpu.memory_space<vmem>> -> memref<16x128xf32, #tpu.memory_space<vmem>>
    %dma_wait3A_106 = arith.constant 0 : i32
    %dma_wait3A_107 = arith.constant 0 : i32
    %dma_wait3A_108 = tpu.memref_slice %arg2[%dma_wait3A_106, %dma_wait3A_107] : memref<10000x128xf32, #tpu.memory_space<hbm>> -> memref<16x128xf32, #tpu.memory_space<hbm>>
    %dma_wait3A_109 = arith.constant 0 : i32
    %dma_wait3A_110 = arith.constant 0 : i32
    %dma_wait3A_111 = tpu.memref_slice %arg9[%dma_wait3A_101, %dma_wait3A_109, %dma_wait3A_110] : memref<3x128x128xf32, #tpu.memory_space<vmem>> -> memref<1x16x128xf32, #tpu.memory_space<vmem>>
    %dma_wait3A_112 = tpu.memref_squeeze %dma_wait3A_111 : memref<1x16x128xf32, #tpu.memory_space<vmem>> -> memref<16x128xf32, #tpu.memory_space<vmem>>
    %dma_wait3A_113 = arith.constant 0 : i32
    %dma_wait3A_114 = arith.constant 0 : i32
    %dma_wait3A_115 = tpu.memref_slice %arg2[%dma_wait3A_113, %dma_wait3A_114] : memref<10000x128xf32, #tpu.memory_space<hbm>> -> memref<16x128xf32, #tpu.memory_space<hbm>>
    tpu.wait_dma2 semaphore(%arg10 : memref<!tpu.dma_semaphore, #tpu.memory_space<semaphore_mem>>) src(%dma_wait3A_115 : memref<16x128xf32, #tpu.memory_space<hbm>>) dst(%dma_wait3A_112 : memref<16x128xf32, #tpu.memory_space<vmem>>)
    %scan3A_116 = arith.constant 0 : i32
    %scan3A_117 = arith.constant 0 : i32
    %scan3A_118 = arith.constant 16 : i32
    %scan3A_119 = arith.addi %scan3A_117, %scan3A_118 : i32
    %scan3A_120 = arith.constant 2 : i32
    scf.for %scan3A_180 = %scan3A_117 to %scan3A_119 step %scan3A_120  : i32 {
      %get3A = arith.constant 0 : i32
      %get3A_181 = arith.index_cast %get3A : i32 to index
      %get3A_182 = arith.index_cast %scan3A_180 : i32 to index
      %get3A_183 = arith.constant 0 : index
      %get3A_184 = tpu.vector_load %arg8[%get3A_181, %get3A_182, %get3A_183] {strides = array<i32>} : memref<3x128x128xf32, #tpu.memory_space<vmem>>, vector<1x1x16xf32>,
      %get3A_185 = vector.shape_cast %get3A_184 : vector<1x1x16xf32> to vector<16xf32>
      %get3A_186 = arith.constant 0 : i32
      %get3A_187 = arith.index_cast %get3A_186 : i32 to index
      %get3A_188 = arith.index_cast %scan3A_180 : i32 to index
      %get3A_189 = arith.constant 0 : index
      %get3A_190 = tpu.vector_load %arg9[%get3A_187, %get3A_188, %get3A_189] {strides = array<i32>} : memref<3x128x128xf32, #tpu.memory_space<vmem>>, vector<1x1x16xf32>,
      %get3A_191 = vector.shape_cast %get3A_190 : vector<1x1x16xf32> to vector<16xf32>
      %sub3A = arith.subf %get3A_185, %get3A_191 : vector<16xf32>
      %swap3A = arith.constant 0 : i32
      %swap3A_192 = arith.index_cast %swap3A : i32 to index
      %swap3A_193 = arith.index_cast %scan3A_180 : i32 to index
      %swap3A_194 = arith.constant 0 : index
      %swap3A_195 = tpu.vector_load %arg9[%swap3A_192, %swap3A_193, %swap3A_194] {strides = array<i32>} : memref<3x128x128xf32, #tpu.memory_space<vmem>>, vector<1x1x16xf32>,
      %swap3A_196 = vector.shape_cast %swap3A_195 : vector<1x1x16xf32> to vector<16xf32>
      %swap3A_197 = vector.shape_cast %sub3A : vector<16xf32> to vector<1x1x16xf32>
      tpu.vector_store %arg9[%swap3A_192, %swap3A_193, %swap3A_194], %swap3A_197 {strides = array<i32>} : memref<3x128x128xf32, #tpu.memory_space<vmem>>, vector<1x1x16xf32>,
      %get3A_198 = arith.constant 0 : i32
      %get3A_199 = arith.index_cast %get3A_198 : i32 to index
      %get3A_200 = arith.index_cast %scan3A_180 : i32 to index
      %get3A_201 = arith.constant 16 : index
      %get3A_202 = tpu.vector_load %arg8[%get3A_199, %get3A_200, %get3A_201] {strides = array<i32>} : memref<3x128x128xf32, #tpu.memory_space<vmem>>, vector<1x1x16xf32>,
      %get3A_203 = vector.shape_cast %get3A_202 : vector<1x1x16xf32> to vector<16xf32>
      %get3A_204 = arith.constant 0 : i32
      %get3A_205 = arith.index_cast %get3A_204 : i32 to index
      %get3A_206 = arith.index_cast %scan3A_180 : i32 to index
      %get3A_207 = arith.constant 16 : index
      %get3A_208 = tpu.vector_load %arg9[%get3A_205, %get3A_206, %get3A_207] {strides = array<i32>} : memref<3x128x128xf32, #tpu.memory_space<vmem>>, vector<1x1x16xf32>,
      %get3A_209 = vector.shape_cast %get3A_208 : vector<1x1x16xf32> to vector<16xf32>
      %sub3A_210 = arith.subf %get3A_203, %get3A_209 : vector<16xf32>
      %swap3A_211 = arith.constant 0 : i32
      %swap3A_212 = arith.index_cast %swap3A_211 : i32 to index
      %swap3A_213 = arith.index_cast %scan3A_180 : i32 to index
      %swap3A_214 = arith.constant 16 : index
      %swap3A_215 = tpu.vector_load %arg9[%swap3A_212, %swap3A_213, %swap3A_214] {strides = array<i32>} : memref<3x128x128xf32, #tpu.memory_space<vmem>>, vector<1x1x16xf32>,
      %swap3A_216 = vector.shape_cast %swap3A_215 : vector<1x1x16xf32> to vector<16xf32>
      %swap3A_217 = vector.shape_cast %sub3A_210 : vector<16xf32> to vector<1x1x16xf32>
      tpu.vector_store %arg9[%swap3A_212, %swap3A_213, %swap3A_214], %swap3A_217 {strides = array<i32>} : memref<3x128x128xf32, #tpu.memory_space<vmem>>, vector<1x1x16xf32>,
      %get3A_218 = arith.constant 0 : i32
      %get3A_219 = arith.index_cast %get3A_218 : i32 to index
      %get3A_220 = arith.index_cast %scan3A_180 : i32 to index
      %get3A_221 = arith.constant 32 : index
      %get3A_222 = tpu.vector_load %arg8[%get3A_219, %get3A_220, %get3A_221] {strides = array<i32>} : memref<3x128x128xf32, #tpu.memory_space<vmem>>, vector<1x1x16xf32>,
      %get3A_223 = vector.shape_cast %get3A_222 : vector<1x1x16xf32> to vector<16xf32>
      %get3A_224 = arith.constant 0 : i32
      %get3A_225 = arith.index_cast %get3A_224 : i32 to index
      %get3A_226 = arith.index_cast %scan3A_180 : i32 to index
      %get3A_227 = arith.constant 32 : index
      %get3A_228 = tpu.vector_load %arg9[%get3A_225, %get3A_226, %get3A_227] {strides = array<i32>} : memref<3x128x128xf32, #tpu.memory_space<vmem>>, vector<1x1x16xf32>,
      %get3A_229 = vector.shape_cast %get3A_228 : vector<1x1x16xf32> to vector<16xf32>
      %sub3A_230 = arith.subf %get3A_223, %get3A_229 : vector<16xf32>
      %swap3A_231 = arith.constant 0 : i32
      %swap3A_232 = arith.index_cast %swap3A_231 : i32 to index
      %swap3A_233 = arith.index_cast %scan3A_180 : i32 to index
      %swap3A_234 = arith.constant 32 : index
      %swap3A_235 = tpu.vector_load %arg9[%swap3A_232, %swap3A_233, %swap3A_234] {strides = array<i32>} : memref<3x128x128xf32, #tpu.memory_space<vmem>>, vector<1x1x16xf32>,
      %swap3A_236 = vector.shape_cast %swap3A_235 : vector<1x1x16xf32> to vector<16xf32>
      %swap3A_237 = vector.shape_cast %sub3A_230 : vector<16xf32> to vector<1x1x16xf32>
      tpu.vector_store %arg9[%swap3A_232, %swap3A_233, %swap3A_234], %swap3A_237 {strides = array<i32>} : memref<3x128x128xf32, #tpu.memory_space<vmem>>, vector<1x1x16xf32>,
      %get3A_238 = arith.constant 0 : i32
      %get3A_239 = arith.index_cast %get3A_238 : i32 to index
      %get3A_240 = arith.index_cast %scan3A_180 : i32 to index
      %get3A_241 = arith.constant 48 : index
      %get3A_242 = tpu.vector_load %arg8[%get3A_239, %get3A_240, %get3A_241] {strides = array<i32>} : memref<3x128x128xf32, #tpu.memory_space<vmem>>, vector<1x1x16xf32>,
      %get3A_243 = vector.shape_cast %get3A_242 : vector<1x1x16xf32> to vector<16xf32>
      %get3A_244 = arith.constant 0 : i32
      %get3A_245 = arith.index_cast %get3A_244 : i32 to index
      %get3A_246 = arith.index_cast %scan3A_180 : i32 to index
      %get3A_247 = arith.constant 48 : index
      %get3A_248 = tpu.vector_load %arg9[%get3A_245, %get3A_246, %get3A_247] {strides = array<i32>} : memref<3x128x128xf32, #tpu.memory_space<vmem>>, vector<1x1x16xf32>,
      %get3A_249 = vector.shape_cast %get3A_248 : vector<1x1x16xf32> to vector<16xf32>
      %sub3A_250 = arith.subf %get3A_243, %get3A_249 : vector<16xf32>
      %swap3A_251 = arith.constant 0 : i32
      %swap3A_252 = arith.index_cast %swap3A_251 : i32 to index
      %swap3A_253 = arith.index_cast %scan3A_180 : i32 to index
      %swap3A_254 = arith.constant 48 : index
      %swap3A_255 = tpu.vector_load %arg9[%swap3A_252, %swap3A_253, %swap3A_254] {strides = array<i32>} : memref<3x128x128xf32, #tpu.memory_space<vmem>>, vector<1x1x16xf32>,
      %swap3A_256 = vector.shape_cast %swap3A_255 : vector<1x1x16xf32> to vector<16xf32>
      %swap3A_257 = vector.shape_cast %sub3A_250 : vector<16xf32> to vector<1x1x16xf32>
      tpu.vector_store %arg9[%swap3A_252, %swap3A_253, %swap3A_254], %swap3A_257 {strides = array<i32>} : memref<3x128x128xf32, #tpu.memory_space<vmem>>, vector<1x1x16xf32>,
      %get3A_258 = arith.constant 0 : i32
      %get3A_259 = arith.index_cast %get3A_258 : i32 to index
      %get3A_260 = arith.index_cast %scan3A_180 : i32 to index
      %get3A_261 = arith.constant 64 : index
      %get3A_262 = tpu.vector_load %arg8[%get3A_259, %get3A_260, %get3A_261] {strides = array<i32>} : memref<3x128x128xf32, #tpu.memory_space<vmem>>, vector<1x1x16xf32>,
      %get3A_263 = vector.shape_cast %get3A_262 : vector<1x1x16xf32> to vector<16xf32>
      %get3A_264 = arith.constant 0 : i32
      %get3A_265 = arith.index_cast %get3A_264 : i32 to index
      %get3A_266 = arith.index_cast %scan3A_180 : i32 to index
      %get3A_267 = arith.constant 64 : index
      %get3A_268 = tpu.vector_load %arg9[%get3A_265, %get3A_266, %get3A_267] {strides = array<i32>} : memref<3x128x128xf32, #tpu.memory_space<vmem>>, vector<1x1x16xf32>,
      %get3A_269 = vector.shape_cast %get3A_268 : vector<1x1x16xf32> to vector<16xf32>
      %sub3A_270 = arith.subf %get3A_263, %get3A_269 : vector<16xf32>
      %swap3A_271 = arith.constant 0 : i32
      %swap3A_272 = arith.index_cast %swap3A_271 : i32 to index
      %swap3A_273 = arith.index_cast %scan3A_180 : i32 to index
      %swap3A_274 = arith.constant 64 : index
      %swap3A_275 = tpu.vector_load %arg9[%swap3A_272, %swap3A_273, %swap3A_274] {strides = array<i32>} : memref<3x128x128xf32, #tpu.memory_space<vmem>>, vector<1x1x16xf32>,
      %swap3A_276 = vector.shape_cast %swap3A_275 : vector<1x1x16xf32> to vector<16xf32>
      %swap3A_277 = vector.shape_cast %sub3A_270 : vector<16xf32> to vector<1x1x16xf32>
      tpu.vector_store %arg9[%swap3A_272, %swap3A_273, %swap3A_274], %swap3A_277 {strides = array<i32>} : memref<3x128x128xf32, #tpu.memory_space<vmem>>, vector<1x1x16xf32>,
      %get3A_278 = arith.constant 0 : i32
      %get3A_279 = arith.index_cast %get3A_278 : i32 to index
      %get3A_280 = arith.index_cast %scan3A_180 : i32 to index
      %get3A_281 = arith.constant 80 : index
      %get3A_282 = tpu.vector_load %arg8[%get3A_279, %get3A_280, %get3A_281] {strides = array<i32>} : memref<3x128x128xf32, #tpu.memory_space<vmem>>, vector<1x1x16xf32>,
      %get3A_283 = vector.shape_cast %get3A_282 : vector<1x1x16xf32> to vector<16xf32>
      %get3A_284 = arith.constant 0 : i32
      %get3A_285 = arith.index_cast %get3A_284 : i32 to index
      %get3A_286 = arith.index_cast %scan3A_180 : i32 to index
      %get3A_287 = arith.constant 80 : index
      %get3A_288 = tpu.vector_load %arg9[%get3A_285, %get3A_286, %get3A_287] {strides = array<i32>} : memref<3x128x128xf32, #tpu.memory_space<vmem>>, vector<1x1x16xf32>,
      %get3A_289 = vector.shape_cast %get3A_288 : vector<1x1x16xf32> to vector<16xf32>
      %sub3A_290 = arith.subf %get3A_283, %get3A_289 : vector<16xf32>
      %swap3A_291 = arith.constant 0 : i32
      %swap3A_292 = arith.index_cast %swap3A_291 : i32 to index
      %swap3A_293 = arith.index_cast %scan3A_180 : i32 to index
      %swap3A_294 = arith.constant 80 : index
      %swap3A_295 = tpu.vector_load %arg9[%swap3A_292, %swap3A_293, %swap3A_294] {strides = array<i32>} : memref<3x128x128xf32, #tpu.memory_space<vmem>>, vector<1x1x16xf32>,
      %swap3A_296 = vector.shape_cast %swap3A_295 : vector<1x1x16xf32> to vector<16xf32>
      %swap3A_297 = vector.shape_cast %sub3A_290 : vector<16xf32> to vector<1x1x16xf32>
      tpu.vector_store %arg9[%swap3A_292, %swap3A_293, %swap3A_294], %swap3A_297 {strides = array<i32>} : memref<3x128x128xf32, #tpu.memory_space<vmem>>, vector<1x1x16xf32>,
      %get3A_298 = arith.constant 0 : i32
      %get3A_299 = arith.index_cast %get3A_298 : i32 to index
      %get3A_300 = arith.index_cast %scan3A_180 : i32 to index
      %get3A_301 = arith.constant 96 : index
      %get3A_302 = tpu.vector_load %arg8[%get3A_299, %get3A_300, %get3A_301] {strides = array<i32>} : memref<3x128x128xf32, #tpu.memory_space<vmem>>, vector<1x1x16xf32>,
      %get3A_303 = vector.shape_cast %get3A_302 : vector<1x1x16xf32> to vector<16xf32>
      %get3A_304 = arith.constant 0 : i32
      %get3A_305 = arith.index_cast %get3A_304 : i32 to index
      %get3A_306 = arith.index_cast %scan3A_180 : i32 to index
      %get3A_307 = arith.constant 96 : index
      %get3A_308 = tpu.vector_load %arg9[%get3A_305, %get3A_306, %get3A_307] {strides = array<i32>} : memref<3x128x128xf32, #tpu.memory_space<vmem>>, vector<1x1x16xf32>,
      %get3A_309 = vector.shape_cast %get3A_308 : vector<1x1x16xf32> to vector<16xf32>
      %sub3A_310 = arith.subf %get3A_303, %get3A_309 : vector<16xf32>
      %swap3A_311 = arith.constant 0 : i32
      %swap3A_312 = arith.index_cast %swap3A_311 : i32 to index
      %swap3A_313 = arith.index_cast %scan3A_180 : i32 to index
      %swap3A_314 = arith.constant 96 : index
      %swap3A_315 = tpu.vector_load %arg9[%swap3A_312, %swap3A_313, %swap3A_314] {strides = array<i32>} : memref<3x128x128xf32, #tpu.memory_space<vmem>>, vector<1x1x16xf32>,
      %swap3A_316 = vector.shape_cast %swap3A_315 : vector<1x1x16xf32> to vector<16xf32>
      %swap3A_317 = vector.shape_cast %sub3A_310 : vector<16xf32> to vector<1x1x16xf32>
      tpu.vector_store %arg9[%swap3A_312, %swap3A_313, %swap3A_314], %swap3A_317 {strides = array<i32>} : memref<3x128x128xf32, #tpu.memory_space<vmem>>, vector<1x1x16xf32>,
      %get3A_318 = arith.constant 0 : i32
      %get3A_319 = arith.index_cast %get3A_318 : i32 to index
      %get3A_320 = arith.index_cast %scan3A_180 : i32 to index
      %get3A_321 = arith.constant 112 : index
      %get3A_322 = tpu.vector_load %arg8[%get3A_319, %get3A_320, %get3A_321] {strides = array<i32>} : memref<3x128x128xf32, #tpu.memory_space<vmem>>, vector<1x1x16xf32>,
      %get3A_323 = vector.shape_cast %get3A_322 : vector<1x1x16xf32> to vector<16xf32>
      %get3A_324 = arith.constant 0 : i32
      %get3A_325 = arith.index_cast %get3A_324 : i32 to index
      %get3A_326 = arith.index_cast %scan3A_180 : i32 to index
      %get3A_327 = arith.constant 112 : index
      %get3A_328 = tpu.vector_load %arg9[%get3A_325, %get3A_326, %get3A_327] {strides = array<i32>} : memref<3x128x128xf32, #tpu.memory_space<vmem>>, vector<1x1x16xf32>,
      %get3A_329 = vector.shape_cast %get3A_328 : vector<1x1x16xf32> to vector<16xf32>
      %sub3A_330 = arith.subf %get3A_323, %get3A_329 : vector<16xf32>
      %swap3A_331 = arith.constant 0 : i32
      %swap3A_332 = arith.index_cast %swap3A_331 : i32 to index
      %swap3A_333 = arith.index_cast %scan3A_180 : i32 to index
      %swap3A_334 = arith.constant 112 : index
      %swap3A_335 = tpu.vector_load %arg9[%swap3A_332, %swap3A_333, %swap3A_334] {strides = array<i32>} : memref<3x128x128xf32, #tpu.memory_space<vmem>>, vector<1x1x16xf32>,
      %swap3A_336 = vector.shape_cast %swap3A_335 : vector<1x1x16xf32> to vector<16xf32>
      %swap3A_337 = vector.shape_cast %sub3A_330 : vector<16xf32> to vector<1x1x16xf32>
      tpu.vector_store %arg9[%swap3A_332, %swap3A_333, %swap3A_334], %swap3A_337 {strides = array<i32>} : memref<3x128x128xf32, #tpu.memory_space<vmem>>, vector<1x1x16xf32>,
      %scan3A_338 = arith.constant 1 : i32
      %scan3A_339 = arith.addi %scan3A_180, %scan3A_338 : i32
      %get3A_340 = arith.constant 0 : i32
      %get3A_341 = arith.index_cast %get3A_340 : i32 to index
      %get3A_342 = arith.index_cast %scan3A_339 : i32 to index
      %get3A_343 = arith.constant 0 : index
      %get3A_344 = tpu.vector_load %arg8[%get3A_341, %get3A_342, %get3A_343] {strides = array<i32>} : memref<3x128x128xf32, #tpu.memory_space<vmem>>, vector<1x1x16xf32>,
      %get3A_345 = vector.shape_cast %get3A_344 : vector<1x1x16xf32> to vector<16xf32>
      %get3A_346 = arith.constant 0 : i32
      %get3A_347 = arith.index_cast %get3A_346 : i32 to index
      %get3A_348 = arith.index_cast %scan3A_339 : i32 to index
      %get3A_349 = arith.constant 0 : index
      %get3A_350 = tpu.vector_load %arg9[%get3A_347, %get3A_348, %get3A_349] {strides = array<i32>} : memref<3x128x128xf32, #tpu.memory_space<vmem>>, vector<1x1x16xf32>,
      %get3A_351 = vector.shape_cast %get3A_350 : vector<1x1x16xf32> to vector<16xf32>
      %sub3A_352 = arith.subf %get3A_345, %get3A_351 : vector<16xf32>
      %swap3A_353 = arith.constant 0 : i32
      %swap3A_354 = arith.index_cast %swap3A_353 : i32 to index
      %swap3A_355 = arith.index_cast %scan3A_339 : i32 to index
      %swap3A_356 = arith.constant 0 : index
      %swap3A_357 = tpu.vector_load %arg9[%swap3A_354, %swap3A_355, %swap3A_356] {strides = array<i32>} : memref<3x128x128xf32, #tpu.memory_space<vmem>>, vector<1x1x16xf32>,
      %swap3A_358 = vector.shape_cast %swap3A_357 : vector<1x1x16xf32> to vector<16xf32>
      %swap3A_359 = vector.shape_cast %sub3A_352 : vector<16xf32> to vector<1x1x16xf32>
      tpu.vector_store %arg9[%swap3A_354, %swap3A_355, %swap3A_356], %swap3A_359 {strides = array<i32>} : memref<3x128x128xf32, #tpu.memory_space<vmem>>, vector<1x1x16xf32>,
      %get3A_360 = arith.constant 0 : i32
      %get3A_361 = arith.index_cast %get3A_360 : i32 to index
      %get3A_362 = arith.index_cast %scan3A_339 : i32 to index
      %get3A_363 = arith.constant 16 : index
      %get3A_364 = tpu.vector_load %arg8[%get3A_361, %get3A_362, %get3A_363] {strides = array<i32>} : memref<3x128x128xf32, #tpu.memory_space<vmem>>, vector<1x1x16xf32>,
      %get3A_365 = vector.shape_cast %get3A_364 : vector<1x1x16xf32> to vector<16xf32>
      %get3A_366 = arith.constant 0 : i32
      %get3A_367 = arith.index_cast %get3A_366 : i32 to index
      %get3A_368 = arith.index_cast %scan3A_339 : i32 to index
      %get3A_369 = arith.constant 16 : index
      %get3A_370 = tpu.vector_load %arg9[%get3A_367, %get3A_368, %get3A_369] {strides = array<i32>} : memref<3x128x128xf32, #tpu.memory_space<vmem>>, vector<1x1x16xf32>,
      %get3A_371 = vector.shape_cast %get3A_370 : vector<1x1x16xf32> to vector<16xf32>
      %sub3A_372 = arith.subf %get3A_365, %get3A_371 : vector<16xf32>
      %swap3A_373 = arith.constant 0 : i32
      %swap3A_374 = arith.index_cast %swap3A_373 : i32 to index
      %swap3A_375 = arith.index_cast %scan3A_339 : i32 to index
      %swap3A_376 = arith.constant 16 : index
      %swap3A_377 = tpu.vector_load %arg9[%swap3A_374, %swap3A_375, %swap3A_376] {strides = array<i32>} : memref<3x128x128xf32, #tpu.memory_space<vmem>>, vector<1x1x16xf32>,
      %swap3A_378 = vector.shape_cast %swap3A_377 : vector<1x1x16xf32> to vector<16xf32>
      %swap3A_379 = vector.shape_cast %sub3A_372 : vector<16xf32> to vector<1x1x16xf32>
      tpu.vector_store %arg9[%swap3A_374, %swap3A_375, %swap3A_376], %swap3A_379 {strides = array<i32>} : memref<3x128x128xf32, #tpu.memory_space<vmem>>, vector<1x1x16xf32>,
      %get3A_380 = arith.constant 0 : i32
      %get3A_381 = arith.index_cast %get3A_380 : i32 to index
      %get3A_382 = arith.index_cast %scan3A_339 : i32 to index
      %get3A_383 = arith.constant 32 : index
      %get3A_384 = tpu.vector_load %arg8[%get3A_381, %get3A_382, %get3A_383] {strides = array<i32>} : memref<3x128x128xf32, #tpu.memory_space<vmem>>, vector<1x1x16xf32>,
      %get3A_385 = vector.shape_cast %get3A_384 : vector<1x1x16xf32> to vector<16xf32>
      %get3A_386 = arith.constant 0 : i32
      %get3A_387 = arith.index_cast %get3A_386 : i32 to index
      %get3A_388 = arith.index_cast %scan3A_339 : i32 to index
      %get3A_389 = arith.constant 32 : index
      %get3A_390 = tpu.vector_load %arg9[%get3A_387, %get3A_388, %get3A_389] {strides = array<i32>} : memref<3x128x128xf32, #tpu.memory_space<vmem>>, vector<1x1x16xf32>,
      %get3A_391 = vector.shape_cast %get3A_390 : vector<1x1x16xf32> to vector<16xf32>
      %sub3A_392 = arith.subf %get3A_385, %get3A_391 : vector<16xf32>
      %swap3A_393 = arith.constant 0 : i32
      %swap3A_394 = arith.index_cast %swap3A_393 : i32 to index
      %swap3A_395 = arith.index_cast %scan3A_339 : i32 to index
      %swap3A_396 = arith.constant 32 : index
      %swap3A_397 = tpu.vector_load %arg9[%swap3A_394, %swap3A_395, %swap3A_396] {strides = array<i32>} : memref<3x128x128xf32, #tpu.memory_space<vmem>>, vector<1x1x16xf32>,
      %swap3A_398 = vector.shape_cast %swap3A_397 : vector<1x1x16xf32> to vector<16xf32>
      %swap3A_399 = vector.shape_cast %sub3A_392 : vector<16xf32> to vector<1x1x16xf32>
      tpu.vector_store %arg9[%swap3A_394, %swap3A_395, %swap3A_396], %swap3A_399 {strides = array<i32>} : memref<3x128x128xf32, #tpu.memory_space<vmem>>, vector<1x1x16xf32>,
      %get3A_400 = arith.constant 0 : i32
      %get3A_401 = arith.index_cast %get3A_400 : i32 to index
      %get3A_402 = arith.index_cast %scan3A_339 : i32 to index
      %get3A_403 = arith.constant 48 : index
      %get3A_404 = tpu.vector_load %arg8[%get3A_401, %get3A_402, %get3A_403] {strides = array<i32>} : memref<3x128x128xf32, #tpu.memory_space<vmem>>, vector<1x1x16xf32>,
      %get3A_405 = vector.shape_cast %get3A_404 : vector<1x1x16xf32> to vector<16xf32>
      %get3A_406 = arith.constant 0 : i32
      %get3A_407 = arith.index_cast %get3A_406 : i32 to index
      %get3A_408 = arith.index_cast %scan3A_339 : i32 to index
      %get3A_409 = arith.constant 48 : index
      %get3A_410 = tpu.vector_load %arg9[%get3A_407, %get3A_408, %get3A_409] {strides = array<i32>} : memref<3x128x128xf32, #tpu.memory_space<vmem>>, vector<1x1x16xf32>,
      %get3A_411 = vector.shape_cast %get3A_410 : vector<1x1x16xf32> to vector<16xf32>
      %sub3A_412 = arith.subf %get3A_405, %get3A_411 : vector<16xf32>
      %swap3A_413 = arith.constant 0 : i32
      %swap3A_414 = arith.index_cast %swap3A_413 : i32 to index
      %swap3A_415 = arith.index_cast %scan3A_339 : i32 to index
      %swap3A_416 = arith.constant 48 : index
      %swap3A_417 = tpu.vector_load %arg9[%swap3A_414, %swap3A_415, %swap3A_416] {strides = array<i32>} : memref<3x128x128xf32, #tpu.memory_space<vmem>>, vector<1x1x16xf32>,
      %swap3A_418 = vector.shape_cast %swap3A_417 : vector<1x1x16xf32> to vector<16xf32>
      %swap3A_419 = vector.shape_cast %sub3A_412 : vector<16xf32> to vector<1x1x16xf32>
      tpu.vector_store %arg9[%swap3A_414, %swap3A_415, %swap3A_416], %swap3A_419 {strides = array<i32>} : memref<3x128x128xf32, #tpu.memory_space<vmem>>, vector<1x1x16xf32>,
      %get3A_420 = arith.constant 0 : i32
      %get3A_421 = arith.index_cast %get3A_420 : i32 to index
      %get3A_422 = arith.index_cast %scan3A_339 : i32 to index
      %get3A_423 = arith.constant 64 : index
      %get3A_424 = tpu.vector_load %arg8[%get3A_421, %get3A_422, %get3A_423] {strides = array<i32>} : memref<3x128x128xf32, #tpu.memory_space<vmem>>, vector<1x1x16xf32>,
      %get3A_425 = vector.shape_cast %get3A_424 : vector<1x1x16xf32> to vector<16xf32>
      %get3A_426 = arith.constant 0 : i32
      %get3A_427 = arith.index_cast %get3A_426 : i32 to index
      %get3A_428 = arith.index_cast %scan3A_339 : i32 to index
      %get3A_429 = arith.constant 64 : index
      %get3A_430 = tpu.vector_load %arg9[%get3A_427, %get3A_428, %get3A_429] {strides = array<i32>} : memref<3x128x128xf32, #tpu.memory_space<vmem>>, vector<1x1x16xf32>,
      %get3A_431 = vector.shape_cast %get3A_430 : vector<1x1x16xf32> to vector<16xf32>
      %sub3A_432 = arith.subf %get3A_425, %get3A_431 : vector<16xf32>
      %swap3A_433 = arith.constant 0 : i32
      %swap3A_434 = arith.index_cast %swap3A_433 : i32 to index
      %swap3A_435 = arith.index_cast %scan3A_339 : i32 to index
      %swap3A_436 = arith.constant 64 : index
      %swap3A_437 = tpu.vector_load %arg9[%swap3A_434, %swap3A_435, %swap3A_436] {strides = array<i32>} : memref<3x128x128xf32, #tpu.memory_space<vmem>>, vector<1x1x16xf32>,
      %swap3A_438 = vector.shape_cast %swap3A_437 : vector<1x1x16xf32> to vector<16xf32>
      %swap3A_439 = vector.shape_cast %sub3A_432 : vector<16xf32> to vector<1x1x16xf32>
      tpu.vector_store %arg9[%swap3A_434, %swap3A_435, %swap3A_436], %swap3A_439 {strides = array<i32>} : memref<3x128x128xf32, #tpu.memory_space<vmem>>, vector<1x1x16xf32>,
      %get3A_440 = arith.constant 0 : i32
      %get3A_441 = arith.index_cast %get3A_440 : i32 to index
      %get3A_442 = arith.index_cast %scan3A_339 : i32 to index
      %get3A_443 = arith.constant 80 : index
      %get3A_444 = tpu.vector_load %arg8[%get3A_441, %get3A_442, %get3A_443] {strides = array<i32>} : memref<3x128x128xf32, #tpu.memory_space<vmem>>, vector<1x1x16xf32>,
      %get3A_445 = vector.shape_cast %get3A_444 : vector<1x1x16xf32> to vector<16xf32>
      %get3A_446 = arith.constant 0 : i32
      %get3A_447 = arith.index_cast %get3A_446 : i32 to index
      %get3A_448 = arith.index_cast %scan3A_339 : i32 to index
      %get3A_449 = arith.constant 80 : index
      %get3A_450 = tpu.vector_load %arg9[%get3A_447, %get3A_448, %get3A_449] {strides = array<i32>} : memref<3x128x128xf32, #tpu.memory_space<vmem>>, vector<1x1x16xf32>,
      %get3A_451 = vector.shape_cast %get3A_450 : vector<1x1x16xf32> to vector<16xf32>
      %sub3A_452 = arith.subf %get3A_445, %get3A_451 : vector<16xf32>
      %swap3A_453 = arith.constant 0 : i32
      %swap3A_454 = arith.index_cast %swap3A_453 : i32 to index
      %swap3A_455 = arith.index_cast %scan3A_339 : i32 to index
      %swap3A_456 = arith.constant 80 : index
      %swap3A_457 = tpu.vector_load %arg9[%swap3A_454, %swap3A_455, %swap3A_456] {strides = array<i32>} : memref<3x128x128xf32, #tpu.memory_space<vmem>>, vector<1x1x16xf32>,
      %swap3A_458 = vector.shape_cast %swap3A_457 : vector<1x1x16xf32> to vector<16xf32>
      %swap3A_459 = vector.shape_cast %sub3A_452 : vector<16xf32> to vector<1x1x16xf32>
      tpu.vector_store %arg9[%swap3A_454, %swap3A_455, %swap3A_456], %swap3A_459 {strides = array<i32>} : memref<3x128x128xf32, #tpu.memory_space<vmem>>, vector<1x1x16xf32>,
      %get3A_460 = arith.constant 0 : i32
      %get3A_461 = arith.index_cast %get3A_460 : i32 to index
      %get3A_462 = arith.index_cast %scan3A_339 : i32 to index
      %get3A_463 = arith.constant 96 : index
      %get3A_464 = tpu.vector_load %arg8[%get3A_461, %get3A_462, %get3A_463] {strides = array<i32>} : memref<3x128x128xf32, #tpu.memory_space<vmem>>, vector<1x1x16xf32>,
      %get3A_465 = vector.shape_cast %get3A_464 : vector<1x1x16xf32> to vector<16xf32>
      %get3A_466 = arith.constant 0 : i32
      %get3A_467 = arith.index_cast %get3A_466 : i32 to index
      %get3A_468 = arith.index_cast %scan3A_339 : i32 to index
      %get3A_469 = arith.constant 96 : index
      %get3A_470 = tpu.vector_load %arg9[%get3A_467, %get3A_468, %get3A_469] {strides = array<i32>} : memref<3x128x128xf32, #tpu.memory_space<vmem>>, vector<1x1x16xf32>,
      %get3A_471 = vector.shape_cast %get3A_470 : vector<1x1x16xf32> to vector<16xf32>
      %sub3A_472 = arith.subf %get3A_465, %get3A_471 : vector<16xf32>
      %swap3A_473 = arith.constant 0 : i32
      %swap3A_474 = arith.index_cast %swap3A_473 : i32 to index
      %swap3A_475 = arith.index_cast %scan3A_339 : i32 to index
      %swap3A_476 = arith.constant 96 : index
      %swap3A_477 = tpu.vector_load %arg9[%swap3A_474, %swap3A_475, %swap3A_476] {strides = array<i32>} : memref<3x128x128xf32, #tpu.memory_space<vmem>>, vector<1x1x16xf32>,
      %swap3A_478 = vector.shape_cast %swap3A_477 : vector<1x1x16xf32> to vector<16xf32>
      %swap3A_479 = vector.shape_cast %sub3A_472 : vector<16xf32> to vector<1x1x16xf32>
      tpu.vector_store %arg9[%swap3A_474, %swap3A_475, %swap3A_476], %swap3A_479 {strides = array<i32>} : memref<3x128x128xf32, #tpu.memory_space<vmem>>, vector<1x1x16xf32>,
      %get3A_480 = arith.constant 0 : i32
      %get3A_481 = arith.index_cast %get3A_480 : i32 to index
      %get3A_482 = arith.index_cast %scan3A_339 : i32 to index
      %get3A_483 = arith.constant 112 : index
      %get3A_484 = tpu.vector_load %arg8[%get3A_481, %get3A_482, %get3A_483] {strides = array<i32>} : memref<3x128x128xf32, #tpu.memory_space<vmem>>, vector<1x1x16xf32>,
      %get3A_485 = vector.shape_cast %get3A_484 : vector<1x1x16xf32> to vector<16xf32>
      %get3A_486 = arith.constant 0 : i32
      %get3A_487 = arith.index_cast %get3A_486 : i32 to index
      %get3A_488 = arith.index_cast %scan3A_339 : i32 to index
      %get3A_489 = arith.constant 112 : index
      %get3A_490 = tpu.vector_load %arg9[%get3A_487, %get3A_488, %get3A_489] {strides = array<i32>} : memref<3x128x128xf32, #tpu.memory_space<vmem>>, vector<1x1x16xf32>,
      %get3A_491 = vector.shape_cast %get3A_490 : vector<1x1x16xf32> to vector<16xf32>
      %sub3A_492 = arith.subf %get3A_485, %get3A_491 : vector<16xf32>
      %swap3A_493 = arith.constant 0 : i32
      %swap3A_494 = arith.index_cast %swap3A_493 : i32 to index
      %swap3A_495 = arith.index_cast %scan3A_339 : i32 to index
      %swap3A_496 = arith.constant 112 : index
      %swap3A_497 = tpu.vector_load %arg9[%swap3A_494, %swap3A_495, %swap3A_496] {strides = array<i32>} : memref<3x128x128xf32, #tpu.memory_space<vmem>>, vector<1x1x16xf32>,
      %swap3A_498 = vector.shape_cast %swap3A_497 : vector<1x1x16xf32> to vector<16xf32>
      %swap3A_499 = vector.shape_cast %sub3A_492 : vector<16xf32> to vector<1x1x16xf32>
      tpu.vector_store %arg9[%swap3A_494, %swap3A_495, %swap3A_496], %swap3A_499 {strides = array<i32>} : memref<3x128x128xf32, #tpu.memory_space<vmem>>, vector<1x1x16xf32>,
    }
    %scan3A_121 = arith.constant 16 : i32
    %add3A_122 = arith.constant 9984 : i32
    %add3A_123 = arith.addi %mul3A_2, %add3A_122 : i32
    %dma_start3A_124 = arith.constant 0 : i32
    %dma_start3A_125 = arith.constant 0 : i32
    %dma_start3A_126 = arith.constant 0 : i32
    %dma_start3A_127 = tpu.memref_slice %arg9[%dma_start3A_124, %dma_start3A_125, %dma_start3A_126] : memref<3x128x128xf32, #tpu.memory_space<vmem>> -> memref<1x16x128xf32, #tpu.memory_space<vmem>>
    %dma_start3A_128 = tpu.memref_squeeze %dma_start3A_127 : memref<1x16x128xf32, #tpu.memory_space<vmem>> -> memref<16x128xf32, #tpu.memory_space<vmem>>
    %dma_start3A_129 = arith.constant 0 : i32
    %dma_start3A_130 = tpu.memref_slice %arg5[%add3A_123, %dma_start3A_129] : memref<320000x256xf32, #tpu.memory_space<hbm>> -> memref<16x128xf32, #tpu.memory_space<hbm>>
    %dma_start3A_131 = arith.constant 0 : i32
    %dma_start3A_132 = tpu.memref_slice %arg5[%add3A_123, %dma_start3A_131] : memref<320000x256xf32, #tpu.memory_space<hbm>> -> memref<16x128xf32, #tpu.memory_space<hbm>>
    %dma_start3A_133 = arith.constant 0 : i32
    %dma_start3A_134 = arith.constant 0 : i32
    %dma_start3A_135 = tpu.memref_slice %arg9[%dma_start3A_124, %dma_start3A_133, %dma_start3A_134] : memref<3x128x128xf32, #tpu.memory_space<vmem>> -> memref<1x16x128xf32, #tpu.memory_space<vmem>>
    %dma_start3A_136 = tpu.memref_squeeze %dma_start3A_135 : memref<1x16x128xf32, #tpu.memory_space<vmem>> -> memref<16x128xf32, #tpu.memory_space<vmem>>
    tpu.enqueue_dma source(%dma_start3A_136 : memref<16x128xf32, #tpu.memory_space<vmem>>) target(%dma_start3A_132 : memref<16x128xf32, #tpu.memory_space<hbm>>) target_semaphore(%arg13 : memref<!tpu.dma_semaphore, #tpu.memory_space<semaphore_mem>>)
    %dma_start3A_137 = arith.constant 0 : i32
    %dma_start3A_138 = arith.constant 0 : i32
    %dma_start3A_139 = arith.constant 0 : i32
    %dma_start3A_140 = tpu.memref_slice %arg8[%dma_start3A_137, %dma_start3A_138, %dma_start3A_139] : memref<3x128x128xf32, #tpu.memory_space<vmem>> -> memref<1x16x128xf32, #tpu.memory_space<vmem>>
    %dma_start3A_141 = tpu.memref_squeeze %dma_start3A_140 : memref<1x16x128xf32, #tpu.memory_space<vmem>> -> memref<16x128xf32, #tpu.memory_space<vmem>>
    %dma_start3A_142 = arith.constant 128 : i32
    %dma_start3A_143 = tpu.memref_slice %arg5[%add3A_123, %dma_start3A_142] : memref<320000x256xf32, #tpu.memory_space<hbm>> -> memref<16x128xf32, #tpu.memory_space<hbm>>
    %dma_start3A_144 = arith.constant 128 : i32
    %dma_start3A_145 = tpu.memref_slice %arg5[%add3A_123, %dma_start3A_144] : memref<320000x256xf32, #tpu.memory_space<hbm>> -> memref<16x128xf32, #tpu.memory_space<hbm>>
    %dma_start3A_146 = arith.constant 0 : i32
    %dma_start3A_147 = arith.constant 0 : i32
    %dma_start3A_148 = tpu.memref_slice %arg8[%dma_start3A_137, %dma_start3A_146, %dma_start3A_147] : memref<3x128x128xf32, #tpu.memory_space<vmem>> -> memref<1x16x128xf32, #tpu.memory_space<vmem>>
    %dma_start3A_149 = tpu.memref_squeeze %dma_start3A_148 : memref<1x16x128xf32, #tpu.memory_space<vmem>> -> memref<16x128xf32, #tpu.memory_space<vmem>>
    tpu.enqueue_dma source(%dma_start3A_149 : memref<16x128xf32, #tpu.memory_space<vmem>>) target(%dma_start3A_145 : memref<16x128xf32, #tpu.memory_space<hbm>>) target_semaphore(%arg13 : memref<!tpu.dma_semaphore, #tpu.memory_space<semaphore_mem>>)
    %dma_wait3A_150 = arith.constant 0 : i32
    %dma_wait3A_151 = arith.constant 0 : i32
    %dma_wait3A_152 = arith.constant 0 : i32
    %dma_wait3A_153 = tpu.memref_slice %arg8[%dma_wait3A_150, %dma_wait3A_151, %dma_wait3A_152] : memref<3x128x128xf32, #tpu.memory_space<vmem>> -> memref<1x16x128xf32, #tpu.memory_space<vmem>>
    %dma_wait3A_154 = tpu.memref_squeeze %dma_wait3A_153 : memref<1x16x128xf32, #tpu.memory_space<vmem>> -> memref<16x128xf32, #tpu.memory_space<vmem>>
    %dma_wait3A_155 = arith.constant 0 : i32
    %dma_wait3A_156 = arith.constant 0 : i32
    %dma_wait3A_157 = tpu.memref_slice %arg5[%dma_wait3A_155, %dma_wait3A_156] : memref<320000x256xf32, #tpu.memory_space<hbm>> -> memref<16x128xf32, #tpu.memory_space<hbm>>
    %dma_wait3A_158 = arith.constant 0 : i32
    %dma_wait3A_159 = arith.constant 0 : i32
    %dma_wait3A_160 = tpu.memref_slice %arg5[%dma_wait3A_158, %dma_wait3A_159] : memref<320000x256xf32, #tpu.memory_space<hbm>> -> memref<16x128xf32, #tpu.memory_space<hbm>>
    %dma_wait3A_161 = arith.constant 0 : i32
    %dma_wait3A_162 = arith.constant 0 : i32
    %dma_wait3A_163 = tpu.memref_slice %arg8[%dma_wait3A_150, %dma_wait3A_161, %dma_wait3A_162] : memref<3x128x128xf32, #tpu.memory_space<vmem>> -> memref<1x16x128xf32, #tpu.memory_space<vmem>>
    %dma_wait3A_164 = tpu.memref_squeeze %dma_wait3A_163 : memref<1x16x128xf32, #tpu.memory_space<vmem>> -> memref<16x128xf32, #tpu.memory_space<vmem>>
    tpu.wait_dma2 semaphore(%arg13 : memref<!tpu.dma_semaphore, #tpu.memory_space<semaphore_mem>>) src(%dma_wait3A_164 : memref<16x128xf32, #tpu.memory_space<vmem>>) dst(%dma_wait3A_160 : memref<16x128xf32, #tpu.memory_space<hbm>>)
    %dma_wait3A_165 = arith.constant 0 : i32
    %dma_wait3A_166 = arith.constant 0 : i32
    %dma_wait3A_167 = arith.constant 0 : i32
    %dma_wait3A_168 = tpu.memref_slice %arg9[%dma_wait3A_165, %dma_wait3A_166, %dma_wait3A_167] : memref<3x128x128xf32, #tpu.memory_space<vmem>> -> memref<1x16x128xf32, #tpu.memory_space<vmem>>
    %dma_wait3A_169 = tpu.memref_squeeze %dma_wait3A_168 : memref<1x16x128xf32, #tpu.memory_space<vmem>> -> memref<16x128xf32, #tpu.memory_space<vmem>>
    %dma_wait3A_170 = arith.constant 0 : i32
    %dma_wait3A_171 = arith.constant 0 : i32
    %dma_wait3A_172 = tpu.memref_slice %arg5[%dma_wait3A_170, %dma_wait3A_171] : memref<320000x256xf32, #tpu.memory_space<hbm>> -> memref<16x128xf32, #tpu.memory_space<hbm>>
    %dma_wait3A_173 = arith.constant 0 : i32
    %dma_wait3A_174 = arith.constant 0 : i32
    %dma_wait3A_175 = tpu.memref_slice %arg5[%dma_wait3A_173, %dma_wait3A_174] : memref<320000x256xf32, #tpu.memory_space<hbm>> -> memref<16x128xf32, #tpu.memory_space<hbm>>
    %dma_wait3A_176 = arith.constant 0 : i32
    %dma_wait3A_177 = arith.constant 0 : i32
    %dma_wait3A_178 = tpu.memref_slice %arg9[%dma_wait3A_165, %dma_wait3A_176, %dma_wait3A_177] : memref<3x128x128xf32, #tpu.memory_space<vmem>> -> memref<1x16x128xf32, #tpu.memory_space<vmem>>
    %dma_wait3A_179 = tpu.memref_squeeze %dma_wait3A_178 : memref<1x16x128xf32, #tpu.memory_space<vmem>> -> memref<16x128xf32, #tpu.memory_space<vmem>>
    tpu.wait_dma2 semaphore(%arg13 : memref<!tpu.dma_semaphore, #tpu.memory_space<semaphore_mem>>) src(%dma_wait3A_179 : memref<16x128xf32, #tpu.memory_space<vmem>>) dst(%dma_wait3A_175 : memref<16x128xf32, #tpu.memory_space<hbm>>)
    return
  }
}

</mosaic_0001>

<sc_bundles>
// kernel: kernel.3.cloned.1.call-start
scs
__scs_entry_jumppad:
0x0: {  	(pc) =	sbr.rel $0x88, $3  }
0x1: {  	(tag) =	ssettag $0x0;
	lr =	simm.s32 $0x1  }
0x2: {  	[smem:$0x3F9F] =	sst lr;
	_ =	strace $0xD0000000  }
0x3: {  	_ = 	snop  }
0x4: {  	_ = 	snop  }
0x5: {  	_ = 	snop  }
0x6: {  	_ = 	snop  }
0x7: {  	_ = 	snop  }
__scs_overlays_trampoline_lowered:
0x8: {  	[smem:$0x3FAE] =	sst s0  }
0x9: {  	[smem:$0x3FAF] =	sst s1  }
0xa: {  	[smem:$0x3FB0] =	sst s2  }
0xb: {  	[smem:$0x3FB1] =	sst s3  }
0xc: {  	[smem:$0x3FB2] =	sst s4  }
0xd: {  	[smem:$0x3FB3] =	sst s5  }
0xe: {  	[smem:$0x3FB4] =	sst s6  }
0xf: {  	[smem:$0x3FB5] =	sst s7  }
0x10: {  	[smem:$0x3FB6] =	sst s8  }
0x11: {  	[smem:$0x3FB7] =	sst s9;
	s0 =	simm.s32 @!p0 $0x0  }
0x12: {  	s1 =	sld [smem:$0x3F9D];
	s0 =	simm.s32 @p0 $0x1  }
0x13: {  	[smem:$0x3FB8] =	sst s0;
	s0 =	simm.s32 @!p1 $0x0  }
0x14: {  	s2 =	sld [smem:$0x3F9C];
	s0 =	simm.s32 @p1 $0x1  }
0x15: {  	[smem:$0x3FB9] =	sst s0;
	s0 =	simm.s32 @!p2 $0x0  }
0x16: {  	s3 =	sld [smem:$0x3FDB];
	s0 =	simm.s32 @p2 $0x1  }
0x17: {  	s4 =	simm.s32 $0x1BF5;
	[smem:$0x3FBB] =	sst s0  }
0x18: {  	s0 =	sld [smem:$0x3F9E];
	_ =	swait.ge [sflag:s4], $0x0  }
0x19: {  	s7 =	sld [smem:$0x3F9F]  }
0x1a: {  	s8 =	sadd.s32 $0xFFFFE003, lr  }
0x1b: {  	s9 =	sadd.s32 $0xFFFFFEF7, lr;
	s5 =	simm.s32 $0xFFFFFFFF;
	p2 =	slt.u32 s8, $0xFFFFF086  }
0x1c: {  	p1 =	slt.u32 s9, $0xF7A;
	s5 =	simm.s32 @!p2 $0x0  }
0x1d: {  	s5 =	simm.s32 @p1 $0x1;
	p0 =	seq.s32 s7, s2  }
0x1e: {  	s7 =	smul.u32 @!p0 $0xF7A, s2;
	p2 =	seq.s32 @!p0 s5, $0x0  }
0x1f: {  	s9 =	smul.u32 $0xF7A, s1;
	s8 =	simm.s32 @!p0 $0x1BF5;
	p2 =	por !p2, p0  }
0x20: {  	[sflag:s8] =	ssyncset.s32 @!p0 $0xFFFFF086;
	s6 =	sadd.s32 @!p0 s3, s7;
	s7 =	simm.s32 @!p0 $0x108  }
0x21: {  	s3 =	sadd.s32 s3, s9;
	s6 =	sadd.s32 @!p0 $0x88, s6;
	s7 =	simm.s32 @p2 $0x1082  }
0x22: {  	[simem:s7], [sflag:s8] =	dma.local @!p0 [hbm:s6], $0xF7A  }
0x23: {  	s9 =	sor.u32 $0xD0000000, s2;
	s6 =	simm.s32 $0x108;
	_ =	swait.ge @!p0 [sflag:s8], $0x0  }
0x24: {  	s3 =	sadd.s32 $0x88, s3;
	s6 =	simm.s32 @!p1 $0x1082;
	[sflag:s4] =	ssyncset.s32 $0xFFFFF086  }
0x25: {  	[simem:s6], [sflag:s4] =	dma.local [hbm:s3], $0xF7A  }
0x26: {  	[smem:$0x3F9F] =	sst s1;
	(tag) =	ssettag s2;
	_ =	strace s9  }
0x27: {  	s1 =	sld [smem:$0x3FAF]  }
0x28: {  	s2 =	sld [smem:$0x3FB0]  }
0x29: {  	s4 =	sld [smem:$0x3FB2]  }
0x2a: {  	p0 =	seq.s32 s5, $0x0;
	s5 =	sld [smem:$0x3FB3]  }
0x2b: {  	s6 =	sld [smem:$0x3FB4]  }
0x2c: {  	s7 =	sld [smem:$0x3FB5]  }
0x2d: {  	s3 =	simm.s32 $0x108;
	s8 =	sld [smem:$0x3FB6]  }
0x2e: {  	s3 =	simm.s32 @!p0 $0x1082;
	s9 =	sld [smem:$0x3FB7]  }
0x2f: {  	lr =	sadd.s32 s0, s3;
	s0 =	sld [smem:$0x3FAE]  }
0x30: {  	s3 =	sld [smem:$0x3FB1]  }
0x31: {  	[smem:$0x3FBA] =	sst s10  }
0x32: {  	s10 =	sld [smem:$0x3FB8];
	_ =	sdelay $0x3  }
0x33: {  	p0 =	seq.s32 s10, $0x1;
	s10 =	sld [smem:$0x3FBA];
	_ =	sdelay $0x3  }
0x34: {  	[smem:$0x3FBA] =	sst s10  }
0x35: {  	s10 =	sld [smem:$0x3FB9];
	_ =	sdelay $0x3  }
0x36: {  	p1 =	seq.s32 s10, $0x1;
	s10 =	sld [smem:$0x3FBA];
	_ =	sdelay $0x3  }
0x37: {  	[smem:$0x3FBA] =	sst s10  }
0x38: {  	s10 =	sld [smem:$0x3FBB]  }
0x39: {  	_ = 	snop;
	(pc) =	sbr.ind lr, $3  }
0x3a: {  	_ = 	snop  }
0x3b: {  	_ = 	snop  }
0x3c: {  	p2 =	seq.s32 s10, $0x1;
	s10 =	sld [smem:$0x3FBA]  }
0x3d: {  	_ =	shalt  }
0x3e: {  	_ =	shalt  }
0x3f: {  	_ =	shalt  }
0x40: {  	_ =	shalt  }
0x41: {  	_ =	shalt  }
0x42: {  	_ =	shalt  }
0x43: {  	_ =	shalt  }
0x44: {  	_ =	shalt  }
0x45: {  	_ =	shalt  }
0x46: {  	_ =	shalt  }
0x47: {  	_ =	shalt  }
0x48: {  	_ =	shalt  }
0x49: {  	_ =	shalt  }
0x4a: {  	_ =	shalt  }
0x4b: {  	_ =	shalt  }
0x4c: {  	_ =	shalt  }
0x4d: {  	_ =	shalt  }
0x4e: {  	_ =	shalt  }
0x4f: {  	_ =	shalt  }
0x50: {  	_ =	shalt  }
0x51: {  	_ =	shalt  }
0x52: {  	_ =	shalt  }
0x53: {  	_ =	shalt  }
0x54: {  	_ =	shalt  }
0x55: {  	_ =	shalt  }
0x56: {  	_ =	shalt  }
0x57: {  	_ =	shalt  }
0x58: {  	_ =	shalt  }
0x59: {  	_ =	shalt  }
0x5a: {  	_ =	shalt  }
0x5b: {  	_ =	shalt  }
0x5c: {  	_ =	shalt  }
0x5d: {  	_ =	shalt  }
0x5e: {  	_ =	shalt  }
0x5f: {  	_ =	shalt  }
0x60: {  	_ =	shalt  }
0x61: {  	_ =	shalt  }
0x62: {  	_ =	shalt  }
0x63: {  	_ =	shalt  }
0x64: {  	_ =	shalt  }
0x65: {  	_ =	shalt  }
0x66: {  	_ =	shalt  }
0x67: {  	_ =	shalt  }
0x68: {  	_ =	shalt  }
0x69: {  	_ =	shalt  }
0x6a: {  	_ =	shalt  }
0x6b: {  	_ =	shalt  }
0x6c: {  	_ =	shalt  }
0x6d: {  	_ =	shalt  }
0x6e: {  	_ =	shalt  }
0x6f: {  	_ =	shalt  }
0x70: {  	_ =	shalt  }
0x71: {  	_ =	shalt  }
0x72: {  	_ =	shalt  }
0x73: {  	_ =	shalt  }
0x74: {  	_ =	shalt  }
0x75: {  	_ =	shalt  }
0x76: {  	_ =	shalt  }
0x77: {  	_ =	shalt  }
0x78: {  	_ =	shalt  }
0x79: {  	_ =	shalt  }
0x7a: {  	_ =	shalt  }
0x7b: {  	_ =	shalt  }
0x7c: {  	_ =	shalt  }
0x7d: {  	_ =	shalt  }
0x7e: {  	_ =	shalt  }
0x7f: {  	_ =	shalt  }
0x80: {  	_ =	shalt  }
0x81: {  	_ =	shalt  }
0x82: {  	_ =	shalt  }
0x83: {  	_ =	shalt  }
0x84: {  	_ =	shalt  }
0x85: {  	_ =	shalt  }
0x86: {  	_ =	shalt  }
0x87: {  	_ =	shalt  }
.Lfunc_end0:
.L_simem_size_0:
called_computation_lowered:
.L_overlay_start_0:
0x88: {  	s2 =	sld [smem:$0x3FD9]  }
0x89: {  	s3 =	sld [smem:$0x3FFE];
	_ =	sdelay $0x1  }
0x8a: {  	s1 =	srdreg.scid  }
0x8b: {  	s0 =	sand.u32 $0x1, s1  }
0x8c: {  	s17 =	sshll.u32 s0, $0xA;
	s2 =	sadd.s32 s3, s2  }
0x8d: {  	s2 =	sadd.s32 s2, s17  }
0x8e: {  	[smem:$0x3FC6] =	sst s2  }
0x8f: {  	_ = 	snop  }
0x90: {  	s2 =	sld [smem:$0x3FC9]  }
0x91: {  	s18 =	sld [smem:$0x3FD0];
	(tm) =	ssettm $0x1  }
0x92: {  	s4 =	sld [smem:$0x3FFB];
	_ =	sdelay $0x3  }
0x93: {  	_ =	strace s4  }
0x94: {  	s4 =	sld [smem:$0x3FFC];
	_ =	sdelay $0x3  }
0x95: {  	_ =	strace s4  }
0x96: {  	s4 =	sld [smem:$0x3FFD];
	_ =	sdelay $0x3  }
0x97: {  	_ =	strace s4  }
0x98: {  	_ =	strace $0x8FFFFFFF  }
0x99: {  	s19 =	sld [smem:$0x3FDB];
	_ =	sdelay $0x1  }
0x9a: {  	s5 =	simm.s32 $_scs_section_size  }
0x9b: {  	s6 =	simm.s32 $_size__tile_overlayer_lowered;
	s7 =	simm.s32 $_tile_overlayer_lowered  }
0x9c: {  	s22 =	simm.s32 $0x1BFF;
	s21 =	sshll.u32 s7, $0x1;
	s4 =	sadd.s32 s5, s19  }
0x9d: {  	s8 =	simm.s32 $0x0;
	s20 =	sshll.u32 s6, $0x1;
	s6 =	sadd.s32 s21, s4  }
0x9e: {  	[timem:s8], [sflag:s22] =	dma.local [hbm:s6], s20  }
0x9f: {  	_ =	swait.ge [sflag:s22], s20  }
0xa0: {  	s5 =	ssub.s32 $0x0, s20;
	[sflag:s22] =	ssyncset.done $0x0  }
0xa1: {  	[sflag:s22] =	ssyncadd.s32 s5;
	_ =	sdelay $0x1  }
0xa2: {  	s23 =	simm.s32 $0x1B8B  }
0xa3: {  	_ =	swait.ge [sflag:s23], $0x1  }
0xa4: {  	[sflag:s23] =	ssyncset.done $0x0  }
0xa5: {  	s25 =	simm.s32 $0x1B8E;
	s24 =	sld [smem:$0x3FFE];
	[sflag:s23] =	ssyncadd.s32 $0xFFFFFFFF  }
0xa6: {  	s26 =	simm.s32 $execute0_lowered;
	[smem:$0x3FD2] =	sst s25  }
0xa7: {  	s6 =	sshll.u32 s26, $0x1;
	_ =	strace $0x80000046;
	[dreg:$0x1] =	wrdreg $0xFFFFFFFF  }
0xa8: {  	s28 =	simm.s32 $_size_execute0_lowered;
	s4 =	sadd.s32 s4, s6;
	[dreg:$0x0] =	wrdreg $0x0  }
0xa9: {  	s6 =	sshll.u32 s28, $0x1;
	[dreg:$0x2] =	wrdreg s4  }
0xaa: {  	[dreg:$0x3] =	wrdreg s6  }
0xab: {  	[dreg:$0x4] =	wrdreg $0xC0  }
0xac: {  	_ =	task [dreg:s8], $0x5FFFF  }
0xad: {  	[dreg:$0x1] =	wrdreg $0xFFFFFFFF  }
0xae: {  	[dreg:$0x0] =	wrdreg $0x60  }
0xaf: {  	[dreg:$0x2] =	wrdreg s2  }
0xb0: {  	[dreg:$0x3] =	wrdreg s24  }
0xb1: {  	[dreg:$0x4] =	wrdreg s18  }
0xb2: {  	[dreg:$0x5] =	wrdreg $0x9  }
0xb3: {  	_ =	task.clear_ibuf [dreg:s8], $0x6FFFF;
	_ =	strace $0x90000046  }
0xb4: {  	s29 =	simm.s32 $0x9;
	_ =	strace $0x80000048  }
0xb5: {  	_ =	swait.ge [sflag:s29], $0x1  }
0xb6: {  	[sflag:s29] =	ssyncadd.s32 $0xFFFFFFFF  }
0xb7: {  	_ =	strace $0x90000048  }
0xb8: {  	_ =	sfence  }
0xb9: {  	s30 =	sld [smem:$0x0];
	_ =	sdelay $0x2  }
0xba: {  	s31 =	sshll.u32 s1, $0xD;
	s1 =	sshrl.u32 s1, $0x2  }
0xbb: {  	s3 =	sand.u32 $0x4000, s31;
	s1 =	sadd.s32 s1, s30  }
0xbc: {  	s0 =	sor.u32 s3, s0;
	s1 =	sshll.u32 s1, $0x11  }
0xbd: {  	s0 =	sor.u32 s1, s0  }
0xbe: {  	s0 =	sadd.s32 $0x8F2B, s0  }
0xbf: {  	[sflag:s0] =	ssyncadd.remote.s32 $0x1  }
0xc0: {  	_ =	sfence.sel $0xFFFF  }
0xc1: {  	[dreg:$0x0] =	wrdreg $0xFFFFFFFF;
	(pc) =	sbr.abs _section_cstart, $3  }
0xc2: {  	[dreg:$0x1] =	wrdreg $0xFFFFFFFF  }
0xc3: {  	_ =	task.clear_ibuf [dreg:s8], $0x2FFFF;
	_ =	strace $0x9FFFFFFF  }
0xc4: {  	(tm) =	ssettm $0x7FFFFFFF  }
0xc5: {  	_ =	shalt  }
tec
execute0_lowered:
.L_overlay_start_1:
0x0: {  	(tag) =	ssettag $0x1  }
0x1: {  	s1 =	rddreg [dreg:$0x0]  }
0x2: {  	s0 =	srdreg.scid;
	s3 =	stileid.u32  }
0x3: {  	s2 =	rddreg [dreg:$0x1];
	s14 =	simm.s32 $0x7;
	s16 =	simm.s32 $0x80  }
0x4: {  	s17 =	simm.s32 $0x4F00;
	s18 =	simm.s32 $0x10F00;
	s19 =	simm.s32 $0x8F00  }
0x5: {  	s21 =	simm.s32 $0x14F00;
	s23 =	simm.s32 $0xCF00;
	s28 =	simm.s32 $0x400  }
0x6: {  	s29 =	simm.s32 $0x800;
	s30 =	simm.s32 $0x2;
	s31 =	simm.s32 $0x3  }
0x7: {  	s20 =	simm.s32 $0x10;
	s0 =	sand.u32 $0x1, s0;
	s4 =	sshll.u32 s3, $0x1  }
0x8: {  	s22 =	simm.s32 $0x0;
	s3 =	rddreg [dreg:$0x2];
	s6 =	sor.u32 s0, s4  }
0x9: {  	s4 =	simm.s32 $0x0;
	s0 =	ssub.s32 $0x2, s0;
	s5 =	smul.u32 $0x2710, s6  }
0xa: {  	[smem:$0x7FF] =	sst s4;
	s8 =	smul.u32 $0x271000, s6;
	s9 =	sshrl.u32 s0, $0x1  }
0xb: {  	_ =	strace $0x80000047;
	s0 =	ssub.s32 s0, s9;
	s7 =	sshrl.u32 s5, $0x3  }
0xc: {  	s25 =	sshrl.u32 s8, $0x3;
	s8 =	sadd.s32 $0x80, s3;
	s6 =	sadd.s32 s2, s7  }
0xd: {  	s9 =	sadd.s32 $0x80, s5;
	s10 =	sadd.s32 $0x100, s5;
	s2 =	sadd.s32 $0x9E00, s6  }
0xe: {  	s0 =	smax.u32 s0, $0x1;
	[dreg:$0x4] =	wrdreg s2;
	s2 =	sadd.s32 s3, s25  }
0xf: {  	[dreg:$0x7] =	wrdreg s0;
	s0 =	simm.s32 $0x6;
	s26 =	sadd.s32 $0x4E000, s2  }
0x10: {  	s25 =	simm.s32 $0x18F00;
	s2 =	sadd.s32 $0x4E080, s2;
	[dreg:$0x5] =	wrdreg s26  }
0x11: {  	[dreg:$0x6] =	wrdreg s2;
	s26 =	simm.s32 $0x1;
	s2 =	simm.s32 $0x4  }
.LBB2_1:
0x12: {  	s7 =	rddreg [dreg:$0x4]  }
0x13: {  	[tilespmem:s4], [sflag:$0x7] =	stream.linear.gather [hbm4b:s7+s4], $0x2710, $0x38;
	[tilespmem:$0x1CF00] =	vst v63  }
0x14: {  	_ =	swait.ge [sflag:s14], $0x2710  }
0x15: {  	[sflag:s14] =	ssyncset.done $0x0  }
0x16: {  	s12 =	simm.s32 $0x2780;
	[sflag:s14] =	ssyncadd.s32 $0xFFFFD8F0  }
0x17: {  	[tilespmem:s12], [sflag:$0x7] =	stream.linear.gather [hbm4b:s6+s4], $0x2710, $0x38;
	[tilespmem:$0x1CF00] =	vst v63  }
0x18: {  	_ =	swait.ge [sflag:s14], $0x2710  }
0x19: {  	[sflag:s14] =	ssyncset.done $0x0  }
0x1a: {  	[sflag:s14] =	ssyncadd.s32 $0xFFFFD8F0  }
0x1b: {  	[tilespmem:s17], [sflag:$0x1] =	stream.indirect.gather [hbm4b:s1+s16], $0x80, s4, s16, $0xb8;
	[tilespmem:$0x1CF00] =	vst v63  }
0x1c: {  	_ = 	snop  }
0x1d: {  	[tilespmem:s18], [sflag:$0x1] =	stream.indirect.gather [hbm4b:s1+s16], $0x80, s12, s16, $0xb8;
	[tilespmem:$0x1CF00] =	vst v63  }
0x1e: {  	_ = 	snop  }
0x1f: {  	[tilespmem:s19], [sflag:$0x2] =	stream.indirect.gather [hbm4b:s1+s16], $0x80, s16, s16, $0xb8;
	[tilespmem:$0x1CF00] =	vst v63  }
0x20: {  	s13 =	simm.s32 $0x2800  }
0x21: {  	[tilespmem:s21], [sflag:$0x2] =	stream.indirect.gather [hbm4b:s1+s16], $0x80, s13, s16, $0xb8;
	[tilespmem:$0x1CF00] =	vst v63  }
0x22: {  	s15 =	simm.s32 $0x100  }
0x23: {  	[tilespmem:s23], [sflag:$0x3] =	stream.indirect.gather [hbm4b:s1+s16], $0x80, s15, s16, $0xb8;
	[tilespmem:$0x1CF00] =	vst v63  }
0x24: {  	s24 =	simm.s32 $0x2880  }
0x25: {  	[tilespmem:s25], [sflag:$0x3] =	stream.indirect.gather [hbm4b:s1+s16], $0x80, s24, s16, $0xb8;
	[tilespmem:$0x1CF00] =	vst v63  }
0x26: {  	s24 =	simm.s32 $0x0  }
.LBB2_2:
0x27: {  	_ =	swait.ge [sflag:s26], $0x4000  }
0x28: {  	[sflag:s26] =	ssyncset.done $0x0  }
0x29: {  	[sflag:s26] =	ssyncadd.s32 $0xFFFFC000  }
0x2a: {  	_ =	swait.ge [sflag:s26], $0x4000  }
0x2b: {  	[sflag:s26] =	ssyncset.done $0x0  }
0x2c: {  	s7 =	simm.s32 $0x10F80;
	[sflag:s26] =	ssyncadd.s32 $0xFFFFC000  }
0x2d: {  	s15 =	simm.s32 $0x4F80;
	v0 =	vld [tilespmem:s7+$0xFFFFFF80]  }
0x2e: {  	v1 =	vld [tilespmem:s15+$0xFFFFFF80];
	_ =	sdelay $0x4  }
0x2f: {  	v0 =	vsub.f32 v1, v0;
	_ =	sdelay $0x1  }
0x30: {  	[tilespmem:s7+$0xFFFFFF80] =	vst v0;
	v0 =	vld [tilespmem:s7+$0xFFFFFF90]  }
0x31: {  	v1 =	vld [tilespmem:s15+$0xFFFFFF90];
	_ =	sdelay $0x4  }
0x32: {  	v0 =	vsub.f32 v1, v0;
	_ =	sdelay $0x1  }
0x33: {  	[tilespmem:s7+$0xFFFFFF90] =	vst v0;
	v0 =	vld [tilespmem:s7+$0xFFFFFFA0]  }
0x34: {  	v1 =	vld [tilespmem:s15+$0xFFFFFFA0];
	_ =	sdelay $0x4  }
0x35: {  	v0 =	vsub.f32 v1, v0;
	_ =	sdelay $0x1  }
0x36: {  	[tilespmem:s7+$0xFFFFFFA0] =	vst v0;
	v0 =	vld [tilespmem:s7+$0xFFFFFFB0]  }
0x37: {  	v1 =	vld [tilespmem:s15+$0xFFFFFFB0];
	_ =	sdelay $0x4  }
0x38: {  	v0 =	vsub.f32 v1, v0;
	_ =	sdelay $0x1  }
0x39: {  	[tilespmem:s7+$0xFFFFFFB0] =	vst v0;
	v0 =	vld [tilespmem:s7+$0xFFFFFFC0]  }
0x3a: {  	v1 =	vld [tilespmem:s15+$0xFFFFFFC0];
	_ =	sdelay $0x4  }
0x3b: {  	v0 =	vsub.f32 v1, v0;
	_ =	sdelay $0x1  }
0x3c: {  	[tilespmem:s7+$0xFFFFFFC0] =	vst v0;
	v0 =	vld [tilespmem:s7+$0xFFFFFFD0]  }
0x3d: {  	v1 =	vld [tilespmem:s15+$0xFFFFFFD0];
	_ =	sdelay $0x4  }
0x3e: {  	v0 =	vsub.f32 v1, v0;
	_ =	sdelay $0x1  }
0x3f: {  	[tilespmem:s7+$0xFFFFFFD0] =	vst v0;
	v0 =	vld [tilespmem:s7+$0xFFFFFFE0]  }
0x40: {  	v1 =	vld [tilespmem:s15+$0xFFFFFFE0];
	_ =	sdelay $0x4  }
0x41: {  	v0 =	vsub.f32 v1, v0;
	_ =	sdelay $0x1  }
0x42: {  	[tilespmem:s7+$0xFFFFFFE0] =	vst v0;
	v0 =	vld [tilespmem:s7+$0xFFFFFFF0]  }
0x43: {  	v1 =	vld [tilespmem:s15+$0xFFFFFFF0];
	_ =	sdelay $0x4  }
0x44: {  	v0 =	vsub.f32 v1, v0;
	_ =	sdelay $0x1  }
0x45: {  	[tilespmem:s7+$0xFFFFFFF0] =	vst v0;
	v0 =	vld [tilespmem:s7+$0x0]  }
0x46: {  	v1 =	vld [tilespmem:s15+$0x0];
	_ =	sdelay $0x4  }
0x47: {  	v0 =	vsub.f32 v1, v0;
	_ =	sdelay $0x1  }
0x48: {  	[tilespmem:s7+$0x0] =	vst v0;
	v0 =	vld [tilespmem:s7+$0x10]  }
0x49: {  	v1 =	vld [tilespmem:s15+$0x10];
	_ =	sdelay $0x4  }
0x4a: {  	v0 =	vsub.f32 v1, v0;
	_ =	sdelay $0x1  }
0x4b: {  	[tilespmem:s7+$0x10] =	vst v0;
	v0 =	vld [tilespmem:s7+$0x20]  }
0x4c: {  	v1 =	vld [tilespmem:s15+$0x20];
	_ =	sdelay $0x4  }
0x4d: {  	v0 =	vsub.f32 v1, v0;
	_ =	sdelay $0x1  }
0x4e: {  	[tilespmem:s7+$0x20] =	vst v0;
	v0 =	vld [tilespmem:s7+$0x30]  }
0x4f: {  	v1 =	vld [tilespmem:s15+$0x30];
	_ =	sdelay $0x4  }
0x50: {  	v0 =	vsub.f32 v1, v0;
	_ =	sdelay $0x1  }
0x51: {  	[tilespmem:s7+$0x30] =	vst v0;
	v0 =	vld [tilespmem:s7+$0x40]  }
0x52: {  	v1 =	vld [tilespmem:s15+$0x40];
	_ =	sdelay $0x4  }
0x53: {  	v0 =	vsub.f32 v1, v0;
	_ =	sdelay $0x1  }
0x54: {  	[tilespmem:s7+$0x40] =	vst v0;
	v0 =	vld [tilespmem:s7+$0x50]  }
0x55: {  	v1 =	vld [tilespmem:s15+$0x50];
	_ =	sdelay $0x4  }
0x56: {  	v0 =	vsub.f32 v1, v0;
	_ =	sdelay $0x1  }
0x57: {  	[tilespmem:s7+$0x50] =	vst v0;
	v0 =	vld [tilespmem:s7+$0x60]  }
0x58: {  	v1 =	vld [tilespmem:s15+$0x60];
	_ =	sdelay $0x4  }
0x59: {  	v0 =	vsub.f32 v1, v0;
	_ =	sdelay $0x1  }
0x5a: {  	[tilespmem:s7+$0x60] =	vst v0;
	v0 =	vld [tilespmem:s7+$0x70]  }
0x5b: {  	v1 =	vld [tilespmem:s15+$0x70];
	_ =	sdelay $0x4  }
0x5c: {  	v0 =	vsub.f32 v1, v0  }
0x5d: {  	s11 =	simm.s32 $0x0;
	s12 =	simm.s32 $0x11080  }
.LBB2_3:
0x5e: {  	v1 =	vld [tilespmem:s12+$0xFFFFFF80];
	[tilespmem:s7+$0x70] =	vst v0;
	s15 =	sadd.s32 $0x100, s15;
	s7 =	smov.u32 s12  }
0x5f: {  	s11 =	sadd.s32 $0x2, s11;
	v0 =	vld [tilespmem:s15+$0xFFFFFF80]  }
0x60: {  	p0 =	slt.u32 s11, $0x7E;
	_ =	sdelay $0x3  }
0x61: {  	v0 =	vsub.f32 v0, v1;
	_ =	sdelay $0x1  }
0x62: {  	[tilespmem:s12+$0xFFFFFF80] =	vst v0;
	v0 =	vld [tilespmem:s12+$0xFFFFFF90]  }
0x63: {  	v1 =	vld [tilespmem:s15+$0xFFFFFF90];
	_ =	sdelay $0x4  }
0x64: {  	v0 =	vsub.f32 v1, v0;
	_ =	sdelay $0x1  }
0x65: {  	[tilespmem:s12+$0xFFFFFF90] =	vst v0;
	v0 =	vld [tilespmem:s12+$0xFFFFFFA0]  }
0x66: {  	v1 =	vld [tilespmem:s15+$0xFFFFFFA0];
	_ =	sdelay $0x4  }
0x67: {  	v0 =	vsub.f32 v1, v0;
	_ =	sdelay $0x1  }
0x68: {  	[tilespmem:s12+$0xFFFFFFA0] =	vst v0;
	v0 =	vld [tilespmem:s12+$0xFFFFFFB0]  }
0x69: {  	v1 =	vld [tilespmem:s15+$0xFFFFFFB0];
	_ =	sdelay $0x4  }
0x6a: {  	v0 =	vsub.f32 v1, v0;
	_ =	sdelay $0x1  }
0x6b: {  	[tilespmem:s12+$0xFFFFFFB0] =	vst v0;
	v0 =	vld [tilespmem:s12+$0xFFFFFFC0]  }
0x6c: {  	v1 =	vld [tilespmem:s15+$0xFFFFFFC0];
	_ =	sdelay $0x4  }
0x6d: {  	v0 =	vsub.f32 v1, v0;
	_ =	sdelay $0x1  }
0x6e: {  	[tilespmem:s12+$0xFFFFFFC0] =	vst v0;
	v0 =	vld [tilespmem:s12+$0xFFFFFFD0]  }
0x6f: {  	v1 =	vld [tilespmem:s15+$0xFFFFFFD0];
	_ =	sdelay $0x4  }
0x70: {  	v0 =	vsub.f32 v1, v0;
	_ =	sdelay $0x1  }
0x71: {  	[tilespmem:s12+$0xFFFFFFD0] =	vst v0;
	v0 =	vld [tilespmem:s12+$0xFFFFFFE0]  }
0x72: {  	v1 =	vld [tilespmem:s15+$0xFFFFFFE0];
	_ =	sdelay $0x4  }
0x73: {  	v0 =	vsub.f32 v1, v0;
	_ =	sdelay $0x1  }
0x74: {  	[tilespmem:s12+$0xFFFFFFE0] =	vst v0;
	v0 =	vld [tilespmem:s12+$0xFFFFFFF0]  }
0x75: {  	v1 =	vld [tilespmem:s15+$0xFFFFFFF0];
	_ =	sdelay $0x4  }
0x76: {  	v0 =	vsub.f32 v1, v0;
	_ =	sdelay $0x1  }
0x77: {  	[tilespmem:s12+$0xFFFFFFF0] =	vst v0;
	v0 =	vld [tilespmem:s12+$0x0]  }
0x78: {  	v1 =	vld [tilespmem:s15+$0x0];
	_ =	sdelay $0x4  }
0x79: {  	v0 =	vsub.f32 v1, v0;
	_ =	sdelay $0x1  }
0x7a: {  	[tilespmem:s12+$0x0] =	vst v0;
	v0 =	vld [tilespmem:s12+$0x10]  }
0x7b: {  	v1 =	vld [tilespmem:s15+$0x10];
	_ =	sdelay $0x4  }
0x7c: {  	v0 =	vsub.f32 v1, v0;
	_ =	sdelay $0x1  }
0x7d: {  	[tilespmem:s12+$0x10] =	vst v0;
	v0 =	vld [tilespmem:s12+$0x20]  }
0x7e: {  	v1 =	vld [tilespmem:s15+$0x20];
	_ =	sdelay $0x4  }
0x7f: {  	v0 =	vsub.f32 v1, v0;
	_ =	sdelay $0x1  }
0x80: {  	[tilespmem:s12+$0x20] =	vst v0;
	v0 =	vld [tilespmem:s12+$0x30]  }
0x81: {  	v1 =	vld [tilespmem:s15+$0x30];
	_ =	sdelay $0x4  }
0x82: {  	v0 =	vsub.f32 v1, v0;
	_ =	sdelay $0x1  }
0x83: {  	[tilespmem:s12+$0x30] =	vst v0;
	v0 =	vld [tilespmem:s12+$0x40]  }
0x84: {  	v1 =	vld [tilespmem:s15+$0x40];
	_ =	sdelay $0x4  }
0x85: {  	v0 =	vsub.f32 v1, v0;
	_ =	sdelay $0x1  }
0x86: {  	[tilespmem:s12+$0x40] =	vst v0;
	v0 =	vld [tilespmem:s12+$0x50]  }
0x87: {  	v1 =	vld [tilespmem:s15+$0x50];
	_ =	sdelay $0x4  }
0x88: {  	v0 =	vsub.f32 v1, v0;
	_ =	sdelay $0x1  }
0x89: {  	[tilespmem:s12+$0x50] =	vst v0;
	v0 =	vld [tilespmem:s12+$0x60]  }
0x8a: {  	v1 =	vld [tilespmem:s15+$0x60];
	_ =	sdelay $0x4  }
0x8b: {  	v0 =	vsub.f32 v1, v0;
	_ =	sdelay $0x1  }
0x8c: {  	[tilespmem:s12+$0x60] =	vst v0;
	v0 =	vld [tilespmem:s12+$0x70]  }
0x8d: {  	v1 =	vld [tilespmem:s15+$0x70];
	_ =	sdelay $0x1  }
.Ltmp0:
0x8e: {  	(pc) =	sbr.rel @p0 .LBB2_3-.Ltmp0, $3  }
0x8f: {  	_ =	sdelay $0x1  }
0x90: {  	v0 =	vsub.f32 v1, v0  }
0x91: {  	s12 =	sadd.s32 $0x100, s12  }
0x92: {  	s15 =	smul.u32 $0x180, s24;
	_ =	sdelay $0x1  }
0x93: {  	s11 =	sadd.s32 s5, s15  }
0x94: {  	s11 =	sshll.u32 s11, $0x5  }
0x95: {  	[tilespmem:s7+$0x70] =	vst v0;
	s12 =	sadd.s32 s3, s11  }
0x96: {  	[hbm4b:s12+s28] =	stream.strided.scatter [tilespmem:s18], [sflag:$0x4], $0x4000, s29, s28, $0x38;
	[tilespmem:$0x1CF00] =	vst v63  }
0x97: {  	s13 =	sadd.s32 s11, s8  }
0x98: {  	[hbm4b:s13+s28] =	stream.strided.scatter [tilespmem:s17], [sflag:$0x4], $0x4000, s29, s28, $0x38;
	[tilespmem:$0x1CF00] =	vst v63  }
0x99: {  	_ =	swait.ge [sflag:s30], $0x4000  }
0x9a: {  	[sflag:s30] =	ssyncset.done $0x0  }
0x9b: {  	[sflag:s30] =	ssyncadd.s32 $0xFFFFC000  }
0x9c: {  	_ =	swait.ge [sflag:s30], $0x4000  }
0x9d: {  	[sflag:s30] =	ssyncset.done $0x0  }
0x9e: {  	s7 =	simm.s32 $0x0;
	[sflag:s30] =	ssyncadd.s32 $0xFFFFC000  }
0x9f: {  	v3 =	vld [tilespmem:s7+$0x14FF0]  }
0xa0: {  	v2 =	vld [tilespmem:s7+$0x14FE0]  }
0xa1: {  	v4 =	vld [tilespmem:s7+$0x14FD0]  }
0xa2: {  	v5 =	vld [tilespmem:s7+$0x8FE0]  }
0xa3: {  	v6 =	vld [tilespmem:s7+$0x8FF0]  }
0xa4: {  	v0 =	vld [tilespmem:s7+$0x8FC0]  }
0xa5: {  	v7 =	vld [tilespmem:s7+$0x8FD0]  }
0xa6: {  	v8 =	vld [tilespmem:s7+$0x14FB0]  }
0xa7: {  	v1 =	vld [tilespmem:s7+$0x8FA0]  }
0xa8: {  	v9 =	vld [tilespmem:s7+$0x8FB0]  }
0xa9: {  	v10 =	vld [tilespmem:s7+$0x14F50]  }
0xaa: {  	v11 =	vld [tilespmem:s7+$0x8F50]  }
0xab: {  	v12 =	vld [tilespmem:s7+$0x14F60]  }
0xac: {  	v13 =	vld [tilespmem:s7+$0x8F60]  }
0xad: {  	v14 =	vld [tilespmem:s7+$0x14F40]  }
0xae: {  	v15 =	vld [tilespmem:s7+$0x8F40]  }
0xaf: {  	v16 =	vld [tilespmem:s7+$0x14F30];
	v3 =	vsub.f32 v6, v3  }
0xb0: {  	v5 =	vsub.f32 v5, v2;
	v6 =	vld [tilespmem:s7+$0x14F80]  }
0xb1: {  	[tilespmem:s7+$0x14FF0] =	vst v3;
	v3 =	vsub.f32 v7, v4;
	v7 =	vld [tilespmem:s7+$0x8F80]  }
0xb2: {  	[tilespmem:s7+$0x14FE0] =	vst v5;
	v5 =	vld [tilespmem:s7+$0x14F90]  }
0xb3: {  	v4 =	vld [tilespmem:s7+$0x8F90]  }
0xb4: {  	v17 =	vld [tilespmem:s7+$0x8F30]  }
0xb5: {  	v18 =	vld [tilespmem:s7+$0x14F20]  }
0xb6: {  	v2 =	vld [tilespmem:s7+$0x8F00];
	v6 =	vsub.f32 v7, v6  }
0xb7: {  	[tilespmem:s7+$0x14FD0] =	vst v3;
	v3 =	vld [tilespmem:s7+$0x8F70];
	v7 =	vsub.f32 v11, v10  }
0xb8: {  	v11 =	vld [tilespmem:s7+$0x8F20];
	v5 =	vsub.f32 v4, v5;
	[tilespmem:s7+$0x14F80] =	vst v6  }
0xb9: {  	v4 =	vld [tilespmem:s7+$0x14F10];
	v10 =	vsub.f32 v15, v14;
	[tilespmem:s7+$0x14F50] =	vst v7  }
0xba: {  	v6 =	vsub.f32 v13, v12;
	[tilespmem:s7+$0x14F90] =	vst v5;
	v5 =	vld [tilespmem:s7+$0x8F10]  }
0xbb: {  	v63 =	vsub.f32 v17, v16;
	v7 =	vld [tilespmem:s7+$0x14F00];
	[tilespmem:s7+$0x14F40] =	vst v10  }
0xbc: {  	v10 =	vsub.f32 v9, v8;
	[tilespmem:s7+$0x14F60] =	vst v6;
	v6 =	vld [tilespmem:s7+$0x14FA0]  }
0xbd: {  	s11 =	simm.s32 $0x0;
	s12 =	simm.s32 $0x400;
	[tilespmem:s7+$0x14F30] =	vst v63;
	v8 =	vld [tilespmem:s7+$0x14FC0];
	v9 =	vsub.f32 v11, v18  }
.LBB2_5:
0xbe: {  	s13 =	sshra.s32 s12, $0x2;
	s11 =	sadd.s32 $0x2, s11;
	v11 =	vld [tilespmem:s7+$0x14F70];
	[tilespmem:s7+$0x14FB0] =	vst v10  }
0xbf: {  	v10 =	vld [tilespmem:s13+$0x14FF0];
	p0 =	slt.u32 s11, $0x7E;
	[tilespmem:s7+$0x14F20] =	vst v9  }
0xc0: {  	v9 =	vld [tilespmem:s13+$0x14FE0];
	v2 =	vsub.f32 v2, v7  }
0xc1: {  	v4 =	vsub.f32 v5, v4;
	v7 =	vld [tilespmem:s13+$0x14FD0];
	v1 =	vsub.f32 v1, v6  }
0xc2: {  	v5 =	vld [tilespmem:s13+$0x8FE0];
	[tilespmem:s7+$0x14F00] =	vst v2;
	v2 =	vsub.f32 v0, v8  }
0xc3: {  	v6 =	vld [tilespmem:s13+$0x8FF0];
	[tilespmem:s7+$0x14F10] =	vst v4;
	v3 =	vsub.f32 v3, v11  }
0xc4: {  	v0 =	vld [tilespmem:s13+$0x8FC0];
	[tilespmem:s7+$0x14FC0] =	vst v2  }
0xc5: {  	v4 =	vld [tilespmem:s13+$0x8FD0];
	[tilespmem:s7+$0x14F70] =	vst v3  }
0xc6: {  	v8 =	vld [tilespmem:s13+$0x14FB0];
	[tilespmem:s7+$0x14FA0] =	vst v1;
	s7 =	smov.u32 s13  }
0xc7: {  	v1 =	vld [tilespmem:s7+$0x8FA0];
	v3 =	vsub.f32 v5, v9  }
0xc8: {  	v9 =	vld [tilespmem:s7+$0x8FB0];
	v5 =	vsub.f32 v6, v10  }
0xc9: {  	v2 =	vld [tilespmem:s7+$0x8F00];
	[tilespmem:s7+$0x14FE0] =	vst v3  }
0xca: {  	v6 =	vld [tilespmem:s7+$0x14F90];
	v3 =	vsub.f32 v4, v7;
	[tilespmem:s7+$0x14FF0] =	vst v5  }
0xcb: {  	v4 =	vld [tilespmem:s7+$0x8F90]  }
0xcc: {  	v5 =	vld [tilespmem:s7+$0x14F80];
	[tilespmem:s7+$0x14FD0] =	vst v3  }
0xcd: {  	v7 =	vld [tilespmem:s7+$0x8F80]  }
0xce: {  	v10 =	vld [tilespmem:s7+$0x14F50]  }
0xcf: {  	v3 =	vld [tilespmem:s7+$0x8F70]  }
0xd0: {  	v11 =	vld [tilespmem:s7+$0x8F50]  }
0xd1: {  	v12 =	vld [tilespmem:s7+$0x14F60]  }
0xd2: {  	v13 =	vld [tilespmem:s7+$0x8F60]  }
0xd3: {  	v14 =	vld [tilespmem:s7+$0x14F40]  }
0xd4: {  	v15 =	vld [tilespmem:s7+$0x8F40]  }
0xd5: {  	v5 =	vsub.f32 v7, v5;
	v16 =	vld [tilespmem:s7+$0x14F30];
	v10 =	vsub.f32 v11, v10  }
0xd6: {  	v11 =	vld [tilespmem:s7+$0x8F30]  }
0xd7: {  	v17 =	vld [tilespmem:s7+$0x14F20];
	v7 =	vsub.f32 v13, v12;
	[tilespmem:s7+$0x14F80] =	vst v5;
	v5 =	vsub.f32 v4, v6  }
0xd8: {  	v12 =	vld [tilespmem:s7+$0x8F20];
	[tilespmem:s7+$0x14F50] =	vst v10  }
.Ltmp1:
0xd9: {  	v4 =	vld [tilespmem:s7+$0x14F10];
	v6 =	vsub.f32 v15, v14;
	[tilespmem:s7+$0x14F90] =	vst v5;
	(pc) =	sbr.rel @p0 .LBB2_5-.Ltmp1, $4  }
0xda: {  	v5 =	vld [tilespmem:s7+$0x8F10];
	[tilespmem:s7+$0x14F60] =	vst v7  }
0xdb: {  	v10 =	vsub.f32 v9, v8;
	v7 =	vld [tilespmem:s7+$0x14F00];
	v11 =	vsub.f32 v11, v16;
	[tilespmem:s7+$0x14F40] =	vst v6  }
0xdc: {  	v6 =	vld [tilespmem:s7+$0x14FA0]  }
0xdd: {  	s12 =	sadd.s32 $0x400, s12;
	v9 =	vsub.f32 v12, v17;
	[tilespmem:s7+$0x14F30] =	vst v11;
	v8 =	vld [tilespmem:s7+$0x14FC0]  }
0xde: {  	v11 =	vld [tilespmem:s7+$0x14F70]  }
0xdf: {  	[tilespmem:s7+$0x14FB0] =	vst v10;
	v4 =	vsub.f32 v5, v4  }
0xe0: {  	[tilespmem:s7+$0x14F20] =	vst v9;
	v2 =	vsub.f32 v2, v7  }
0xe1: {  	[tilespmem:s7+$0x14F10] =	vst v4;
	v1 =	vsub.f32 v1, v6  }
0xe2: {  	[tilespmem:s7+$0x14F00] =	vst v2;
	v0 =	vsub.f32 v0, v8  }
0xe3: {  	s11 =	sadd.s32 s15, s9;
	v2 =	vsub.f32 v3, v11;
	[tilespmem:s7+$0x14FA0] =	vst v1  }
0xe4: {  	s11 =	sshll.u32 s11, $0x5;
	[tilespmem:s7+$0x14FC0] =	vst v0  }
0xe5: {  	s12 =	sadd.s32 s3, s11;
	[tilespmem:s7+$0x14F70] =	vst v2  }
0xe6: {  	[hbm4b:s12+s28] =	stream.strided.scatter [tilespmem:s21], [sflag:$0x5], $0x4000, s29, s28, $0x38;
	[tilespmem:$0x1CF00] =	vst v63  }
0xe7: {  	s13 =	sadd.s32 s11, s8  }
0xe8: {  	[hbm4b:s13+s28] =	stream.strided.scatter [tilespmem:s19], [sflag:$0x5], $0x4000, s29, s28, $0x38;
	[tilespmem:$0x1CF00] =	vst v63  }
0xe9: {  	_ =	swait.ge [sflag:s31], $0x4000  }
0xea: {  	[sflag:s31] =	ssyncset.done $0x0  }
0xeb: {  	[sflag:s31] =	ssyncadd.s32 $0xFFFFC000  }
0xec: {  	_ =	swait.ge [sflag:s31], $0x4000  }
0xed: {  	[sflag:s31] =	ssyncset.done $0x0  }
0xee: {  	s7 =	simm.s32 $0x0;
	[sflag:s31] =	ssyncadd.s32 $0xFFFFC000  }
0xef: {  	v3 =	vld [tilespmem:s7+$0x18FF0]  }
0xf0: {  	v2 =	vld [tilespmem:s7+$0x18FE0]  }
0xf1: {  	v4 =	vld [tilespmem:s7+$0x18FD0]  }
0xf2: {  	v5 =	vld [tilespmem:s7+$0xCFE0]  }
0xf3: {  	v6 =	vld [tilespmem:s7+$0xCFF0]  }
0xf4: {  	v0 =	vld [tilespmem:s7+$0xCFC0]  }
0xf5: {  	v7 =	vld [tilespmem:s7+$0xCFD0]  }
0xf6: {  	v8 =	vld [tilespmem:s7+$0x18FB0]  }
0xf7: {  	v1 =	vld [tilespmem:s7+$0xCFA0]  }
0xf8: {  	v9 =	vld [tilespmem:s7+$0xCFB0]  }
0xf9: {  	v10 =	vld [tilespmem:s7+$0x18F50]  }
0xfa: {  	v11 =	vld [tilespmem:s7+$0xCF50]  }
0xfb: {  	v12 =	vld [tilespmem:s7+$0x18F60]  }
0xfc: {  	v13 =	vld [tilespmem:s7+$0xCF60]  }
0xfd: {  	v14 =	vld [tilespmem:s7+$0x18F40]  }
0xfe: {  	v15 =	vld [tilespmem:s7+$0xCF40]  }
0xff: {  	v16 =	vld [tilespmem:s7+$0x18F30];
	v3 =	vsub.f32 v6, v3  }
0x100: {  	v5 =	vsub.f32 v5, v2;
	v6 =	vld [tilespmem:s7+$0x18F80]  }
0x101: {  	[tilespmem:s7+$0x18FF0] =	vst v3;
	v3 =	vsub.f32 v7, v4;
	v7 =	vld [tilespmem:s7+$0xCF80]  }
0x102: {  	[tilespmem:s7+$0x18FE0] =	vst v5;
	v5 =	vld [tilespmem:s7+$0x18F90]  }
0x103: {  	v4 =	vld [tilespmem:s7+$0xCF90]  }
0x104: {  	v17 =	vld [tilespmem:s7+$0xCF30]  }
0x105: {  	v18 =	vld [tilespmem:s7+$0x18F20]  }
0x106: {  	v2 =	vld [tilespmem:s7+$0xCF00];
	v6 =	vsub.f32 v7, v6  }
0x107: {  	[tilespmem:s7+$0x18FD0] =	vst v3;
	v3 =	vld [tilespmem:s7+$0xCF70];
	v7 =	vsub.f32 v11, v10  }
0x108: {  	v11 =	vld [tilespmem:s7+$0xCF20];
	v5 =	vsub.f32 v4, v5;
	[tilespmem:s7+$0x18F80] =	vst v6  }
0x109: {  	v4 =	vld [tilespmem:s7+$0x18F10];
	v10 =	vsub.f32 v15, v14;
	[tilespmem:s7+$0x18F50] =	vst v7  }
0x10a: {  	v6 =	vsub.f32 v13, v12;
	[tilespmem:s7+$0x18F90] =	vst v5;
	v5 =	vld [tilespmem:s7+$0xCF10]  }
0x10b: {  	v63 =	vsub.f32 v17, v16;
	v7 =	vld [tilespmem:s7+$0x18F00];
	[tilespmem:s7+$0x18F40] =	vst v10  }
0x10c: {  	v10 =	vsub.f32 v9, v8;
	[tilespmem:s7+$0x18F60] =	vst v6;
	v6 =	vld [tilespmem:s7+$0x18FA0]  }
0x10d: {  	s11 =	simm.s32 $0x0;
	s12 =	simm.s32 $0x400;
	[tilespmem:s7+$0x18F30] =	vst v63;
	v8 =	vld [tilespmem:s7+$0x18FC0];
	v9 =	vsub.f32 v11, v18  }
.LBB2_7:
0x10e: {  	s13 =	sshra.s32 s12, $0x2;
	s11 =	sadd.s32 $0x2, s11;
	v11 =	vld [tilespmem:s7+$0x18F70];
	[tilespmem:s7+$0x18FB0] =	vst v10  }
0x10f: {  	v10 =	vld [tilespmem:s13+$0x18FF0];
	p0 =	slt.u32 s11, $0x7E;
	[tilespmem:s7+$0x18F20] =	vst v9  }
0x110: {  	v9 =	vld [tilespmem:s13+$0x18FE0];
	v2 =	vsub.f32 v2, v7  }
0x111: {  	v4 =	vsub.f32 v5, v4;
	v7 =	vld [tilespmem:s13+$0x18FD0];
	v1 =	vsub.f32 v1, v6  }
0x112: {  	v5 =	vld [tilespmem:s13+$0xCFE0];
	[tilespmem:s7+$0x18F00] =	vst v2;
	v2 =	vsub.f32 v0, v8  }
0x113: {  	v6 =	vld [tilespmem:s13+$0xCFF0];
	[tilespmem:s7+$0x18F10] =	vst v4;
	v3 =	vsub.f32 v3, v11  }
0x114: {  	v0 =	vld [tilespmem:s13+$0xCFC0];
	[tilespmem:s7+$0x18FC0] =	vst v2  }
0x115: {  	v4 =	vld [tilespmem:s13+$0xCFD0];
	[tilespmem:s7+$0x18F70] =	vst v3  }
0x116: {  	v8 =	vld [tilespmem:s13+$0x18FB0];
	[tilespmem:s7+$0x18FA0] =	vst v1;
	s7 =	smov.u32 s13  }
0x117: {  	v1 =	vld [tilespmem:s7+$0xCFA0];
	v3 =	vsub.f32 v5, v9  }
0x118: {  	v9 =	vld [tilespmem:s7+$0xCFB0];
	v5 =	vsub.f32 v6, v10  }
0x119: {  	v2 =	vld [tilespmem:s7+$0xCF00];
	[tilespmem:s7+$0x18FE0] =	vst v3  }
0x11a: {  	v6 =	vld [tilespmem:s7+$0x18F90];
	v3 =	vsub.f32 v4, v7;
	[tilespmem:s7+$0x18FF0] =	vst v5  }
0x11b: {  	v4 =	vld [tilespmem:s7+$0xCF90]  }
0x11c: {  	v5 =	vld [tilespmem:s7+$0x18F80];
	[tilespmem:s7+$0x18FD0] =	vst v3  }
0x11d: {  	v7 =	vld [tilespmem:s7+$0xCF80]  }
0x11e: {  	v10 =	vld [tilespmem:s7+$0x18F50]  }
0x11f: {  	v3 =	vld [tilespmem:s7+$0xCF70]  }
0x120: {  	v11 =	vld [tilespmem:s7+$0xCF50]  }
0x121: {  	v12 =	vld [tilespmem:s7+$0x18F60]  }
0x122: {  	v13 =	vld [tilespmem:s7+$0xCF60]  }
0x123: {  	v14 =	vld [tilespmem:s7+$0x18F40]  }
0x124: {  	v15 =	vld [tilespmem:s7+$0xCF40]  }
0x125: {  	v5 =	vsub.f32 v7, v5;
	v16 =	vld [tilespmem:s7+$0x18F30];
	v10 =	vsub.f32 v11, v10  }
0x126: {  	v11 =	vld [tilespmem:s7+$0xCF30]  }
0x127: {  	v17 =	vld [tilespmem:s7+$0x18F20];
	v7 =	vsub.f32 v13, v12;
	[tilespmem:s7+$0x18F80] =	vst v5;
	v5 =	vsub.f32 v4, v6  }
0x128: {  	v12 =	vld [tilespmem:s7+$0xCF20];
	[tilespmem:s7+$0x18F50] =	vst v10  }
.Ltmp2:
0x129: {  	v4 =	vld [tilespmem:s7+$0x18F10];
	v6 =	vsub.f32 v15, v14;
	[tilespmem:s7+$0x18F90] =	vst v5;
	(pc) =	sbr.rel @p0 .LBB2_7-.Ltmp2, $4  }
0x12a: {  	v5 =	vld [tilespmem:s7+$0xCF10];
	[tilespmem:s7+$0x18F60] =	vst v7  }
0x12b: {  	v10 =	vsub.f32 v9, v8;
	v7 =	vld [tilespmem:s7+$0x18F00];
	v11 =	vsub.f32 v11, v16;
	[tilespmem:s7+$0x18F40] =	vst v6  }
0x12c: {  	v6 =	vld [tilespmem:s7+$0x18FA0]  }
0x12d: {  	s12 =	sadd.s32 $0x400, s12;
	v9 =	vsub.f32 v12, v17;
	[tilespmem:s7+$0x18F30] =	vst v11;
	v8 =	vld [tilespmem:s7+$0x18FC0]  }
0x12e: {  	v11 =	vld [tilespmem:s7+$0x18F70]  }
0x12f: {  	[tilespmem:s7+$0x18FB0] =	vst v10;
	v4 =	vsub.f32 v5, v4  }
0x130: {  	[tilespmem:s7+$0x18F20] =	vst v9;
	v2 =	vsub.f32 v2, v7  }
0x131: {  	[tilespmem:s7+$0x18F10] =	vst v4;
	v1 =	vsub.f32 v1, v6  }
0x132: {  	[tilespmem:s7+$0x18F00] =	vst v2;
	v0 =	vsub.f32 v0, v8  }
0x133: {  	s11 =	sadd.s32 s15, s10;
	v63 =	vsub.f32 v3, v11;
	[tilespmem:s7+$0x18FA0] =	vst v1  }
0x134: {  	s11 =	sshll.u32 s11, $0x5;
	[tilespmem:s7+$0x18FC0] =	vst v0  }
0x135: {  	s13 =	sadd.s32 s3, s11;
	[tilespmem:s7+$0x18F70] =	vst v63  }
0x136: {  	[hbm4b:s13+s28] =	stream.strided.scatter [tilespmem:s25], [sflag:$0x6], $0x4000, s29, s28, $0x38;
	[tilespmem:$0x1CF00] =	vst v63  }
0x137: {  	s15 =	sadd.s32 s11, s8  }
0x138: {  	[hbm4b:s15+s28] =	stream.strided.scatter [tilespmem:s23], [sflag:$0x6], $0x4000, s29, s28, $0x38;
	[tilespmem:$0x1CF00] =	vst v63  }
0x139: {  	_ =	swait.ge [sflag:s2], $0x4000  }
0x13a: {  	[sflag:s2] =	ssyncset.done $0x0  }
0x13b: {  	[sflag:s2] =	ssyncadd.s32 $0xFFFFC000  }
0x13c: {  	_ =	swait.ge [sflag:s2], $0x4000  }
0x13d: {  	p0 =	seq.s32 s24, $0x19;
	[sflag:s2] =	ssyncset.done $0x0  }
0x13e: {  	s7 =	simm.s32 @p0 $0x5;
	[sflag:s2] =	ssyncadd.s32 $0xFFFFC000  }
0x13f: {  	_ =	swait.ge @p0 [sflag:s7], $0x4000  }
0x140: {  	[sflag:s7] =	ssyncset.done @p0 $0x0  }
0x141: {  	[sflag:s7] =	ssyncadd.s32 @p0 $0xFFFFC000  }
0x142: {  	s24 =	sadd.s32 $0x1, s24;
	_ =	swait.ge @p0 [sflag:s7], $0x4000  }
0x143: {  	s11 =	smul.u32 @!p0 $0x180, s24;
	[sflag:s7] =	ssyncset.done @p0 $0x0  }
0x144: {  	s12 =	simm.s32 @!p0 $0x4F00;
	[sflag:s7] =	ssyncadd.s32 @p0 $0xFFFFC000;
	s7 =	simm.s32 @!p0 $0x80  }
0x145: {  	[tilespmem:s12], [sflag:$0x1] =	stream.indirect.gather @!p0 [hbm4b:s1+s7], $0x80, s11, s7, $0xb8;
	[tilespmem:$0x1CF00] =	vst v63  }
0x146: {  	s13 =	simm.s32 @!p0 $0x10F00;
	s12 =	sadd.s32 @!p0 $0x2780, s11  }
0x147: {  	[tilespmem:s13], [sflag:$0x1] =	stream.indirect.gather @!p0 [hbm4b:s1+s7], $0x80, s12, s7, $0xb8;
	[tilespmem:$0x1CF00] =	vst v63  }
0x148: {  	s12 =	simm.s32 @!p0 $0x5  }
0x149: {  	_ =	swait.ge @!p0 [sflag:s12], $0x4000  }
0x14a: {  	[sflag:s12] =	ssyncset.done @!p0 $0x0  }
0x14b: {  	[sflag:s12] =	ssyncadd.s32 @!p0 $0xFFFFC000  }
0x14c: {  	_ =	swait.ge @!p0 [sflag:s12], $0x4000  }
0x14d: {  	[sflag:s12] =	ssyncset.done @!p0 $0x0  }
0x14e: {  	s13 =	simm.s32 @!p0 $0x8F00;
	[sflag:s12] =	ssyncadd.s32 @!p0 $0xFFFFC000;
	s12 =	sadd.s32 @!p0 $0x80, s11  }
0x14f: {  	[tilespmem:s13], [sflag:$0x2] =	stream.indirect.gather @!p0 [hbm4b:s1+s7], $0x80, s12, s7, $0xb8;
	[tilespmem:$0x1CF00] =	vst v63  }
0x150: {  	s12 =	sadd.s32 @!p0 $0x2800, s11;
	s13 =	simm.s32 @!p0 $0x14F00  }
0x151: {  	[tilespmem:s13], [sflag:$0x2] =	stream.indirect.gather @!p0 [hbm4b:s1+s7], $0x80, s12, s7, $0xb8;
	[tilespmem:$0x1CF00] =	vst v63  }
0x152: {  	_ =	swait.ge [sflag:s0], $0x4000  }
0x153: {  	[sflag:s0] =	ssyncset.done $0x0  }
0x154: {  	[sflag:s0] =	ssyncadd.s32 $0xFFFFC000  }
0x155: {  	_ =	swait.ge [sflag:s0], $0x4000  }
0x156: {  	[sflag:s0] =	ssyncset.done $0x0  }
0x157: {  	s12 =	sadd.s32 @!p0 $0x100, s11;
	s13 =	simm.s32 @!p0 $0xCF00;
	[sflag:s0] =	ssyncadd.s32 $0xFFFFC000  }
0x158: {  	[tilespmem:s13], [sflag:$0x3] =	stream.indirect.gather @!p0 [hbm4b:s1+s7], $0x80, s12, s7, $0xb8;
	[tilespmem:$0x1CF00] =	vst v63  }
0x159: {  	p1 =	sne.s32 @!p0 s24, $0x1A;
	s11 =	sadd.s32 @!p0 $0x2880, s11;
	s12 =	simm.s32 @!p0 $0x18F00  }
0x15a: {  	[tilespmem:s12], [sflag:$0x3] =	stream.indirect.gather @!p0 [hbm4b:s1+s7], $0x80, s11, s7, $0xb8;
	[tilespmem:$0x1CF00] =	vst v63  }
0x15b: {  	p0 =	por p0, !p1  }
.Ltmp3:
0x15c: {  	_ = 	snop;
	(pc) =	sbr.rel @!p0 .LBB2_2-.Ltmp3, $1  }
0x15d: {  	_ =	sdelay $0x3  }
0x15e: {  	s7 =	simm.s32 $0x2700  }
0x15f: {  	[tilespmem:s17], [sflag:$0x1] =	stream.indirect.gather [hbm4b:s1+s20], $0x80, s7, s20, $0xb8;
	[tilespmem:$0x1CF00] =	vst v63  }
0x160: {  	s24 =	simm.s32 $0x4E80  }
0x161: {  	[tilespmem:s18], [sflag:$0x1] =	stream.indirect.gather [hbm4b:s1+s20], $0x80, s24, s20, $0xb8;
	[tilespmem:$0x1CF00] =	vst v63  }
0x162: {  	_ =	swait.ge [sflag:s26], $0x800  }
0x163: {  	[sflag:s26] =	ssyncset.done $0x0  }
0x164: {  	[sflag:s26] =	ssyncadd.s32 $0xFFFFF800  }
0x165: {  	_ =	swait.ge [sflag:s26], $0x800  }
0x166: {  	[sflag:s26] =	ssyncset.done $0x0  }
0x167: {  	s7 =	simm.s32 $0x10F80;
	[sflag:s26] =	ssyncadd.s32 $0xFFFFF800  }
0x168: {  	s15 =	simm.s32 $0x4F80;
	v0 =	vld [tilespmem:s7+$0xFFFFFF80]  }
0x169: {  	v1 =	vld [tilespmem:s15+$0xFFFFFF80];
	_ =	sdelay $0x4  }
0x16a: {  	v0 =	vsub.f32 v1, v0;
	_ =	sdelay $0x1  }
0x16b: {  	[tilespmem:s7+$0xFFFFFF80] =	vst v0;
	v0 =	vld [tilespmem:s7+$0xFFFFFF90]  }
0x16c: {  	v1 =	vld [tilespmem:s15+$0xFFFFFF90];
	_ =	sdelay $0x4  }
0x16d: {  	v0 =	vsub.f32 v1, v0;
	_ =	sdelay $0x1  }
0x16e: {  	[tilespmem:s7+$0xFFFFFF90] =	vst v0;
	v0 =	vld [tilespmem:s7+$0xFFFFFFA0]  }
0x16f: {  	v1 =	vld [tilespmem:s15+$0xFFFFFFA0];
	_ =	sdelay $0x4  }
0x170: {  	v0 =	vsub.f32 v1, v0;
	_ =	sdelay $0x1  }
0x171: {  	[tilespmem:s7+$0xFFFFFFA0] =	vst v0;
	v0 =	vld [tilespmem:s7+$0xFFFFFFB0]  }
0x172: {  	v1 =	vld [tilespmem:s15+$0xFFFFFFB0];
	_ =	sdelay $0x4  }
0x173: {  	v0 =	vsub.f32 v1, v0;
	_ =	sdelay $0x1  }
0x174: {  	[tilespmem:s7+$0xFFFFFFB0] =	vst v0;
	v0 =	vld [tilespmem:s7+$0xFFFFFFC0]  }
0x175: {  	v1 =	vld [tilespmem:s15+$0xFFFFFFC0];
	_ =	sdelay $0x4  }
0x176: {  	v0 =	vsub.f32 v1, v0;
	_ =	sdelay $0x1  }
0x177: {  	[tilespmem:s7+$0xFFFFFFC0] =	vst v0;
	v0 =	vld [tilespmem:s7+$0xFFFFFFD0]  }
0x178: {  	v1 =	vld [tilespmem:s15+$0xFFFFFFD0];
	_ =	sdelay $0x4  }
0x179: {  	v0 =	vsub.f32 v1, v0;
	_ =	sdelay $0x1  }
0x17a: {  	[tilespmem:s7+$0xFFFFFFD0] =	vst v0;
	v0 =	vld [tilespmem:s7+$0xFFFFFFE0]  }
0x17b: {  	v1 =	vld [tilespmem:s15+$0xFFFFFFE0];
	_ =	sdelay $0x4  }
0x17c: {  	v0 =	vsub.f32 v1, v0;
	_ =	sdelay $0x1  }
0x17d: {  	[tilespmem:s7+$0xFFFFFFE0] =	vst v0;
	v0 =	vld [tilespmem:s7+$0xFFFFFFF0]  }
0x17e: {  	v1 =	vld [tilespmem:s15+$0xFFFFFFF0];
	_ =	sdelay $0x4  }
0x17f: {  	v0 =	vsub.f32 v1, v0;
	_ =	sdelay $0x1  }
0x180: {  	[tilespmem:s7+$0xFFFFFFF0] =	vst v0;
	v0 =	vld [tilespmem:s7+$0x0]  }
0x181: {  	v1 =	vld [tilespmem:s15+$0x0];
	_ =	sdelay $0x4  }
0x182: {  	v0 =	vsub.f32 v1, v0;
	_ =	sdelay $0x1  }
0x183: {  	[tilespmem:s7+$0x0] =	vst v0;
	v0 =	vld [tilespmem:s7+$0x10]  }
0x184: {  	v1 =	vld [tilespmem:s15+$0x10];
	_ =	sdelay $0x4  }
0x185: {  	v0 =	vsub.f32 v1, v0;
	_ =	sdelay $0x1  }
0x186: {  	[tilespmem:s7+$0x10] =	vst v0;
	v0 =	vld [tilespmem:s7+$0x20]  }
0x187: {  	v1 =	vld [tilespmem:s15+$0x20];
	_ =	sdelay $0x4  }
0x188: {  	v0 =	vsub.f32 v1, v0;
	_ =	sdelay $0x1  }
0x189: {  	[tilespmem:s7+$0x20] =	vst v0;
	v0 =	vld [tilespmem:s7+$0x30]  }
0x18a: {  	v1 =	vld [tilespmem:s15+$0x30];
	_ =	sdelay $0x4  }
0x18b: {  	v0 =	vsub.f32 v1, v0;
	_ =	sdelay $0x1  }
0x18c: {  	[tilespmem:s7+$0x30] =	vst v0;
	v0 =	vld [tilespmem:s7+$0x40]  }
0x18d: {  	v1 =	vld [tilespmem:s15+$0x40];
	_ =	sdelay $0x4  }
0x18e: {  	v0 =	vsub.f32 v1, v0;
	_ =	sdelay $0x1  }
0x18f: {  	[tilespmem:s7+$0x40] =	vst v0;
	v0 =	vld [tilespmem:s7+$0x50]  }
0x190: {  	v1 =	vld [tilespmem:s15+$0x50];
	_ =	sdelay $0x4  }
0x191: {  	v0 =	vsub.f32 v1, v0;
	_ =	sdelay $0x1  }
0x192: {  	[tilespmem:s7+$0x50] =	vst v0;
	v0 =	vld [tilespmem:s7+$0x60]  }
0x193: {  	v1 =	vld [tilespmem:s15+$0x60];
	_ =	sdelay $0x4  }
0x194: {  	v0 =	vsub.f32 v1, v0;
	_ =	sdelay $0x1  }
0x195: {  	[tilespmem:s7+$0x60] =	vst v0;
	v0 =	vld [tilespmem:s7+$0x70]  }
0x196: {  	v1 =	vld [tilespmem:s15+$0x70];
	_ =	sdelay $0x4  }
0x197: {  	v0 =	vsub.f32 v1, v0  }
0x198: {  	s11 =	simm.s32 $0x0;
	s12 =	simm.s32 $0x11080  }
.LBB2_10:
0x199: {  	v1 =	vld [tilespmem:s12+$0xFFFFFF80];
	[tilespmem:s7+$0x70] =	vst v0;
	s15 =	sadd.s32 $0x100, s15;
	s7 =	smov.u32 s12  }
0x19a: {  	s11 =	sadd.s32 $0x2, s11;
	v0 =	vld [tilespmem:s15+$0xFFFFFF80]  }
0x19b: {  	p0 =	slt.u32 s11, $0xE;
	_ =	sdelay $0x3  }
0x19c: {  	v0 =	vsub.f32 v0, v1;
	_ =	sdelay $0x1  }
0x19d: {  	[tilespmem:s12+$0xFFFFFF80] =	vst v0;
	v0 =	vld [tilespmem:s12+$0xFFFFFF90]  }
0x19e: {  	v1 =	vld [tilespmem:s15+$0xFFFFFF90];
	_ =	sdelay $0x4  }
0x19f: {  	v0 =	vsub.f32 v1, v0;
	_ =	sdelay $0x1  }
0x1a0: {  	[tilespmem:s12+$0xFFFFFF90] =	vst v0;
	v0 =	vld [tilespmem:s12+$0xFFFFFFA0]  }
0x1a1: {  	v1 =	vld [tilespmem:s15+$0xFFFFFFA0];
	_ =	sdelay $0x4  }
0x1a2: {  	v0 =	vsub.f32 v1, v0;
	_ =	sdelay $0x1  }
0x1a3: {  	[tilespmem:s12+$0xFFFFFFA0] =	vst v0;
	v0 =	vld [tilespmem:s12+$0xFFFFFFB0]  }
0x1a4: {  	v1 =	vld [tilespmem:s15+$0xFFFFFFB0];
	_ =	sdelay $0x4  }
0x1a5: {  	v0 =	vsub.f32 v1, v0;
	_ =	sdelay $0x1  }
0x1a6: {  	[tilespmem:s12+$0xFFFFFFB0] =	vst v0;
	v0 =	vld [tilespmem:s12+$0xFFFFFFC0]  }
0x1a7: {  	v1 =	vld [tilespmem:s15+$0xFFFFFFC0];
	_ =	sdelay $0x4  }
0x1a8: {  	v0 =	vsub.f32 v1, v0;
	_ =	sdelay $0x1  }
0x1a9: {  	[tilespmem:s12+$0xFFFFFFC0] =	vst v0;
	v0 =	vld [tilespmem:s12+$0xFFFFFFD0]  }
0x1aa: {  	v1 =	vld [tilespmem:s15+$0xFFFFFFD0];
	_ =	sdelay $0x4  }
0x1ab: {  	v0 =	vsub.f32 v1, v0;
	_ =	sdelay $0x1  }
0x1ac: {  	[tilespmem:s12+$0xFFFFFFD0] =	vst v0;
	v0 =	vld [tilespmem:s12+$0xFFFFFFE0]  }
0x1ad: {  	v1 =	vld [tilespmem:s15+$0xFFFFFFE0];
	_ =	sdelay $0x4  }
0x1ae: {  	v0 =	vsub.f32 v1, v0;
	_ =	sdelay $0x1  }
0x1af: {  	[tilespmem:s12+$0xFFFFFFE0] =	vst v0;
	v0 =	vld [tilespmem:s12+$0xFFFFFFF0]  }
0x1b0: {  	v1 =	vld [tilespmem:s15+$0xFFFFFFF0];
	_ =	sdelay $0x4  }
0x1b1: {  	v0 =	vsub.f32 v1, v0;
	_ =	sdelay $0x1  }
0x1b2: {  	[tilespmem:s12+$0xFFFFFFF0] =	vst v0;
	v0 =	vld [tilespmem:s12+$0x0]  }
0x1b3: {  	v1 =	vld [tilespmem:s15+$0x0];
	_ =	sdelay $0x4  }
0x1b4: {  	v0 =	vsub.f32 v1, v0;
	_ =	sdelay $0x1  }
0x1b5: {  	[tilespmem:s12+$0x0] =	vst v0;
	v0 =	vld [tilespmem:s12+$0x10]  }
0x1b6: {  	v1 =	vld [tilespmem:s15+$0x10];
	_ =	sdelay $0x4  }
0x1b7: {  	v0 =	vsub.f32 v1, v0;
	_ =	sdelay $0x1  }
0x1b8: {  	[tilespmem:s12+$0x10] =	vst v0;
	v0 =	vld [tilespmem:s12+$0x20]  }
0x1b9: {  	v1 =	vld [tilespmem:s15+$0x20];
	_ =	sdelay $0x4  }
0x1ba: {  	v0 =	vsub.f32 v1, v0;
	_ =	sdelay $0x1  }
0x1bb: {  	[tilespmem:s12+$0x20] =	vst v0;
	v0 =	vld [tilespmem:s12+$0x30]  }
0x1bc: {  	v1 =	vld [tilespmem:s15+$0x30];
	_ =	sdelay $0x4  }
0x1bd: {  	v0 =	vsub.f32 v1, v0;
	_ =	sdelay $0x1  }
0x1be: {  	[tilespmem:s12+$0x30] =	vst v0;
	v0 =	vld [tilespmem:s12+$0x40]  }
0x1bf: {  	v1 =	vld [tilespmem:s15+$0x40];
	_ =	sdelay $0x4  }
0x1c0: {  	v0 =	vsub.f32 v1, v0;
	_ =	sdelay $0x1  }
0x1c1: {  	[tilespmem:s12+$0x40] =	vst v0;
	v0 =	vld [tilespmem:s12+$0x50]  }
0x1c2: {  	v1 =	vld [tilespmem:s15+$0x50];
	_ =	sdelay $0x4  }
0x1c3: {  	v0 =	vsub.f32 v1, v0;
	_ =	sdelay $0x1  }
0x1c4: {  	[tilespmem:s12+$0x50] =	vst v0;
	v0 =	vld [tilespmem:s12+$0x60]  }
0x1c5: {  	v1 =	vld [tilespmem:s15+$0x60];
	_ =	sdelay $0x4  }
0x1c6: {  	v0 =	vsub.f32 v1, v0;
	_ =	sdelay $0x1  }
0x1c7: {  	[tilespmem:s12+$0x60] =	vst v0;
	v0 =	vld [tilespmem:s12+$0x70]  }
0x1c8: {  	v1 =	vld [tilespmem:s15+$0x70];
	_ =	sdelay $0x1  }
.Ltmp4:
0x1c9: {  	(pc) =	sbr.rel @p0 .LBB2_10-.Ltmp4, $3  }
0x1ca: {  	_ =	sdelay $0x1  }
0x1cb: {  	v0 =	vsub.f32 v1, v0  }
0x1cc: {  	s12 =	sadd.s32 $0x100, s12  }
0x1cd: {  	[tilespmem:s7+$0x70] =	vst v0;
	s13 =	rddreg [dreg:$0x5]  }
0x1ce: {  	[hbm4b:s13+s28] =	stream.strided.scatter [tilespmem:s18], [sflag:$0x4], $0x800, s29, s28, $0x38;
	[tilespmem:$0x1CF00] =	vst v63  }
0x1cf: {  	s15 =	rddreg [dreg:$0x6]  }
0x1d0: {  	[hbm4b:s15+s28] =	stream.strided.scatter [tilespmem:s17], [sflag:$0x4], $0x800, s29, s28, $0x38;
	[tilespmem:$0x1CF00] =	vst v63  }
0x1d1: {  	_ =	swait.ge [sflag:s2], $0x800  }
0x1d2: {  	[sflag:s2] =	ssyncset.done $0x0  }
0x1d3: {  	[sflag:s2] =	ssyncadd.s32 $0xFFFFF800  }
0x1d4: {  	_ =	swait.ge [sflag:s2], $0x800  }
0x1d5: {  	s22 =	sadd.s32 $0x1, s22;
	s24 =	rddreg [dreg:$0x7]  }
0x1d6: {  	p0 =	sne.s32 s22, s24  }
.Ltmp5:
0x1d7: {  	_ = 	snop;
	(pc) =	sbr.rel @p0 .LBB2_1-.Ltmp5, $3  }
0x1d8: {  	_ =	sdelay $0x1  }
0x1d9: {  	[sflag:s2] =	ssyncset.done $0x0  }
0x1da: {  	[sflag:s2] =	ssyncadd.s32 $0xFFFFF800  }
0x1db: {  	_ =	sfence.sel $0x180000  }
0x1dc: {  	[bflag:$0x0] =	sbarrier.arrive $0xFFFF  }
0x1dd: {  	_ =	strace $0x90000047  }
0x1de: {  	s0 =	stileid.u32;
	[bflag:$0x2] =	sbarrier.arrive $0xFFFF  }
0x1df: {  	p0 =	sne.s32 s0, $0x0;
	s0 =	rddreg [dreg:$0x3]  }
0x1e0: {  	s0 =	sadd.s32 @!p0 $0x100000, s0  }
0x1e1: {  	[sflag:s0] =	ssyncadd.tile.s32 @!p0 $0x1;
	_ =	shalt  }
.Lfunc_end2:
_tile_overlayer_lowered:
.L_overlay_start_2:
0x1e2: {  	(tag) =	ssettag $0x2  }
0x1e3: {  	s0 =	rddreg [dreg:$0x0];
	s2 =	stileid.u32  }
0x1e4: {  	s1 =	rddreg [dreg:$0x1];
	p0 =	sne.s32 s2, $0x0  }
0x1e5: {  	s3 =	rddreg [dreg:$0x2];
	[bflag:$0x3] =	sbarrier.arrive $0xFFFF;
	s2 =	simm.s32 @!p0 $0x1C07  }
0x1e6: {  	[timem:s3], [sflag:s2] =	dma.local @!p0 [hbm:s0], s1  }
0x1e7: {  	s0 =	simm.s32 @!p0 $0x7  }
0x1e8: {  	_ =	swait.ge @!p0 [sflag:s0], s1  }
0x1e9: {  	s1 =	ssub.s32 @!p0 $0x0, s1;
	[sflag:s0] =	ssyncset.done @!p0 $0x0  }
0x1ea: {  	[sflag:s0] =	ssyncadd.s32 @!p0 s1  }
0x1eb: {  	[bflag:$0x3] =	sbarrier.arrive $0xFFFF  }
0x1ec: {  	_ =	shalt  }

</sc_bundles>
